<compile_context>
chip_gen: v7x
topology: tpu7x:2x2x1
jax: 0.10.2.dev20260603
libtpu: 0.0.44.dev20260713+nightly
codegen_flags: <defaults>
</compile_context>

<pallas_src>
import functools

import jax
import jax.numpy as jnp
from jax import lax
from jax.experimental import pallas as pl
from jax.experimental.pallas import tpu as pltpu
from jax.experimental.pallas import tpu_sc as plsc

NC = 2
NS = 16
NW = NC * NS
BW = 512


@functools.partial(jax.jit, static_argnums=(0, 1, 2, 3))
def _run(B, F, E, NF, xf, vf, wt):
    ntile = B // 128
    nbt = BW // 128
    ET = E // 8
    mesh = plsc.VectorSubcoreMesh(
        core_axis_name="c", subcore_axis_name="s",
        num_cores=NC, num_subcores=NS)

    @functools.partial(
        pl.kernel,
        out_type=jax.ShapeDtypeStruct((F * ET * ntile, 8, 128),
                                      jnp.float32),
        mesh=mesh,
        scratch_types=[
            pltpu.VMEM((F * BW,), jnp.int32),
            pltpu.VMEM((F * BW,), jnp.float32),
            pltpu.VMEM((E, BW), jnp.float32),
            pltpu.SemaphoreType.DMA,
            pltpu.SemaphoreType.DMA,
            pltpu.SemaphoreType.DMA,
        ],
        compiler_params=pltpu.CompilerParams(use_tc_tiling_on_sc=False),
    )
    def emb_kernel(xf_hbm, vf_hbm, wt_hbm, out_hbm,
                   idx_all, v_all, stg, sem_l, sem_g, sem_o):
        wid = lax.axis_index("s") * NC + lax.axis_index("c")
        b0 = wid * BW

        for f in range(F):
            pltpu.async_copy(xf_hbm.at[pl.ds(f * B + b0, BW)],
                             idx_all.at[pl.ds(f * BW, BW)], sem_l)
            pltpu.async_copy(vf_hbm.at[pl.ds(f * B + b0, BW)],
                             v_all.at[pl.ds(f * BW, BW)], sem_l)
        pltpu.make_async_copy(xf_hbm.at[pl.ds(0, F * BW)], idx_all,
                              sem_l).wait()
        pltpu.make_async_copy(vf_hbm.at[pl.ds(0, F * BW)], v_all,
                              sem_l).wait()

        def f_body(f, carry):
            idx_f = idx_all.at[pl.ds(f * BW, BW)]
            descs = []
            for e in range(E):
                descs.append(pltpu.async_copy(
                    wt_hbm.at[e].at[idx_f], stg.at[e], sem_g))
            for d in descs:
                d.wait()

            def scale_body(g, carry2):
                vvec = v_all[pl.ds(f * BW + g * 16, 16)]
                for e in range(E):
                    stg[e, pl.ds(g * 16, 16)] = (
                        stg[e, pl.ds(g * 16, 16)] * vvec)
                return carry2

            lax.fori_loop(0, BW // 16, scale_body, 0)

            odescs = []
            for et in range(ET):
                for k in range(nbt):
                    base = (f * ET + et) * ntile + wid * nbt + k
                    odescs.append(pltpu.async_copy(
                        stg.at[pl.ds(et * 8, 8), pl.ds(k * 128, 128)],
                        out_hbm.at[base],
                        sem_o))
            for d in odescs:
                d.wait()
            return carry

        lax.fori_loop(0, F, f_body, 0)

    return emb_kernel(xf, vf, wt)


def kernel(x, v, W):
    B, F = x.shape
    NF, E = W.shape
    xf = x.T.reshape(B * F)
    vf = v.T.reshape(B * F)
    wt = W.T
    out_lin = _run(B, F, E, NF, xf, vf, wt)
    out5 = out_lin.reshape(F, E // 8, B // 128, 8, 128)
    return out5.transpose(2, 4, 0, 1, 3).reshape(B, F, E)

# --- scband reference (transcript-rebuilt; emitter-appended) ---
"""Pipeline reference for scband-embedding-78941498900777 (READ-ONLY COPY).

The authoritative reference and input builder live on the scoring server;
editing this copy changes nothing except your own understanding.
"""

import jax, jax.numpy as jnp
import numpy as np

NFEAT = 1000000
NEMB = 16
BATCH = 16384
NFIELD = 26

def setup_inputs(seed: int = 0) -> dict:
    key = jax.random.key(seed)
    k1, k2, k3 = jax.random.split(key, 3)
    x = jax.random.randint(k1, (BATCH, NFIELD), 0, NFEAT, dtype=jnp.int64 if jax.config.jax_enable_x64 else jnp.int32).astype(jnp.int32)
    v = jax.random.uniform(k2, (BATCH, NFIELD), dtype=jnp.float32)
    # xavier uniform init for embedding table: bound = sqrt(6/(fan_in+fan_out))
    bound = float(np.sqrt(6.0 / (NFEAT + NEMB)))
    W = jax.random.uniform(k3, (NFEAT, NEMB), minval=-bound, maxval=bound, dtype=jnp.float32)
    return {"x": x, "v": v, "W": W}

def reference(x, v, W):
    # emb = embedding(x): gather rows of W
    emb = jnp.take(W, x, axis=0)  # [B, nfield, nemb]
    emb = emb * v[:, :, None]
    return emb

if __name__ == "__main__":
    import jax
    _d = setup_inputs()
    print(jax.jit(kernel)(*tuple(_d.values())))

</pallas_src>

<mosaic_0001>
#map = affine_map<(d0, d1) -> (0)>
#map1 = affine_map<(d0, d1) -> (0, 0)>
#map2 = affine_map<(d0, d1) -> (0, 0, 0)>
module attributes {stable_mosaic.version = 14 : i64} {
  func.func @emb_kernel(%arg0: i32, %arg1: i32, %arg2: memref<425984xi32, #tpu.memory_space<hbm>>, %arg3: memref<425984xf32, #tpu.memory_space<hbm>>, %arg4: memref<16x1000000xf32, #tpu.memory_space<hbm>>, %arg5: memref<6656x8x128xf32, #tpu.memory_space<hbm>>, %arg6: memref<13312xi32, #tpu.memory_space<vmem>>, %arg7: memref<13312xf32, #tpu.memory_space<vmem>>, %arg8: memref<16x512xf32, #tpu.memory_space<vmem>>, %arg9: memref<!tpu.dma_semaphore, #tpu.memory_space<semaphore_mem>>, %arg10: memref<!tpu.dma_semaphore, #tpu.memory_space<semaphore_mem>>, %arg11: memref<!tpu.dma_semaphore, #tpu.memory_space<semaphore_mem>>) attributes {dimension_semantics = [#tpu.dimension_semantics<core_parallel>, #tpu.dimension_semantics<subcore_parallel>], iteration_bounds = array<i64: 2, 16>, scalar_prefetch = 0 : i64, scratch_operands = 6 : i64, tpu.core_type = #tpu.core_type<sc_vector_subcore>, window_params = [{transform_indices = #map}, {transform_indices = #map}, {transform_indices = #map1}, {transform_indices = #map2}]} {
    %mul3A = arith.constant 2 : i32
    %mul3A_0 = arith.muli %arg1, %mul3A : i32
    %add3A = arith.addi %mul3A_0, %arg0 : i32
    %mul3A_1 = arith.constant 512 : i32
    %mul3A_2 = arith.muli %add3A, %mul3A_1 : i32
    %add3A_3 = arith.constant 0 : i32
    %add3A_4 = arith.addi %add3A_3, %mul3A_2 : i32
    %dma_start3A = arith.constant 0 : i32
    %dma_start3A_5 = tpu.memref_slice %arg6[%dma_start3A] : memref<13312xi32, #tpu.memory_space<vmem>> -> memref<512xi32, #tpu.memory_space<vmem>>
    %dma_start3A_6 = tpu.memref_slice %arg2[%add3A_4] : memref<425984xi32, #tpu.memory_space<hbm>> -> memref<512xi32, #tpu.memory_space<hbm>>
    %dma_start3A_7 = arith.constant 0 : i32
    %dma_start3A_8 = tpu.memref_slice %arg6[%dma_start3A_7] : memref<13312xi32, #tpu.memory_space<vmem>> -> memref<512xi32, #tpu.memory_space<vmem>>
    %dma_start3A_9 = tpu.memref_slice %arg2[%add3A_4] : memref<425984xi32, #tpu.memory_space<hbm>> -> memref<512xi32, #tpu.memory_space<hbm>>
    tpu.enqueue_dma source(%dma_start3A_9 : memref<512xi32, #tpu.memory_space<hbm>>) target(%dma_start3A_8 : memref<512xi32, #tpu.memory_space<vmem>>) target_semaphore(%arg9 : memref<!tpu.dma_semaphore, #tpu.memory_space<semaphore_mem>>)
    %add3A_10 = arith.constant 0 : i32
    %add3A_11 = arith.addi %add3A_10, %mul3A_2 : i32
    %dma_start3A_12 = arith.constant 0 : i32
    %dma_start3A_13 = tpu.memref_slice %arg7[%dma_start3A_12] : memref<13312xf32, #tpu.memory_space<vmem>> -> memref<512xf32, #tpu.memory_space<vmem>>
    %dma_start3A_14 = tpu.memref_slice %arg3[%add3A_11] : memref<425984xf32, #tpu.memory_space<hbm>> -> memref<512xf32, #tpu.memory_space<hbm>>
    %dma_start3A_15 = arith.constant 0 : i32
    %dma_start3A_16 = tpu.memref_slice %arg7[%dma_start3A_15] : memref<13312xf32, #tpu.memory_space<vmem>> -> memref<512xf32, #tpu.memory_space<vmem>>
    %dma_start3A_17 = tpu.memref_slice %arg3[%add3A_11] : memref<425984xf32, #tpu.memory_space<hbm>> -> memref<512xf32, #tpu.memory_space<hbm>>
    tpu.enqueue_dma source(%dma_start3A_17 : memref<512xf32, #tpu.memory_space<hbm>>) target(%dma_start3A_16 : memref<512xf32, #tpu.memory_space<vmem>>) target_semaphore(%arg9 : memref<!tpu.dma_semaphore, #tpu.memory_space<semaphore_mem>>)
    %add3A_18 = arith.constant 16384 : i32
    %add3A_19 = arith.addi %add3A_18, %mul3A_2 : i32
    %dma_start3A_20 = arith.constant 512 : i32
    %dma_start3A_21 = tpu.memref_slice %arg6[%dma_start3A_20] : memref<13312xi32, #tpu.memory_space<vmem>> -> memref<512xi32, #tpu.memory_space<vmem>>
    %dma_start3A_22 = tpu.memref_slice %arg2[%add3A_19] : memref<425984xi32, #tpu.memory_space<hbm>> -> memref<512xi32, #tpu.memory_space<hbm>>
    %dma_start3A_23 = arith.constant 512 : i32
    %dma_start3A_24 = tpu.memref_slice %arg6[%dma_start3A_23] : memref<13312xi32, #tpu.memory_space<vmem>> -> memref<512xi32, #tpu.memory_space<vmem>>
    %dma_start3A_25 = tpu.memref_slice %arg2[%add3A_19] : memref<425984xi32, #tpu.memory_space<hbm>> -> memref<512xi32, #tpu.memory_space<hbm>>
    tpu.enqueue_dma source(%dma_start3A_25 : memref<512xi32, #tpu.memory_space<hbm>>) target(%dma_start3A_24 : memref<512xi32, #tpu.memory_space<vmem>>) target_semaphore(%arg9 : memref<!tpu.dma_semaphore, #tpu.memory_space<semaphore_mem>>)
    %add3A_26 = arith.constant 16384 : i32
    %add3A_27 = arith.addi %add3A_26, %mul3A_2 : i32
    %dma_start3A_28 = arith.constant 512 : i32
    %dma_start3A_29 = tpu.memref_slice %arg7[%dma_start3A_28] : memref<13312xf32, #tpu.memory_space<vmem>> -> memref<512xf32, #tpu.memory_space<vmem>>
    %dma_start3A_30 = tpu.memref_slice %arg3[%add3A_27] : memref<425984xf32, #tpu.memory_space<hbm>> -> memref<512xf32, #tpu.memory_space<hbm>>
    %dma_start3A_31 = arith.constant 512 : i32
    %dma_start3A_32 = tpu.memref_slice %arg7[%dma_start3A_31] : memref<13312xf32, #tpu.memory_space<vmem>> -> memref<512xf32, #tpu.memory_space<vmem>>
    %dma_start3A_33 = tpu.memref_slice %arg3[%add3A_27] : memref<425984xf32, #tpu.memory_space<hbm>> -> memref<512xf32, #tpu.memory_space<hbm>>
    tpu.enqueue_dma source(%dma_start3A_33 : memref<512xf32, #tpu.memory_space<hbm>>) target(%dma_start3A_32 : memref<512xf32, #tpu.memory_space<vmem>>) target_semaphore(%arg9 : memref<!tpu.dma_semaphore, #tpu.memory_space<semaphore_mem>>)
    %add3A_34 = arith.constant 32768 : i32
    %add3A_35 = arith.addi %add3A_34, %mul3A_2 : i32
    %dma_start3A_36 = arith.constant 1024 : i32
    %dma_start3A_37 = tpu.memref_slice %arg6[%dma_start3A_36] : memref<13312xi32, #tpu.memory_space<vmem>> -> memref<512xi32, #tpu.memory_space<vmem>>
    %dma_start3A_38 = tpu.memref_slice %arg2[%add3A_35] : memref<425984xi32, #tpu.memory_space<hbm>> -> memref<512xi32, #tpu.memory_space<hbm>>
    %dma_start3A_39 = arith.constant 1024 : i32
    %dma_start3A_40 = tpu.memref_slice %arg6[%dma_start3A_39] : memref<13312xi32, #tpu.memory_space<vmem>> -> memref<512xi32, #tpu.memory_space<vmem>>
    %dma_start3A_41 = tpu.memref_slice %arg2[%add3A_35] : memref<425984xi32, #tpu.memory_space<hbm>> -> memref<512xi32, #tpu.memory_space<hbm>>
    tpu.enqueue_dma source(%dma_start3A_41 : memref<512xi32, #tpu.memory_space<hbm>>) target(%dma_start3A_40 : memref<512xi32, #tpu.memory_space<vmem>>) target_semaphore(%arg9 : memref<!tpu.dma_semaphore, #tpu.memory_space<semaphore_mem>>)
    %add3A_42 = arith.constant 32768 : i32
    %add3A_43 = arith.addi %add3A_42, %mul3A_2 : i32
    %dma_start3A_44 = arith.constant 1024 : i32
    %dma_start3A_45 = tpu.memref_slice %arg7[%dma_start3A_44] : memref<13312xf32, #tpu.memory_space<vmem>> -> memref<512xf32, #tpu.memory_space<vmem>>
    %dma_start3A_46 = tpu.memref_slice %arg3[%add3A_43] : memref<425984xf32, #tpu.memory_space<hbm>> -> memref<512xf32, #tpu.memory_space<hbm>>
    %dma_start3A_47 = arith.constant 1024 : i32
    %dma_start3A_48 = tpu.memref_slice %arg7[%dma_start3A_47] : memref<13312xf32, #tpu.memory_space<vmem>> -> memref<512xf32, #tpu.memory_space<vmem>>
    %dma_start3A_49 = tpu.memref_slice %arg3[%add3A_43] : memref<425984xf32, #tpu.memory_space<hbm>> -> memref<512xf32, #tpu.memory_space<hbm>>
    tpu.enqueue_dma source(%dma_start3A_49 : memref<512xf32, #tpu.memory_space<hbm>>) target(%dma_start3A_48 : memref<512xf32, #tpu.memory_space<vmem>>) target_semaphore(%arg9 : memref<!tpu.dma_semaphore, #tpu.memory_space<semaphore_mem>>)
    %add3A_50 = arith.constant 49152 : i32
    %add3A_51 = arith.addi %add3A_50, %mul3A_2 : i32
    %dma_start3A_52 = arith.constant 1536 : i32
    %dma_start3A_53 = tpu.memref_slice %arg6[%dma_start3A_52] : memref<13312xi32, #tpu.memory_space<vmem>> -> memref<512xi32, #tpu.memory_space<vmem>>
    %dma_start3A_54 = tpu.memref_slice %arg2[%add3A_51] : memref<425984xi32, #tpu.memory_space<hbm>> -> memref<512xi32, #tpu.memory_space<hbm>>
    %dma_start3A_55 = arith.constant 1536 : i32
    %dma_start3A_56 = tpu.memref_slice %arg6[%dma_start3A_55] : memref<13312xi32, #tpu.memory_space<vmem>> -> memref<512xi32, #tpu.memory_space<vmem>>
    %dma_start3A_57 = tpu.memref_slice %arg2[%add3A_51] : memref<425984xi32, #tpu.memory_space<hbm>> -> memref<512xi32, #tpu.memory_space<hbm>>
    tpu.enqueue_dma source(%dma_start3A_57 : memref<512xi32, #tpu.memory_space<hbm>>) target(%dma_start3A_56 : memref<512xi32, #tpu.memory_space<vmem>>) target_semaphore(%arg9 : memref<!tpu.dma_semaphore, #tpu.memory_space<semaphore_mem>>)
    %add3A_58 = arith.constant 49152 : i32
    %add3A_59 = arith.addi %add3A_58, %mul3A_2 : i32
    %dma_start3A_60 = arith.constant 1536 : i32
    %dma_start3A_61 = tpu.memref_slice %arg7[%dma_start3A_60] : memref<13312xf32, #tpu.memory_space<vmem>> -> memref<512xf32, #tpu.memory_space<vmem>>
    %dma_start3A_62 = tpu.memref_slice %arg3[%add3A_59] : memref<425984xf32, #tpu.memory_space<hbm>> -> memref<512xf32, #tpu.memory_space<hbm>>
    %dma_start3A_63 = arith.constant 1536 : i32
    %dma_start3A_64 = tpu.memref_slice %arg7[%dma_start3A_63] : memref<13312xf32, #tpu.memory_space<vmem>> -> memref<512xf32, #tpu.memory_space<vmem>>
    %dma_start3A_65 = tpu.memref_slice %arg3[%add3A_59] : memref<425984xf32, #tpu.memory_space<hbm>> -> memref<512xf32, #tpu.memory_space<hbm>>
    tpu.enqueue_dma source(%dma_start3A_65 : memref<512xf32, #tpu.memory_space<hbm>>) target(%dma_start3A_64 : memref<512xf32, #tpu.memory_space<vmem>>) target_semaphore(%arg9 : memref<!tpu.dma_semaphore, #tpu.memory_space<semaphore_mem>>)
    %add3A_66 = arith.constant 65536 : i32
    %add3A_67 = arith.addi %add3A_66, %mul3A_2 : i32
    %dma_start3A_68 = arith.constant 2048 : i32
    %dma_start3A_69 = tpu.memref_slice %arg6[%dma_start3A_68] : memref<13312xi32, #tpu.memory_space<vmem>> -> memref<512xi32, #tpu.memory_space<vmem>>
    %dma_start3A_70 = tpu.memref_slice %arg2[%add3A_67] : memref<425984xi32, #tpu.memory_space<hbm>> -> memref<512xi32, #tpu.memory_space<hbm>>
    %dma_start3A_71 = arith.constant 2048 : i32
    %dma_start3A_72 = tpu.memref_slice %arg6[%dma_start3A_71] : memref<13312xi32, #tpu.memory_space<vmem>> -> memref<512xi32, #tpu.memory_space<vmem>>
    %dma_start3A_73 = tpu.memref_slice %arg2[%add3A_67] : memref<425984xi32, #tpu.memory_space<hbm>> -> memref<512xi32, #tpu.memory_space<hbm>>
    tpu.enqueue_dma source(%dma_start3A_73 : memref<512xi32, #tpu.memory_space<hbm>>) target(%dma_start3A_72 : memref<512xi32, #tpu.memory_space<vmem>>) target_semaphore(%arg9 : memref<!tpu.dma_semaphore, #tpu.memory_space<semaphore_mem>>)
    %add3A_74 = arith.constant 65536 : i32
    %add3A_75 = arith.addi %add3A_74, %mul3A_2 : i32
    %dma_start3A_76 = arith.constant 2048 : i32
    %dma_start3A_77 = tpu.memref_slice %arg7[%dma_start3A_76] : memref<13312xf32, #tpu.memory_space<vmem>> -> memref<512xf32, #tpu.memory_space<vmem>>
    %dma_start3A_78 = tpu.memref_slice %arg3[%add3A_75] : memref<425984xf32, #tpu.memory_space<hbm>> -> memref<512xf32, #tpu.memory_space<hbm>>
    %dma_start3A_79 = arith.constant 2048 : i32
    %dma_start3A_80 = tpu.memref_slice %arg7[%dma_start3A_79] : memref<13312xf32, #tpu.memory_space<vmem>> -> memref<512xf32, #tpu.memory_space<vmem>>
    %dma_start3A_81 = tpu.memref_slice %arg3[%add3A_75] : memref<425984xf32, #tpu.memory_space<hbm>> -> memref<512xf32, #tpu.memory_space<hbm>>
    tpu.enqueue_dma source(%dma_start3A_81 : memref<512xf32, #tpu.memory_space<hbm>>) target(%dma_start3A_80 : memref<512xf32, #tpu.memory_space<vmem>>) target_semaphore(%arg9 : memref<!tpu.dma_semaphore, #tpu.memory_space<semaphore_mem>>)
    %add3A_82 = arith.constant 81920 : i32
    %add3A_83 = arith.addi %add3A_82, %mul3A_2 : i32
    %dma_start3A_84 = arith.constant 2560 : i32
    %dma_start3A_85 = tpu.memref_slice %arg6[%dma_start3A_84] : memref<13312xi32, #tpu.memory_space<vmem>> -> memref<512xi32, #tpu.memory_space<vmem>>
    %dma_start3A_86 = tpu.memref_slice %arg2[%add3A_83] : memref<425984xi32, #tpu.memory_space<hbm>> -> memref<512xi32, #tpu.memory_space<hbm>>
    %dma_start3A_87 = arith.constant 2560 : i32
    %dma_start3A_88 = tpu.memref_slice %arg6[%dma_start3A_87] : memref<13312xi32, #tpu.memory_space<vmem>> -> memref<512xi32, #tpu.memory_space<vmem>>
    %dma_start3A_89 = tpu.memref_slice %arg2[%add3A_83] : memref<425984xi32, #tpu.memory_space<hbm>> -> memref<512xi32, #tpu.memory_space<hbm>>
    tpu.enqueue_dma source(%dma_start3A_89 : memref<512xi32, #tpu.memory_space<hbm>>) target(%dma_start3A_88 : memref<512xi32, #tpu.memory_space<vmem>>) target_semaphore(%arg9 : memref<!tpu.dma_semaphore, #tpu.memory_space<semaphore_mem>>)
    %add3A_90 = arith.constant 81920 : i32
    %add3A_91 = arith.addi %add3A_90, %mul3A_2 : i32
    %dma_start3A_92 = arith.constant 2560 : i32
    %dma_start3A_93 = tpu.memref_slice %arg7[%dma_start3A_92] : memref<13312xf32, #tpu.memory_space<vmem>> -> memref<512xf32, #tpu.memory_space<vmem>>
    %dma_start3A_94 = tpu.memref_slice %arg3[%add3A_91] : memref<425984xf32, #tpu.memory_space<hbm>> -> memref<512xf32, #tpu.memory_space<hbm>>
    %dma_start3A_95 = arith.constant 2560 : i32
    %dma_start3A_96 = tpu.memref_slice %arg7[%dma_start3A_95] : memref<13312xf32, #tpu.memory_space<vmem>> -> memref<512xf32, #tpu.memory_space<vmem>>
    %dma_start3A_97 = tpu.memref_slice %arg3[%add3A_91] : memref<425984xf32, #tpu.memory_space<hbm>> -> memref<512xf32, #tpu.memory_space<hbm>>
    tpu.enqueue_dma source(%dma_start3A_97 : memref<512xf32, #tpu.memory_space<hbm>>) target(%dma_start3A_96 : memref<512xf32, #tpu.memory_space<vmem>>) target_semaphore(%arg9 : memref<!tpu.dma_semaphore, #tpu.memory_space<semaphore_mem>>)
    %add3A_98 = arith.constant 98304 : i32
    %add3A_99 = arith.addi %add3A_98, %mul3A_2 : i32
    %dma_start3A_100 = arith.constant 3072 : i32
    %dma_start3A_101 = tpu.memref_slice %arg6[%dma_start3A_100] : memref<13312xi32, #tpu.memory_space<vmem>> -> memref<512xi32, #tpu.memory_space<vmem>>
    %dma_start3A_102 = tpu.memref_slice %arg2[%add3A_99] : memref<425984xi32, #tpu.memory_space<hbm>> -> memref<512xi32, #tpu.memory_space<hbm>>
    %dma_start3A_103 = arith.constant 3072 : i32
    %dma_start3A_104 = tpu.memref_slice %arg6[%dma_start3A_103] : memref<13312xi32, #tpu.memory_space<vmem>> -> memref<512xi32, #tpu.memory_space<vmem>>
    %dma_start3A_105 = tpu.memref_slice %arg2[%add3A_99] : memref<425984xi32, #tpu.memory_space<hbm>> -> memref<512xi32, #tpu.memory_space<hbm>>
    tpu.enqueue_dma source(%dma_start3A_105 : memref<512xi32, #tpu.memory_space<hbm>>) target(%dma_start3A_104 : memref<512xi32, #tpu.memory_space<vmem>>) target_semaphore(%arg9 : memref<!tpu.dma_semaphore, #tpu.memory_space<semaphore_mem>>)
    %add3A_106 = arith.constant 98304 : i32
    %add3A_107 = arith.addi %add3A_106, %mul3A_2 : i32
    %dma_start3A_108 = arith.constant 3072 : i32
    %dma_start3A_109 = tpu.memref_slice %arg7[%dma_start3A_108] : memref<13312xf32, #tpu.memory_space<vmem>> -> memref<512xf32, #tpu.memory_space<vmem>>
    %dma_start3A_110 = tpu.memref_slice %arg3[%add3A_107] : memref<425984xf32, #tpu.memory_space<hbm>> -> memref<512xf32, #tpu.memory_space<hbm>>
    %dma_start3A_111 = arith.constant 3072 : i32
    %dma_start3A_112 = tpu.memref_slice %arg7[%dma_start3A_111] : memref<13312xf32, #tpu.memory_space<vmem>> -> memref<512xf32, #tpu.memory_space<vmem>>
    %dma_start3A_113 = tpu.memref_slice %arg3[%add3A_107] : memref<425984xf32, #tpu.memory_space<hbm>> -> memref<512xf32, #tpu.memory_space<hbm>>
    tpu.enqueue_dma source(%dma_start3A_113 : memref<512xf32, #tpu.memory_space<hbm>>) target(%dma_start3A_112 : memref<512xf32, #tpu.memory_space<vmem>>) target_semaphore(%arg9 : memref<!tpu.dma_semaphore, #tpu.memory_space<semaphore_mem>>)
    %add3A_114 = arith.constant 114688 : i32
    %add3A_115 = arith.addi %add3A_114, %mul3A_2 : i32
    %dma_start3A_116 = arith.constant 3584 : i32
    %dma_start3A_117 = tpu.memref_slice %arg6[%dma_start3A_116] : memref<13312xi32, #tpu.memory_space<vmem>> -> memref<512xi32, #tpu.memory_space<vmem>>
    %dma_start3A_118 = tpu.memref_slice %arg2[%add3A_115] : memref<425984xi32, #tpu.memory_space<hbm>> -> memref<512xi32, #tpu.memory_space<hbm>>
    %dma_start3A_119 = arith.constant 3584 : i32
    %dma_start3A_120 = tpu.memref_slice %arg6[%dma_start3A_119] : memref<13312xi32, #tpu.memory_space<vmem>> -> memref<512xi32, #tpu.memory_space<vmem>>
    %dma_start3A_121 = tpu.memref_slice %arg2[%add3A_115] : memref<425984xi32, #tpu.memory_space<hbm>> -> memref<512xi32, #tpu.memory_space<hbm>>
    tpu.enqueue_dma source(%dma_start3A_121 : memref<512xi32, #tpu.memory_space<hbm>>) target(%dma_start3A_120 : memref<512xi32, #tpu.memory_space<vmem>>) target_semaphore(%arg9 : memref<!tpu.dma_semaphore, #tpu.memory_space<semaphore_mem>>)
    %add3A_122 = arith.constant 114688 : i32
    %add3A_123 = arith.addi %add3A_122, %mul3A_2 : i32
    %dma_start3A_124 = arith.constant 3584 : i32
    %dma_start3A_125 = tpu.memref_slice %arg7[%dma_start3A_124] : memref<13312xf32, #tpu.memory_space<vmem>> -> memref<512xf32, #tpu.memory_space<vmem>>
    %dma_start3A_126 = tpu.memref_slice %arg3[%add3A_123] : memref<425984xf32, #tpu.memory_space<hbm>> -> memref<512xf32, #tpu.memory_space<hbm>>
    %dma_start3A_127 = arith.constant 3584 : i32
    %dma_start3A_128 = tpu.memref_slice %arg7[%dma_start3A_127] : memref<13312xf32, #tpu.memory_space<vmem>> -> memref<512xf32, #tpu.memory_space<vmem>>
    %dma_start3A_129 = tpu.memref_slice %arg3[%add3A_123] : memref<425984xf32, #tpu.memory_space<hbm>> -> memref<512xf32, #tpu.memory_space<hbm>>
    tpu.enqueue_dma source(%dma_start3A_129 : memref<512xf32, #tpu.memory_space<hbm>>) target(%dma_start3A_128 : memref<512xf32, #tpu.memory_space<vmem>>) target_semaphore(%arg9 : memref<!tpu.dma_semaphore, #tpu.memory_space<semaphore_mem>>)
    %add3A_130 = arith.constant 131072 : i32
    %add3A_131 = arith.addi %add3A_130, %mul3A_2 : i32
    %dma_start3A_132 = arith.constant 4096 : i32
    %dma_start3A_133 = tpu.memref_slice %arg6[%dma_start3A_132] : memref<13312xi32, #tpu.memory_space<vmem>> -> memref<512xi32, #tpu.memory_space<vmem>>
    %dma_start3A_134 = tpu.memref_slice %arg2[%add3A_131] : memref<425984xi32, #tpu.memory_space<hbm>> -> memref<512xi32, #tpu.memory_space<hbm>>
    %dma_start3A_135 = arith.constant 4096 : i32
    %dma_start3A_136 = tpu.memref_slice %arg6[%dma_start3A_135] : memref<13312xi32, #tpu.memory_space<vmem>> -> memref<512xi32, #tpu.memory_space<vmem>>
    %dma_start3A_137 = tpu.memref_slice %arg2[%add3A_131] : memref<425984xi32, #tpu.memory_space<hbm>> -> memref<512xi32, #tpu.memory_space<hbm>>
    tpu.enqueue_dma source(%dma_start3A_137 : memref<512xi32, #tpu.memory_space<hbm>>) target(%dma_start3A_136 : memref<512xi32, #tpu.memory_space<vmem>>) target_semaphore(%arg9 : memref<!tpu.dma_semaphore, #tpu.memory_space<semaphore_mem>>)
    %add3A_138 = arith.constant 131072 : i32
    %add3A_139 = arith.addi %add3A_138, %mul3A_2 : i32
    %dma_start3A_140 = arith.constant 4096 : i32
    %dma_start3A_141 = tpu.memref_slice %arg7[%dma_start3A_140] : memref<13312xf32, #tpu.memory_space<vmem>> -> memref<512xf32, #tpu.memory_space<vmem>>
    %dma_start3A_142 = tpu.memref_slice %arg3[%add3A_139] : memref<425984xf32, #tpu.memory_space<hbm>> -> memref<512xf32, #tpu.memory_space<hbm>>
    %dma_start3A_143 = arith.constant 4096 : i32
    %dma_start3A_144 = tpu.memref_slice %arg7[%dma_start3A_143] : memref<13312xf32, #tpu.memory_space<vmem>> -> memref<512xf32, #tpu.memory_space<vmem>>
    %dma_start3A_145 = tpu.memref_slice %arg3[%add3A_139] : memref<425984xf32, #tpu.memory_space<hbm>> -> memref<512xf32, #tpu.memory_space<hbm>>
    tpu.enqueue_dma source(%dma_start3A_145 : memref<512xf32, #tpu.memory_space<hbm>>) target(%dma_start3A_144 : memref<512xf32, #tpu.memory_space<vmem>>) target_semaphore(%arg9 : memref<!tpu.dma_semaphore, #tpu.memory_space<semaphore_mem>>)
    %add3A_146 = arith.constant 147456 : i32
    %add3A_147 = arith.addi %add3A_146, %mul3A_2 : i32
    %dma_start3A_148 = arith.constant 4608 : i32
    %dma_start3A_149 = tpu.memref_slice %arg6[%dma_start3A_148] : memref<13312xi32, #tpu.memory_space<vmem>> -> memref<512xi32, #tpu.memory_space<vmem>>
    %dma_start3A_150 = tpu.memref_slice %arg2[%add3A_147] : memref<425984xi32, #tpu.memory_space<hbm>> -> memref<512xi32, #tpu.memory_space<hbm>>
    %dma_start3A_151 = arith.constant 4608 : i32
    %dma_start3A_152 = tpu.memref_slice %arg6[%dma_start3A_151] : memref<13312xi32, #tpu.memory_space<vmem>> -> memref<512xi32, #tpu.memory_space<vmem>>
    %dma_start3A_153 = tpu.memref_slice %arg2[%add3A_147] : memref<425984xi32, #tpu.memory_space<hbm>> -> memref<512xi32, #tpu.memory_space<hbm>>
    tpu.enqueue_dma source(%dma_start3A_153 : memref<512xi32, #tpu.memory_space<hbm>>) target(%dma_start3A_152 : memref<512xi32, #tpu.memory_space<vmem>>) target_semaphore(%arg9 : memref<!tpu.dma_semaphore, #tpu.memory_space<semaphore_mem>>)
    %add3A_154 = arith.constant 147456 : i32
    %add3A_155 = arith.addi %add3A_154, %mul3A_2 : i32
    %dma_start3A_156 = arith.constant 4608 : i32
    %dma_start3A_157 = tpu.memref_slice %arg7[%dma_start3A_156] : memref<13312xf32, #tpu.memory_space<vmem>> -> memref<512xf32, #tpu.memory_space<vmem>>
    %dma_start3A_158 = tpu.memref_slice %arg3[%add3A_155] : memref<425984xf32, #tpu.memory_space<hbm>> -> memref<512xf32, #tpu.memory_space<hbm>>
    %dma_start3A_159 = arith.constant 4608 : i32
    %dma_start3A_160 = tpu.memref_slice %arg7[%dma_start3A_159] : memref<13312xf32, #tpu.memory_space<vmem>> -> memref<512xf32, #tpu.memory_space<vmem>>
    %dma_start3A_161 = tpu.memref_slice %arg3[%add3A_155] : memref<425984xf32, #tpu.memory_space<hbm>> -> memref<512xf32, #tpu.memory_space<hbm>>
    tpu.enqueue_dma source(%dma_start3A_161 : memref<512xf32, #tpu.memory_space<hbm>>) target(%dma_start3A_160 : memref<512xf32, #tpu.memory_space<vmem>>) target_semaphore(%arg9 : memref<!tpu.dma_semaphore, #tpu.memory_space<semaphore_mem>>)
    %add3A_162 = arith.constant 163840 : i32
    %add3A_163 = arith.addi %add3A_162, %mul3A_2 : i32
    %dma_start3A_164 = arith.constant 5120 : i32
    %dma_start3A_165 = tpu.memref_slice %arg6[%dma_start3A_164] : memref<13312xi32, #tpu.memory_space<vmem>> -> memref<512xi32, #tpu.memory_space<vmem>>
    %dma_start3A_166 = tpu.memref_slice %arg2[%add3A_163] : memref<425984xi32, #tpu.memory_space<hbm>> -> memref<512xi32, #tpu.memory_space<hbm>>
    %dma_start3A_167 = arith.constant 5120 : i32
    %dma_start3A_168 = tpu.memref_slice %arg6[%dma_start3A_167] : memref<13312xi32, #tpu.memory_space<vmem>> -> memref<512xi32, #tpu.memory_space<vmem>>
    %dma_start3A_169 = tpu.memref_slice %arg2[%add3A_163] : memref<425984xi32, #tpu.memory_space<hbm>> -> memref<512xi32, #tpu.memory_space<hbm>>
    tpu.enqueue_dma source(%dma_start3A_169 : memref<512xi32, #tpu.memory_space<hbm>>) target(%dma_start3A_168 : memref<512xi32, #tpu.memory_space<vmem>>) target_semaphore(%arg9 : memref<!tpu.dma_semaphore, #tpu.memory_space<semaphore_mem>>)
    %add3A_170 = arith.constant 163840 : i32
    %add3A_171 = arith.addi %add3A_170, %mul3A_2 : i32
    %dma_start3A_172 = arith.constant 5120 : i32
    %dma_start3A_173 = tpu.memref_slice %arg7[%dma_start3A_172] : memref<13312xf32, #tpu.memory_space<vmem>> -> memref<512xf32, #tpu.memory_space<vmem>>
    %dma_start3A_174 = tpu.memref_slice %arg3[%add3A_171] : memref<425984xf32, #tpu.memory_space<hbm>> -> memref<512xf32, #tpu.memory_space<hbm>>
    %dma_start3A_175 = arith.constant 5120 : i32
    %dma_start3A_176 = tpu.memref_slice %arg7[%dma_start3A_175] : memref<13312xf32, #tpu.memory_space<vmem>> -> memref<512xf32, #tpu.memory_space<vmem>>
    %dma_start3A_177 = tpu.memref_slice %arg3[%add3A_171] : memref<425984xf32, #tpu.memory_space<hbm>> -> memref<512xf32, #tpu.memory_space<hbm>>
    tpu.enqueue_dma source(%dma_start3A_177 : memref<512xf32, #tpu.memory_space<hbm>>) target(%dma_start3A_176 : memref<512xf32, #tpu.memory_space<vmem>>) target_semaphore(%arg9 : memref<!tpu.dma_semaphore, #tpu.memory_space<semaphore_mem>>)
    %add3A_178 = arith.constant 180224 : i32
    %add3A_179 = arith.addi %add3A_178, %mul3A_2 : i32
    %dma_start3A_180 = arith.constant 5632 : i32
    %dma_start3A_181 = tpu.memref_slice %arg6[%dma_start3A_180] : memref<13312xi32, #tpu.memory_space<vmem>> -> memref<512xi32, #tpu.memory_space<vmem>>
    %dma_start3A_182 = tpu.memref_slice %arg2[%add3A_179] : memref<425984xi32, #tpu.memory_space<hbm>> -> memref<512xi32, #tpu.memory_space<hbm>>
    %dma_start3A_183 = arith.constant 5632 : i32
    %dma_start3A_184 = tpu.memref_slice %arg6[%dma_start3A_183] : memref<13312xi32, #tpu.memory_space<vmem>> -> memref<512xi32, #tpu.memory_space<vmem>>
    %dma_start3A_185 = tpu.memref_slice %arg2[%add3A_179] : memref<425984xi32, #tpu.memory_space<hbm>> -> memref<512xi32, #tpu.memory_space<hbm>>
    tpu.enqueue_dma source(%dma_start3A_185 : memref<512xi32, #tpu.memory_space<hbm>>) target(%dma_start3A_184 : memref<512xi32, #tpu.memory_space<vmem>>) target_semaphore(%arg9 : memref<!tpu.dma_semaphore, #tpu.memory_space<semaphore_mem>>)
    %add3A_186 = arith.constant 180224 : i32
    %add3A_187 = arith.addi %add3A_186, %mul3A_2 : i32
    %dma_start3A_188 = arith.constant 5632 : i32
    %dma_start3A_189 = tpu.memref_slice %arg7[%dma_start3A_188] : memref<13312xf32, #tpu.memory_space<vmem>> -> memref<512xf32, #tpu.memory_space<vmem>>
    %dma_start3A_190 = tpu.memref_slice %arg3[%add3A_187] : memref<425984xf32, #tpu.memory_space<hbm>> -> memref<512xf32, #tpu.memory_space<hbm>>
    %dma_start3A_191 = arith.constant 5632 : i32
    %dma_start3A_192 = tpu.memref_slice %arg7[%dma_start3A_191] : memref<13312xf32, #tpu.memory_space<vmem>> -> memref<512xf32, #tpu.memory_space<vmem>>
    %dma_start3A_193 = tpu.memref_slice %arg3[%add3A_187] : memref<425984xf32, #tpu.memory_space<hbm>> -> memref<512xf32, #tpu.memory_space<hbm>>
    tpu.enqueue_dma source(%dma_start3A_193 : memref<512xf32, #tpu.memory_space<hbm>>) target(%dma_start3A_192 : memref<512xf32, #tpu.memory_space<vmem>>) target_semaphore(%arg9 : memref<!tpu.dma_semaphore, #tpu.memory_space<semaphore_mem>>)
    %add3A_194 = arith.constant 196608 : i32
    %add3A_195 = arith.addi %add3A_194, %mul3A_2 : i32
    %dma_start3A_196 = arith.constant 6144 : i32
    %dma_start3A_197 = tpu.memref_slice %arg6[%dma_start3A_196] : memref<13312xi32, #tpu.memory_space<vmem>> -> memref<512xi32, #tpu.memory_space<vmem>>
    %dma_start3A_198 = tpu.memref_slice %arg2[%add3A_195] : memref<425984xi32, #tpu.memory_space<hbm>> -> memref<512xi32, #tpu.memory_space<hbm>>
    %dma_start3A_199 = arith.constant 6144 : i32
    %dma_start3A_200 = tpu.memref_slice %arg6[%dma_start3A_199] : memref<13312xi32, #tpu.memory_space<vmem>> -> memref<512xi32, #tpu.memory_space<vmem>>
    %dma_start3A_201 = tpu.memref_slice %arg2[%add3A_195] : memref<425984xi32, #tpu.memory_space<hbm>> -> memref<512xi32, #tpu.memory_space<hbm>>
    tpu.enqueue_dma source(%dma_start3A_201 : memref<512xi32, #tpu.memory_space<hbm>>) target(%dma_start3A_200 : memref<512xi32, #tpu.memory_space<vmem>>) target_semaphore(%arg9 : memref<!tpu.dma_semaphore, #tpu.memory_space<semaphore_mem>>)
    %add3A_202 = arith.constant 196608 : i32
    %add3A_203 = arith.addi %add3A_202, %mul3A_2 : i32
    %dma_start3A_204 = arith.constant 6144 : i32
    %dma_start3A_205 = tpu.memref_slice %arg7[%dma_start3A_204] : memref<13312xf32, #tpu.memory_space<vmem>> -> memref<512xf32, #tpu.memory_space<vmem>>
    %dma_start3A_206 = tpu.memref_slice %arg3[%add3A_203] : memref<425984xf32, #tpu.memory_space<hbm>> -> memref<512xf32, #tpu.memory_space<hbm>>
    %dma_start3A_207 = arith.constant 6144 : i32
    %dma_start3A_208 = tpu.memref_slice %arg7[%dma_start3A_207] : memref<13312xf32, #tpu.memory_space<vmem>> -> memref<512xf32, #tpu.memory_space<vmem>>
    %dma_start3A_209 = tpu.memref_slice %arg3[%add3A_203] : memref<425984xf32, #tpu.memory_space<hbm>> -> memref<512xf32, #tpu.memory_space<hbm>>
    tpu.enqueue_dma source(%dma_start3A_209 : memref<512xf32, #tpu.memory_space<hbm>>) target(%dma_start3A_208 : memref<512xf32, #tpu.memory_space<vmem>>) target_semaphore(%arg9 : memref<!tpu.dma_semaphore, #tpu.memory_space<semaphore_mem>>)
    %add3A_210 = arith.constant 212992 : i32
    %add3A_211 = arith.addi %add3A_210, %mul3A_2 : i32
    %dma_start3A_212 = arith.constant 6656 : i32
    %dma_start3A_213 = tpu.memref_slice %arg6[%dma_start3A_212] : memref<13312xi32, #tpu.memory_space<vmem>> -> memref<512xi32, #tpu.memory_space<vmem>>
    %dma_start3A_214 = tpu.memref_slice %arg2[%add3A_211] : memref<425984xi32, #tpu.memory_space<hbm>> -> memref<512xi32, #tpu.memory_space<hbm>>
    %dma_start3A_215 = arith.constant 6656 : i32
    %dma_start3A_216 = tpu.memref_slice %arg6[%dma_start3A_215] : memref<13312xi32, #tpu.memory_space<vmem>> -> memref<512xi32, #tpu.memory_space<vmem>>
    %dma_start3A_217 = tpu.memref_slice %arg2[%add3A_211] : memref<425984xi32, #tpu.memory_space<hbm>> -> memref<512xi32, #tpu.memory_space<hbm>>
    tpu.enqueue_dma source(%dma_start3A_217 : memref<512xi32, #tpu.memory_space<hbm>>) target(%dma_start3A_216 : memref<512xi32, #tpu.memory_space<vmem>>) target_semaphore(%arg9 : memref<!tpu.dma_semaphore, #tpu.memory_space<semaphore_mem>>)
    %add3A_218 = arith.constant 212992 : i32
    %add3A_219 = arith.addi %add3A_218, %mul3A_2 : i32
    %dma_start3A_220 = arith.constant 6656 : i32
    %dma_start3A_221 = tpu.memref_slice %arg7[%dma_start3A_220] : memref<13312xf32, #tpu.memory_space<vmem>> -> memref<512xf32, #tpu.memory_space<vmem>>
    %dma_start3A_222 = tpu.memref_slice %arg3[%add3A_219] : memref<425984xf32, #tpu.memory_space<hbm>> -> memref<512xf32, #tpu.memory_space<hbm>>
    %dma_start3A_223 = arith.constant 6656 : i32
    %dma_start3A_224 = tpu.memref_slice %arg7[%dma_start3A_223] : memref<13312xf32, #tpu.memory_space<vmem>> -> memref<512xf32, #tpu.memory_space<vmem>>
    %dma_start3A_225 = tpu.memref_slice %arg3[%add3A_219] : memref<425984xf32, #tpu.memory_space<hbm>> -> memref<512xf32, #tpu.memory_space<hbm>>
    tpu.enqueue_dma source(%dma_start3A_225 : memref<512xf32, #tpu.memory_space<hbm>>) target(%dma_start3A_224 : memref<512xf32, #tpu.memory_space<vmem>>) target_semaphore(%arg9 : memref<!tpu.dma_semaphore, #tpu.memory_space<semaphore_mem>>)
    %add3A_226 = arith.constant 229376 : i32
    %add3A_227 = arith.addi %add3A_226, %mul3A_2 : i32
    %dma_start3A_228 = arith.constant 7168 : i32
    %dma_start3A_229 = tpu.memref_slice %arg6[%dma_start3A_228] : memref<13312xi32, #tpu.memory_space<vmem>> -> memref<512xi32, #tpu.memory_space<vmem>>
    %dma_start3A_230 = tpu.memref_slice %arg2[%add3A_227] : memref<425984xi32, #tpu.memory_space<hbm>> -> memref<512xi32, #tpu.memory_space<hbm>>
    %dma_start3A_231 = arith.constant 7168 : i32
    %dma_start3A_232 = tpu.memref_slice %arg6[%dma_start3A_231] : memref<13312xi32, #tpu.memory_space<vmem>> -> memref<512xi32, #tpu.memory_space<vmem>>
    %dma_start3A_233 = tpu.memref_slice %arg2[%add3A_227] : memref<425984xi32, #tpu.memory_space<hbm>> -> memref<512xi32, #tpu.memory_space<hbm>>
    tpu.enqueue_dma source(%dma_start3A_233 : memref<512xi32, #tpu.memory_space<hbm>>) target(%dma_start3A_232 : memref<512xi32, #tpu.memory_space<vmem>>) target_semaphore(%arg9 : memref<!tpu.dma_semaphore, #tpu.memory_space<semaphore_mem>>)
    %add3A_234 = arith.constant 229376 : i32
    %add3A_235 = arith.addi %add3A_234, %mul3A_2 : i32
    %dma_start3A_236 = arith.constant 7168 : i32
    %dma_start3A_237 = tpu.memref_slice %arg7[%dma_start3A_236] : memref<13312xf32, #tpu.memory_space<vmem>> -> memref<512xf32, #tpu.memory_space<vmem>>
    %dma_start3A_238 = tpu.memref_slice %arg3[%add3A_235] : memref<425984xf32, #tpu.memory_space<hbm>> -> memref<512xf32, #tpu.memory_space<hbm>>
    %dma_start3A_239 = arith.constant 7168 : i32
    %dma_start3A_240 = tpu.memref_slice %arg7[%dma_start3A_239] : memref<13312xf32, #tpu.memory_space<vmem>> -> memref<512xf32, #tpu.memory_space<vmem>>
    %dma_start3A_241 = tpu.memref_slice %arg3[%add3A_235] : memref<425984xf32, #tpu.memory_space<hbm>> -> memref<512xf32, #tpu.memory_space<hbm>>
    tpu.enqueue_dma source(%dma_start3A_241 : memref<512xf32, #tpu.memory_space<hbm>>) target(%dma_start3A_240 : memref<512xf32, #tpu.memory_space<vmem>>) target_semaphore(%arg9 : memref<!tpu.dma_semaphore, #tpu.memory_space<semaphore_mem>>)
    %add3A_242 = arith.constant 245760 : i32
    %add3A_243 = arith.addi %add3A_242, %mul3A_2 : i32
    %dma_start3A_244 = arith.constant 7680 : i32
    %dma_start3A_245 = tpu.memref_slice %arg6[%dma_start3A_244] : memref<13312xi32, #tpu.memory_space<vmem>> -> memref<512xi32, #tpu.memory_space<vmem>>
    %dma_start3A_246 = tpu.memref_slice %arg2[%add3A_243] : memref<425984xi32, #tpu.memory_space<hbm>> -> memref<512xi32, #tpu.memory_space<hbm>>
    %dma_start3A_247 = arith.constant 7680 : i32
    %dma_start3A_248 = tpu.memref_slice %arg6[%dma_start3A_247] : memref<13312xi32, #tpu.memory_space<vmem>> -> memref<512xi32, #tpu.memory_space<vmem>>
    %dma_start3A_249 = tpu.memref_slice %arg2[%add3A_243] : memref<425984xi32, #tpu.memory_space<hbm>> -> memref<512xi32, #tpu.memory_space<hbm>>
    tpu.enqueue_dma source(%dma_start3A_249 : memref<512xi32, #tpu.memory_space<hbm>>) target(%dma_start3A_248 : memref<512xi32, #tpu.memory_space<vmem>>) target_semaphore(%arg9 : memref<!tpu.dma_semaphore, #tpu.memory_space<semaphore_mem>>)
    %add3A_250 = arith.constant 245760 : i32
    %add3A_251 = arith.addi %add3A_250, %mul3A_2 : i32
    %dma_start3A_252 = arith.constant 7680 : i32
    %dma_start3A_253 = tpu.memref_slice %arg7[%dma_start3A_252] : memref<13312xf32, #tpu.memory_space<vmem>> -> memref<512xf32, #tpu.memory_space<vmem>>
    %dma_start3A_254 = tpu.memref_slice %arg3[%add3A_251] : memref<425984xf32, #tpu.memory_space<hbm>> -> memref<512xf32, #tpu.memory_space<hbm>>
    %dma_start3A_255 = arith.constant 7680 : i32
    %dma_start3A_256 = tpu.memref_slice %arg7[%dma_start3A_255] : memref<13312xf32, #tpu.memory_space<vmem>> -> memref<512xf32, #tpu.memory_space<vmem>>
    %dma_start3A_257 = tpu.memref_slice %arg3[%add3A_251] : memref<425984xf32, #tpu.memory_space<hbm>> -> memref<512xf32, #tpu.memory_space<hbm>>
    tpu.enqueue_dma source(%dma_start3A_257 : memref<512xf32, #tpu.memory_space<hbm>>) target(%dma_start3A_256 : memref<512xf32, #tpu.memory_space<vmem>>) target_semaphore(%arg9 : memref<!tpu.dma_semaphore, #tpu.memory_space<semaphore_mem>>)
    %add3A_258 = arith.constant 262144 : i32
    %add3A_259 = arith.addi %add3A_258, %mul3A_2 : i32
    %dma_start3A_260 = arith.constant 8192 : i32
    %dma_start3A_261 = tpu.memref_slice %arg6[%dma_start3A_260] : memref<13312xi32, #tpu.memory_space<vmem>> -> memref<512xi32, #tpu.memory_space<vmem>>
    %dma_start3A_262 = tpu.memref_slice %arg2[%add3A_259] : memref<425984xi32, #tpu.memory_space<hbm>> -> memref<512xi32, #tpu.memory_space<hbm>>
    %dma_start3A_263 = arith.constant 8192 : i32
    %dma_start3A_264 = tpu.memref_slice %arg6[%dma_start3A_263] : memref<13312xi32, #tpu.memory_space<vmem>> -> memref<512xi32, #tpu.memory_space<vmem>>
    %dma_start3A_265 = tpu.memref_slice %arg2[%add3A_259] : memref<425984xi32, #tpu.memory_space<hbm>> -> memref<512xi32, #tpu.memory_space<hbm>>
    tpu.enqueue_dma source(%dma_start3A_265 : memref<512xi32, #tpu.memory_space<hbm>>) target(%dma_start3A_264 : memref<512xi32, #tpu.memory_space<vmem>>) target_semaphore(%arg9 : memref<!tpu.dma_semaphore, #tpu.memory_space<semaphore_mem>>)
    %add3A_266 = arith.constant 262144 : i32
    %add3A_267 = arith.addi %add3A_266, %mul3A_2 : i32
    %dma_start3A_268 = arith.constant 8192 : i32
    %dma_start3A_269 = tpu.memref_slice %arg7[%dma_start3A_268] : memref<13312xf32, #tpu.memory_space<vmem>> -> memref<512xf32, #tpu.memory_space<vmem>>
    %dma_start3A_270 = tpu.memref_slice %arg3[%add3A_267] : memref<425984xf32, #tpu.memory_space<hbm>> -> memref<512xf32, #tpu.memory_space<hbm>>
    %dma_start3A_271 = arith.constant 8192 : i32
    %dma_start3A_272 = tpu.memref_slice %arg7[%dma_start3A_271] : memref<13312xf32, #tpu.memory_space<vmem>> -> memref<512xf32, #tpu.memory_space<vmem>>
    %dma_start3A_273 = tpu.memref_slice %arg3[%add3A_267] : memref<425984xf32, #tpu.memory_space<hbm>> -> memref<512xf32, #tpu.memory_space<hbm>>
    tpu.enqueue_dma source(%dma_start3A_273 : memref<512xf32, #tpu.memory_space<hbm>>) target(%dma_start3A_272 : memref<512xf32, #tpu.memory_space<vmem>>) target_semaphore(%arg9 : memref<!tpu.dma_semaphore, #tpu.memory_space<semaphore_mem>>)
    %add3A_274 = arith.constant 278528 : i32
    %add3A_275 = arith.addi %add3A_274, %mul3A_2 : i32
    %dma_start3A_276 = arith.constant 8704 : i32
    %dma_start3A_277 = tpu.memref_slice %arg6[%dma_start3A_276] : memref<13312xi32, #tpu.memory_space<vmem>> -> memref<512xi32, #tpu.memory_space<vmem>>
    %dma_start3A_278 = tpu.memref_slice %arg2[%add3A_275] : memref<425984xi32, #tpu.memory_space<hbm>> -> memref<512xi32, #tpu.memory_space<hbm>>
    %dma_start3A_279 = arith.constant 8704 : i32
    %dma_start3A_280 = tpu.memref_slice %arg6[%dma_start3A_279] : memref<13312xi32, #tpu.memory_space<vmem>> -> memref<512xi32, #tpu.memory_space<vmem>>
    %dma_start3A_281 = tpu.memref_slice %arg2[%add3A_275] : memref<425984xi32, #tpu.memory_space<hbm>> -> memref<512xi32, #tpu.memory_space<hbm>>
    tpu.enqueue_dma source(%dma_start3A_281 : memref<512xi32, #tpu.memory_space<hbm>>) target(%dma_start3A_280 : memref<512xi32, #tpu.memory_space<vmem>>) target_semaphore(%arg9 : memref<!tpu.dma_semaphore, #tpu.memory_space<semaphore_mem>>)
    %add3A_282 = arith.constant 278528 : i32
    %add3A_283 = arith.addi %add3A_282, %mul3A_2 : i32
    %dma_start3A_284 = arith.constant 8704 : i32
    %dma_start3A_285 = tpu.memref_slice %arg7[%dma_start3A_284] : memref<13312xf32, #tpu.memory_space<vmem>> -> memref<512xf32, #tpu.memory_space<vmem>>
    %dma_start3A_286 = tpu.memref_slice %arg3[%add3A_283] : memref<425984xf32, #tpu.memory_space<hbm>> -> memref<512xf32, #tpu.memory_space<hbm>>
    %dma_start3A_287 = arith.constant 8704 : i32
    %dma_start3A_288 = tpu.memref_slice %arg7[%dma_start3A_287] : memref<13312xf32, #tpu.memory_space<vmem>> -> memref<512xf32, #tpu.memory_space<vmem>>
    %dma_start3A_289 = tpu.memref_slice %arg3[%add3A_283] : memref<425984xf32, #tpu.memory_space<hbm>> -> memref<512xf32, #tpu.memory_space<hbm>>
    tpu.enqueue_dma source(%dma_start3A_289 : memref<512xf32, #tpu.memory_space<hbm>>) target(%dma_start3A_288 : memref<512xf32, #tpu.memory_space<vmem>>) target_semaphore(%arg9 : memref<!tpu.dma_semaphore, #tpu.memory_space<semaphore_mem>>)
    %add3A_290 = arith.constant 294912 : i32
    %add3A_291 = arith.addi %add3A_290, %mul3A_2 : i32
    %dma_start3A_292 = arith.constant 9216 : i32
    %dma_start3A_293 = tpu.memref_slice %arg6[%dma_start3A_292] : memref<13312xi32, #tpu.memory_space<vmem>> -> memref<512xi32, #tpu.memory_space<vmem>>
    %dma_start3A_294 = tpu.memref_slice %arg2[%add3A_291] : memref<425984xi32, #tpu.memory_space<hbm>> -> memref<512xi32, #tpu.memory_space<hbm>>
    %dma_start3A_295 = arith.constant 9216 : i32
    %dma_start3A_296 = tpu.memref_slice %arg6[%dma_start3A_295] : memref<13312xi32, #tpu.memory_space<vmem>> -> memref<512xi32, #tpu.memory_space<vmem>>
    %dma_start3A_297 = tpu.memref_slice %arg2[%add3A_291] : memref<425984xi32, #tpu.memory_space<hbm>> -> memref<512xi32, #tpu.memory_space<hbm>>
    tpu.enqueue_dma source(%dma_start3A_297 : memref<512xi32, #tpu.memory_space<hbm>>) target(%dma_start3A_296 : memref<512xi32, #tpu.memory_space<vmem>>) target_semaphore(%arg9 : memref<!tpu.dma_semaphore, #tpu.memory_space<semaphore_mem>>)
    %add3A_298 = arith.constant 294912 : i32
    %add3A_299 = arith.addi %add3A_298, %mul3A_2 : i32
    %dma_start3A_300 = arith.constant 9216 : i32
    %dma_start3A_301 = tpu.memref_slice %arg7[%dma_start3A_300] : memref<13312xf32, #tpu.memory_space<vmem>> -> memref<512xf32, #tpu.memory_space<vmem>>
    %dma_start3A_302 = tpu.memref_slice %arg3[%add3A_299] : memref<425984xf32, #tpu.memory_space<hbm>> -> memref<512xf32, #tpu.memory_space<hbm>>
    %dma_start3A_303 = arith.constant 9216 : i32
    %dma_start3A_304 = tpu.memref_slice %arg7[%dma_start3A_303] : memref<13312xf32, #tpu.memory_space<vmem>> -> memref<512xf32, #tpu.memory_space<vmem>>
    %dma_start3A_305 = tpu.memref_slice %arg3[%add3A_299] : memref<425984xf32, #tpu.memory_space<hbm>> -> memref<512xf32, #tpu.memory_space<hbm>>
    tpu.enqueue_dma source(%dma_start3A_305 : memref<512xf32, #tpu.memory_space<hbm>>) target(%dma_start3A_304 : memref<512xf32, #tpu.memory_space<vmem>>) target_semaphore(%arg9 : memref<!tpu.dma_semaphore, #tpu.memory_space<semaphore_mem>>)
    %add3A_306 = arith.constant 311296 : i32
    %add3A_307 = arith.addi %add3A_306, %mul3A_2 : i32
    %dma_start3A_308 = arith.constant 9728 : i32
    %dma_start3A_309 = tpu.memref_slice %arg6[%dma_start3A_308] : memref<13312xi32, #tpu.memory_space<vmem>> -> memref<512xi32, #tpu.memory_space<vmem>>
    %dma_start3A_310 = tpu.memref_slice %arg2[%add3A_307] : memref<425984xi32, #tpu.memory_space<hbm>> -> memref<512xi32, #tpu.memory_space<hbm>>
    %dma_start3A_311 = arith.constant 9728 : i32
    %dma_start3A_312 = tpu.memref_slice %arg6[%dma_start3A_311] : memref<13312xi32, #tpu.memory_space<vmem>> -> memref<512xi32, #tpu.memory_space<vmem>>
    %dma_start3A_313 = tpu.memref_slice %arg2[%add3A_307] : memref<425984xi32, #tpu.memory_space<hbm>> -> memref<512xi32, #tpu.memory_space<hbm>>
    tpu.enqueue_dma source(%dma_start3A_313 : memref<512xi32, #tpu.memory_space<hbm>>) target(%dma_start3A_312 : memref<512xi32, #tpu.memory_space<vmem>>) target_semaphore(%arg9 : memref<!tpu.dma_semaphore, #tpu.memory_space<semaphore_mem>>)
    %add3A_314 = arith.constant 311296 : i32
    %add3A_315 = arith.addi %add3A_314, %mul3A_2 : i32
    %dma_start3A_316 = arith.constant 9728 : i32
    %dma_start3A_317 = tpu.memref_slice %arg7[%dma_start3A_316] : memref<13312xf32, #tpu.memory_space<vmem>> -> memref<512xf32, #tpu.memory_space<vmem>>
    %dma_start3A_318 = tpu.memref_slice %arg3[%add3A_315] : memref<425984xf32, #tpu.memory_space<hbm>> -> memref<512xf32, #tpu.memory_space<hbm>>
    %dma_start3A_319 = arith.constant 9728 : i32
    %dma_start3A_320 = tpu.memref_slice %arg7[%dma_start3A_319] : memref<13312xf32, #tpu.memory_space<vmem>> -> memref<512xf32, #tpu.memory_space<vmem>>
    %dma_start3A_321 = tpu.memref_slice %arg3[%add3A_315] : memref<425984xf32, #tpu.memory_space<hbm>> -> memref<512xf32, #tpu.memory_space<hbm>>
    tpu.enqueue_dma source(%dma_start3A_321 : memref<512xf32, #tpu.memory_space<hbm>>) target(%dma_start3A_320 : memref<512xf32, #tpu.memory_space<vmem>>) target_semaphore(%arg9 : memref<!tpu.dma_semaphore, #tpu.memory_space<semaphore_mem>>)
    %add3A_322 = arith.constant 327680 : i32
    %add3A_323 = arith.addi %add3A_322, %mul3A_2 : i32
    %dma_start3A_324 = arith.constant 10240 : i32
    %dma_start3A_325 = tpu.memref_slice %arg6[%dma_start3A_324] : memref<13312xi32, #tpu.memory_space<vmem>> -> memref<512xi32, #tpu.memory_space<vmem>>
    %dma_start3A_326 = tpu.memref_slice %arg2[%add3A_323] : memref<425984xi32, #tpu.memory_space<hbm>> -> memref<512xi32, #tpu.memory_space<hbm>>
    %dma_start3A_327 = arith.constant 10240 : i32
    %dma_start3A_328 = tpu.memref_slice %arg6[%dma_start3A_327] : memref<13312xi32, #tpu.memory_space<vmem>> -> memref<512xi32, #tpu.memory_space<vmem>>
    %dma_start3A_329 = tpu.memref_slice %arg2[%add3A_323] : memref<425984xi32, #tpu.memory_space<hbm>> -> memref<512xi32, #tpu.memory_space<hbm>>
    tpu.enqueue_dma source(%dma_start3A_329 : memref<512xi32, #tpu.memory_space<hbm>>) target(%dma_start3A_328 : memref<512xi32, #tpu.memory_space<vmem>>) target_semaphore(%arg9 : memref<!tpu.dma_semaphore, #tpu.memory_space<semaphore_mem>>)
    %add3A_330 = arith.constant 327680 : i32
    %add3A_331 = arith.addi %add3A_330, %mul3A_2 : i32
    %dma_start3A_332 = arith.constant 10240 : i32
    %dma_start3A_333 = tpu.memref_slice %arg7[%dma_start3A_332] : memref<13312xf32, #tpu.memory_space<vmem>> -> memref<512xf32, #tpu.memory_space<vmem>>
    %dma_start3A_334 = tpu.memref_slice %arg3[%add3A_331] : memref<425984xf32, #tpu.memory_space<hbm>> -> memref<512xf32, #tpu.memory_space<hbm>>
    %dma_start3A_335 = arith.constant 10240 : i32
    %dma_start3A_336 = tpu.memref_slice %arg7[%dma_start3A_335] : memref<13312xf32, #tpu.memory_space<vmem>> -> memref<512xf32, #tpu.memory_space<vmem>>
    %dma_start3A_337 = tpu.memref_slice %arg3[%add3A_331] : memref<425984xf32, #tpu.memory_space<hbm>> -> memref<512xf32, #tpu.memory_space<hbm>>
    tpu.enqueue_dma source(%dma_start3A_337 : memref<512xf32, #tpu.memory_space<hbm>>) target(%dma_start3A_336 : memref<512xf32, #tpu.memory_space<vmem>>) target_semaphore(%arg9 : memref<!tpu.dma_semaphore, #tpu.memory_space<semaphore_mem>>)
    %add3A_338 = arith.constant 344064 : i32
    %add3A_339 = arith.addi %add3A_338, %mul3A_2 : i32
    %dma_start3A_340 = arith.constant 10752 : i32
    %dma_start3A_341 = tpu.memref_slice %arg6[%dma_start3A_340] : memref<13312xi32, #tpu.memory_space<vmem>> -> memref<512xi32, #tpu.memory_space<vmem>>
    %dma_start3A_342 = tpu.memref_slice %arg2[%add3A_339] : memref<425984xi32, #tpu.memory_space<hbm>> -> memref<512xi32, #tpu.memory_space<hbm>>
    %dma_start3A_343 = arith.constant 10752 : i32
    %dma_start3A_344 = tpu.memref_slice %arg6[%dma_start3A_343] : memref<13312xi32, #tpu.memory_space<vmem>> -> memref<512xi32, #tpu.memory_space<vmem>>
    %dma_start3A_345 = tpu.memref_slice %arg2[%add3A_339] : memref<425984xi32, #tpu.memory_space<hbm>> -> memref<512xi32, #tpu.memory_space<hbm>>
    tpu.enqueue_dma source(%dma_start3A_345 : memref<512xi32, #tpu.memory_space<hbm>>) target(%dma_start3A_344 : memref<512xi32, #tpu.memory_space<vmem>>) target_semaphore(%arg9 : memref<!tpu.dma_semaphore, #tpu.memory_space<semaphore_mem>>)
    %add3A_346 = arith.constant 344064 : i32
    %add3A_347 = arith.addi %add3A_346, %mul3A_2 : i32
    %dma_start3A_348 = arith.constant 10752 : i32
    %dma_start3A_349 = tpu.memref_slice %arg7[%dma_start3A_348] : memref<13312xf32, #tpu.memory_space<vmem>> -> memref<512xf32, #tpu.memory_space<vmem>>
    %dma_start3A_350 = tpu.memref_slice %arg3[%add3A_347] : memref<425984xf32, #tpu.memory_space<hbm>> -> memref<512xf32, #tpu.memory_space<hbm>>
    %dma_start3A_351 = arith.constant 10752 : i32
    %dma_start3A_352 = tpu.memref_slice %arg7[%dma_start3A_351] : memref<13312xf32, #tpu.memory_space<vmem>> -> memref<512xf32, #tpu.memory_space<vmem>>
    %dma_start3A_353 = tpu.memref_slice %arg3[%add3A_347] : memref<425984xf32, #tpu.memory_space<hbm>> -> memref<512xf32, #tpu.memory_space<hbm>>
    tpu.enqueue_dma source(%dma_start3A_353 : memref<512xf32, #tpu.memory_space<hbm>>) target(%dma_start3A_352 : memref<512xf32, #tpu.memory_space<vmem>>) target_semaphore(%arg9 : memref<!tpu.dma_semaphore, #tpu.memory_space<semaphore_mem>>)
    %add3A_354 = arith.constant 360448 : i32
    %add3A_355 = arith.addi %add3A_354, %mul3A_2 : i32
    %dma_start3A_356 = arith.constant 11264 : i32
    %dma_start3A_357 = tpu.memref_slice %arg6[%dma_start3A_356] : memref<13312xi32, #tpu.memory_space<vmem>> -> memref<512xi32, #tpu.memory_space<vmem>>
    %dma_start3A_358 = tpu.memref_slice %arg2[%add3A_355] : memref<425984xi32, #tpu.memory_space<hbm>> -> memref<512xi32, #tpu.memory_space<hbm>>
    %dma_start3A_359 = arith.constant 11264 : i32
    %dma_start3A_360 = tpu.memref_slice %arg6[%dma_start3A_359] : memref<13312xi32, #tpu.memory_space<vmem>> -> memref<512xi32, #tpu.memory_space<vmem>>
    %dma_start3A_361 = tpu.memref_slice %arg2[%add3A_355] : memref<425984xi32, #tpu.memory_space<hbm>> -> memref<512xi32, #tpu.memory_space<hbm>>
    tpu.enqueue_dma source(%dma_start3A_361 : memref<512xi32, #tpu.memory_space<hbm>>) target(%dma_start3A_360 : memref<512xi32, #tpu.memory_space<vmem>>) target_semaphore(%arg9 : memref<!tpu.dma_semaphore, #tpu.memory_space<semaphore_mem>>)
    %add3A_362 = arith.constant 360448 : i32
    %add3A_363 = arith.addi %add3A_362, %mul3A_2 : i32
    %dma_start3A_364 = arith.constant 11264 : i32
    %dma_start3A_365 = tpu.memref_slice %arg7[%dma_start3A_364] : memref<13312xf32, #tpu.memory_space<vmem>> -> memref<512xf32, #tpu.memory_space<vmem>>
    %dma_start3A_366 = tpu.memref_slice %arg3[%add3A_363] : memref<425984xf32, #tpu.memory_space<hbm>> -> memref<512xf32, #tpu.memory_space<hbm>>
    %dma_start3A_367 = arith.constant 11264 : i32
    %dma_start3A_368 = tpu.memref_slice %arg7[%dma_start3A_367] : memref<13312xf32, #tpu.memory_space<vmem>> -> memref<512xf32, #tpu.memory_space<vmem>>
    %dma_start3A_369 = tpu.memref_slice %arg3[%add3A_363] : memref<425984xf32, #tpu.memory_space<hbm>> -> memref<512xf32, #tpu.memory_space<hbm>>
    tpu.enqueue_dma source(%dma_start3A_369 : memref<512xf32, #tpu.memory_space<hbm>>) target(%dma_start3A_368 : memref<512xf32, #tpu.memory_space<vmem>>) target_semaphore(%arg9 : memref<!tpu.dma_semaphore, #tpu.memory_space<semaphore_mem>>)
    %add3A_370 = arith.constant 376832 : i32
    %add3A_371 = arith.addi %add3A_370, %mul3A_2 : i32
    %dma_start3A_372 = arith.constant 11776 : i32
    %dma_start3A_373 = tpu.memref_slice %arg6[%dma_start3A_372] : memref<13312xi32, #tpu.memory_space<vmem>> -> memref<512xi32, #tpu.memory_space<vmem>>
    %dma_start3A_374 = tpu.memref_slice %arg2[%add3A_371] : memref<425984xi32, #tpu.memory_space<hbm>> -> memref<512xi32, #tpu.memory_space<hbm>>
    %dma_start3A_375 = arith.constant 11776 : i32
    %dma_start3A_376 = tpu.memref_slice %arg6[%dma_start3A_375] : memref<13312xi32, #tpu.memory_space<vmem>> -> memref<512xi32, #tpu.memory_space<vmem>>
    %dma_start3A_377 = tpu.memref_slice %arg2[%add3A_371] : memref<425984xi32, #tpu.memory_space<hbm>> -> memref<512xi32, #tpu.memory_space<hbm>>
    tpu.enqueue_dma source(%dma_start3A_377 : memref<512xi32, #tpu.memory_space<hbm>>) target(%dma_start3A_376 : memref<512xi32, #tpu.memory_space<vmem>>) target_semaphore(%arg9 : memref<!tpu.dma_semaphore, #tpu.memory_space<semaphore_mem>>)
    %add3A_378 = arith.constant 376832 : i32
    %add3A_379 = arith.addi %add3A_378, %mul3A_2 : i32
    %dma_start3A_380 = arith.constant 11776 : i32
    %dma_start3A_381 = tpu.memref_slice %arg7[%dma_start3A_380] : memref<13312xf32, #tpu.memory_space<vmem>> -> memref<512xf32, #tpu.memory_space<vmem>>
    %dma_start3A_382 = tpu.memref_slice %arg3[%add3A_379] : memref<425984xf32, #tpu.memory_space<hbm>> -> memref<512xf32, #tpu.memory_space<hbm>>
    %dma_start3A_383 = arith.constant 11776 : i32
    %dma_start3A_384 = tpu.memref_slice %arg7[%dma_start3A_383] : memref<13312xf32, #tpu.memory_space<vmem>> -> memref<512xf32, #tpu.memory_space<vmem>>
    %dma_start3A_385 = tpu.memref_slice %arg3[%add3A_379] : memref<425984xf32, #tpu.memory_space<hbm>> -> memref<512xf32, #tpu.memory_space<hbm>>
    tpu.enqueue_dma source(%dma_start3A_385 : memref<512xf32, #tpu.memory_space<hbm>>) target(%dma_start3A_384 : memref<512xf32, #tpu.memory_space<vmem>>) target_semaphore(%arg9 : memref<!tpu.dma_semaphore, #tpu.memory_space<semaphore_mem>>)
    %add3A_386 = arith.constant 393216 : i32
    %add3A_387 = arith.addi %add3A_386, %mul3A_2 : i32
    %dma_start3A_388 = arith.constant 12288 : i32
    %dma_start3A_389 = tpu.memref_slice %arg6[%dma_start3A_388] : memref<13312xi32, #tpu.memory_space<vmem>> -> memref<512xi32, #tpu.memory_space<vmem>>
    %dma_start3A_390 = tpu.memref_slice %arg2[%add3A_387] : memref<425984xi32, #tpu.memory_space<hbm>> -> memref<512xi32, #tpu.memory_space<hbm>>
    %dma_start3A_391 = arith.constant 12288 : i32
    %dma_start3A_392 = tpu.memref_slice %arg6[%dma_start3A_391] : memref<13312xi32, #tpu.memory_space<vmem>> -> memref<512xi32, #tpu.memory_space<vmem>>
    %dma_start3A_393 = tpu.memref_slice %arg2[%add3A_387] : memref<425984xi32, #tpu.memory_space<hbm>> -> memref<512xi32, #tpu.memory_space<hbm>>
    tpu.enqueue_dma source(%dma_start3A_393 : memref<512xi32, #tpu.memory_space<hbm>>) target(%dma_start3A_392 : memref<512xi32, #tpu.memory_space<vmem>>) target_semaphore(%arg9 : memref<!tpu.dma_semaphore, #tpu.memory_space<semaphore_mem>>)
    %add3A_394 = arith.constant 393216 : i32
    %add3A_395 = arith.addi %add3A_394, %mul3A_2 : i32
    %dma_start3A_396 = arith.constant 12288 : i32
    %dma_start3A_397 = tpu.memref_slice %arg7[%dma_start3A_396] : memref<13312xf32, #tpu.memory_space<vmem>> -> memref<512xf32, #tpu.memory_space<vmem>>
    %dma_start3A_398 = tpu.memref_slice %arg3[%add3A_395] : memref<425984xf32, #tpu.memory_space<hbm>> -> memref<512xf32, #tpu.memory_space<hbm>>
    %dma_start3A_399 = arith.constant 12288 : i32
    %dma_start3A_400 = tpu.memref_slice %arg7[%dma_start3A_399] : memref<13312xf32, #tpu.memory_space<vmem>> -> memref<512xf32, #tpu.memory_space<vmem>>
    %dma_start3A_401 = tpu.memref_slice %arg3[%add3A_395] : memref<425984xf32, #tpu.memory_space<hbm>> -> memref<512xf32, #tpu.memory_space<hbm>>
    tpu.enqueue_dma source(%dma_start3A_401 : memref<512xf32, #tpu.memory_space<hbm>>) target(%dma_start3A_400 : memref<512xf32, #tpu.memory_space<vmem>>) target_semaphore(%arg9 : memref<!tpu.dma_semaphore, #tpu.memory_space<semaphore_mem>>)
    %add3A_402 = arith.constant 409600 : i32
    %add3A_403 = arith.addi %add3A_402, %mul3A_2 : i32
    %dma_start3A_404 = arith.constant 12800 : i32
    %dma_start3A_405 = tpu.memref_slice %arg6[%dma_start3A_404] : memref<13312xi32, #tpu.memory_space<vmem>> -> memref<512xi32, #tpu.memory_space<vmem>>
    %dma_start3A_406 = tpu.memref_slice %arg2[%add3A_403] : memref<425984xi32, #tpu.memory_space<hbm>> -> memref<512xi32, #tpu.memory_space<hbm>>
    %dma_start3A_407 = arith.constant 12800 : i32
    %dma_start3A_408 = tpu.memref_slice %arg6[%dma_start3A_407] : memref<13312xi32, #tpu.memory_space<vmem>> -> memref<512xi32, #tpu.memory_space<vmem>>
    %dma_start3A_409 = tpu.memref_slice %arg2[%add3A_403] : memref<425984xi32, #tpu.memory_space<hbm>> -> memref<512xi32, #tpu.memory_space<hbm>>
    tpu.enqueue_dma source(%dma_start3A_409 : memref<512xi32, #tpu.memory_space<hbm>>) target(%dma_start3A_408 : memref<512xi32, #tpu.memory_space<vmem>>) target_semaphore(%arg9 : memref<!tpu.dma_semaphore, #tpu.memory_space<semaphore_mem>>)
    %add3A_410 = arith.constant 409600 : i32
    %add3A_411 = arith.addi %add3A_410, %mul3A_2 : i32
    %dma_start3A_412 = arith.constant 12800 : i32
    %dma_start3A_413 = tpu.memref_slice %arg7[%dma_start3A_412] : memref<13312xf32, #tpu.memory_space<vmem>> -> memref<512xf32, #tpu.memory_space<vmem>>
    %dma_start3A_414 = tpu.memref_slice %arg3[%add3A_411] : memref<425984xf32, #tpu.memory_space<hbm>> -> memref<512xf32, #tpu.memory_space<hbm>>
    %dma_start3A_415 = arith.constant 12800 : i32
    %dma_start3A_416 = tpu.memref_slice %arg7[%dma_start3A_415] : memref<13312xf32, #tpu.memory_space<vmem>> -> memref<512xf32, #tpu.memory_space<vmem>>
    %dma_start3A_417 = tpu.memref_slice %arg3[%add3A_411] : memref<425984xf32, #tpu.memory_space<hbm>> -> memref<512xf32, #tpu.memory_space<hbm>>
    tpu.enqueue_dma source(%dma_start3A_417 : memref<512xf32, #tpu.memory_space<hbm>>) target(%dma_start3A_416 : memref<512xf32, #tpu.memory_space<vmem>>) target_semaphore(%arg9 : memref<!tpu.dma_semaphore, #tpu.memory_space<semaphore_mem>>)
    %dma_wait3A = arith.constant 0 : i32
    %dma_wait3A_418 = tpu.memref_slice %arg2[%dma_wait3A] : memref<425984xi32, #tpu.memory_space<hbm>> -> memref<13312xi32, #tpu.memory_space<hbm>>
    %dma_wait3A_419 = arith.constant 0 : i32
    %dma_wait3A_420 = tpu.memref_slice %arg2[%dma_wait3A_419] : memref<425984xi32, #tpu.memory_space<hbm>> -> memref<13312xi32, #tpu.memory_space<hbm>>
    tpu.wait_dma2 semaphore(%arg9 : memref<!tpu.dma_semaphore, #tpu.memory_space<semaphore_mem>>) src(%dma_wait3A_420 : memref<13312xi32, #tpu.memory_space<hbm>>) dst(%arg6 : memref<13312xi32, #tpu.memory_space<vmem>>)
    %dma_wait3A_421 = arith.constant 0 : i32
    %dma_wait3A_422 = tpu.memref_slice %arg3[%dma_wait3A_421] : memref<425984xf32, #tpu.memory_space<hbm>> -> memref<13312xf32, #tpu.memory_space<hbm>>
    %dma_wait3A_423 = arith.constant 0 : i32
    %dma_wait3A_424 = tpu.memref_slice %arg3[%dma_wait3A_423] : memref<425984xf32, #tpu.memory_space<hbm>> -> memref<13312xf32, #tpu.memory_space<hbm>>
    tpu.wait_dma2 semaphore(%arg9 : memref<!tpu.dma_semaphore, #tpu.memory_space<semaphore_mem>>) src(%dma_wait3A_424 : memref<13312xf32, #tpu.memory_space<hbm>>) dst(%arg7 : memref<13312xf32, #tpu.memory_space<vmem>>)
    %scan3A = arith.constant 0 : i32
    %scan3A_425 = arith.constant 0 : i32
    %scan3A_426 = arith.constant 26 : i32
    %scan3A_427 = arith.addi %scan3A_425, %scan3A_426 : i32
    %scan3A_428 = arith.constant 1 : i32
    scf.for %scan3A_430 = %scan3A_425 to %scan3A_427 step %scan3A_428  : i32 {
      %mul3A_431 = arith.constant 512 : i32
      %mul3A_432 = arith.muli %scan3A_430, %mul3A_431 : i32
      %dma_start3A_433 = arith.constant 0 : i32
      %dma_start3A_434 = arith.constant 0 : i32
      %dma_start3A_435 = arith.constant 0 : i32
      %dma_start3A_436 = tpu.memref_slice %arg8[%dma_start3A_434, %dma_start3A_435] : memref<16x512xf32, #tpu.memory_space<vmem>> -> memref<1x512xf32, #tpu.memory_space<vmem>>
      %dma_start3A_437 = tpu.memref_squeeze %dma_start3A_436 : memref<1x512xf32, #tpu.memory_space<vmem>> -> memref<512xf32, #tpu.memory_space<vmem>>
      %dma_start3A_438 = tpu.memref_slice %arg6[%mul3A_432] : memref<13312xi32, #tpu.memory_space<vmem>> -> memref<512xi32, #tpu.memory_space<vmem>>
      %dma_start3A_439 = arith.constant 0 : i32
      %dma_start3A_440 = tpu.memref_slice %arg4[%dma_start3A_433, %dma_start3A_439] : memref<16x1000000xf32, #tpu.memory_space<hbm>> -> memref<1x1000000xf32, #tpu.memory_space<hbm>>
      %dma_start3A_441 = tpu.memref_squeeze %dma_start3A_440 : memref<1x1000000xf32, #tpu.memory_space<hbm>> -> memref<1000000xf32, #tpu.memory_space<hbm>>
      %dma_start3A_442 = arith.constant 0 : i32
      %dma_start3A_443 = tpu.memref_slice %dma_start3A_441[%dma_start3A_442] : memref<1000000xf32, #tpu.memory_space<hbm>> -> memref<1000000xf32, #tpu.memory_space<hbm>>
      tpu.enqueue_indirect_dma source(%dma_start3A_443 : memref<1000000xf32, #tpu.memory_space<hbm>>) target(%dma_start3A_437 : memref<512xf32, #tpu.memory_space<vmem>>) offsets(%dma_start3A_438 : memref<512xi32, #tpu.memory_space<vmem>>) semaphore(%arg10 : memref<!tpu.dma_semaphore, #tpu.memory_space<semaphore_mem>>)
      %dma_start3A_444 = arith.constant 1 : i32
      %dma_start3A_445 = arith.constant 1 : i32
      %dma_start3A_446 = arith.constant 0 : i32
      %dma_start3A_447 = tpu.memref_slice %arg8[%dma_start3A_445, %dma_start3A_446] : memref<16x512xf32, #tpu.memory_space<vmem>> -> memref<1x512xf32, #tpu.memory_space<vmem>>
      %dma_start3A_448 = tpu.memref_squeeze %dma_start3A_447 : memref<1x512xf32, #tpu.memory_space<vmem>> -> memref<512xf32, #tpu.memory_space<vmem>>
      %dma_start3A_449 = tpu.memref_slice %arg6[%mul3A_432] : memref<13312xi32, #tpu.memory_space<vmem>> -> memref<512xi32, #tpu.memory_space<vmem>>
      %dma_start3A_450 = arith.constant 0 : i32
      %dma_start3A_451 = tpu.memref_slice %arg4[%dma_start3A_444, %dma_start3A_450] : memref<16x1000000xf32, #tpu.memory_space<hbm>> -> memref<1x1000000xf32, #tpu.memory_space<hbm>>
      %dma_start3A_452 = tpu.memref_squeeze %dma_start3A_451 : memref<1x1000000xf32, #tpu.memory_space<hbm>> -> memref<1000000xf32, #tpu.memory_space<hbm>>
      %dma_start3A_453 = arith.constant 0 : i32
      %dma_start3A_454 = tpu.memref_slice %dma_start3A_452[%dma_start3A_453] : memref<1000000xf32, #tpu.memory_space<hbm>> -> memref<1000000xf32, #tpu.memory_space<hbm>>
      tpu.enqueue_indirect_dma source(%dma_start3A_454 : memref<1000000xf32, #tpu.memory_space<hbm>>) target(%dma_start3A_448 : memref<512xf32, #tpu.memory_space<vmem>>) offsets(%dma_start3A_449 : memref<512xi32, #tpu.memory_space<vmem>>) semaphore(%arg10 : memref<!tpu.dma_semaphore, #tpu.memory_space<semaphore_mem>>)
      %dma_start3A_455 = arith.constant 2 : i32
      %dma_start3A_456 = arith.constant 2 : i32
      %dma_start3A_457 = arith.constant 0 : i32
      %dma_start3A_458 = tpu.memref_slice %arg8[%dma_start3A_456, %dma_start3A_457] : memref<16x512xf32, #tpu.memory_space<vmem>> -> memref<1x512xf32, #tpu.memory_space<vmem>>
      %dma_start3A_459 = tpu.memref_squeeze %dma_start3A_458 : memref<1x512xf32, #tpu.memory_space<vmem>> -> memref<512xf32, #tpu.memory_space<vmem>>
      %dma_start3A_460 = tpu.memref_slice %arg6[%mul3A_432] : memref<13312xi32, #tpu.memory_space<vmem>> -> memref<512xi32, #tpu.memory_space<vmem>>
      %dma_start3A_461 = arith.constant 0 : i32
      %dma_start3A_462 = tpu.memref_slice %arg4[%dma_start3A_455, %dma_start3A_461] : memref<16x1000000xf32, #tpu.memory_space<hbm>> -> memref<1x1000000xf32, #tpu.memory_space<hbm>>
      %dma_start3A_463 = tpu.memref_squeeze %dma_start3A_462 : memref<1x1000000xf32, #tpu.memory_space<hbm>> -> memref<1000000xf32, #tpu.memory_space<hbm>>
      %dma_start3A_464 = arith.constant 0 : i32
      %dma_start3A_465 = tpu.memref_slice %dma_start3A_463[%dma_start3A_464] : memref<1000000xf32, #tpu.memory_space<hbm>> -> memref<1000000xf32, #tpu.memory_space<hbm>>
      tpu.enqueue_indirect_dma source(%dma_start3A_465 : memref<1000000xf32, #tpu.memory_space<hbm>>) target(%dma_start3A_459 : memref<512xf32, #tpu.memory_space<vmem>>) offsets(%dma_start3A_460 : memref<512xi32, #tpu.memory_space<vmem>>) semaphore(%arg10 : memref<!tpu.dma_semaphore, #tpu.memory_space<semaphore_mem>>)
      %dma_start3A_466 = arith.constant 3 : i32
      %dma_start3A_467 = arith.constant 3 : i32
      %dma_start3A_468 = arith.constant 0 : i32
      %dma_start3A_469 = tpu.memref_slice %arg8[%dma_start3A_467, %dma_start3A_468] : memref<16x512xf32, #tpu.memory_space<vmem>> -> memref<1x512xf32, #tpu.memory_space<vmem>>
      %dma_start3A_470 = tpu.memref_squeeze %dma_start3A_469 : memref<1x512xf32, #tpu.memory_space<vmem>> -> memref<512xf32, #tpu.memory_space<vmem>>
      %dma_start3A_471 = tpu.memref_slice %arg6[%mul3A_432] : memref<13312xi32, #tpu.memory_space<vmem>> -> memref<512xi32, #tpu.memory_space<vmem>>
      %dma_start3A_472 = arith.constant 0 : i32
      %dma_start3A_473 = tpu.memref_slice %arg4[%dma_start3A_466, %dma_start3A_472] : memref<16x1000000xf32, #tpu.memory_space<hbm>> -> memref<1x1000000xf32, #tpu.memory_space<hbm>>
      %dma_start3A_474 = tpu.memref_squeeze %dma_start3A_473 : memref<1x1000000xf32, #tpu.memory_space<hbm>> -> memref<1000000xf32, #tpu.memory_space<hbm>>
      %dma_start3A_475 = arith.constant 0 : i32
      %dma_start3A_476 = tpu.memref_slice %dma_start3A_474[%dma_start3A_475] : memref<1000000xf32, #tpu.memory_space<hbm>> -> memref<1000000xf32, #tpu.memory_space<hbm>>
      tpu.enqueue_indirect_dma source(%dma_start3A_476 : memref<1000000xf32, #tpu.memory_space<hbm>>) target(%dma_start3A_470 : memref<512xf32, #tpu.memory_space<vmem>>) offsets(%dma_start3A_471 : memref<512xi32, #tpu.memory_space<vmem>>) semaphore(%arg10 : memref<!tpu.dma_semaphore, #tpu.memory_space<semaphore_mem>>)
      %dma_start3A_477 = arith.constant 4 : i32
      %dma_start3A_478 = arith.constant 4 : i32
      %dma_start3A_479 = arith.constant 0 : i32
      %dma_start3A_480 = tpu.memref_slice %arg8[%dma_start3A_478, %dma_start3A_479] : memref<16x512xf32, #tpu.memory_space<vmem>> -> memref<1x512xf32, #tpu.memory_space<vmem>>
      %dma_start3A_481 = tpu.memref_squeeze %dma_start3A_480 : memref<1x512xf32, #tpu.memory_space<vmem>> -> memref<512xf32, #tpu.memory_space<vmem>>
      %dma_start3A_482 = tpu.memref_slice %arg6[%mul3A_432] : memref<13312xi32, #tpu.memory_space<vmem>> -> memref<512xi32, #tpu.memory_space<vmem>>
      %dma_start3A_483 = arith.constant 0 : i32
      %dma_start3A_484 = tpu.memref_slice %arg4[%dma_start3A_477, %dma_start3A_483] : memref<16x1000000xf32, #tpu.memory_space<hbm>> -> memref<1x1000000xf32, #tpu.memory_space<hbm>>
      %dma_start3A_485 = tpu.memref_squeeze %dma_start3A_484 : memref<1x1000000xf32, #tpu.memory_space<hbm>> -> memref<1000000xf32, #tpu.memory_space<hbm>>
      %dma_start3A_486 = arith.constant 0 : i32
      %dma_start3A_487 = tpu.memref_slice %dma_start3A_485[%dma_start3A_486] : memref<1000000xf32, #tpu.memory_space<hbm>> -> memref<1000000xf32, #tpu.memory_space<hbm>>
      tpu.enqueue_indirect_dma source(%dma_start3A_487 : memref<1000000xf32, #tpu.memory_space<hbm>>) target(%dma_start3A_481 : memref<512xf32, #tpu.memory_space<vmem>>) offsets(%dma_start3A_482 : memref<512xi32, #tpu.memory_space<vmem>>) semaphore(%arg10 : memref<!tpu.dma_semaphore, #tpu.memory_space<semaphore_mem>>)
      %dma_start3A_488 = arith.constant 5 : i32
      %dma_start3A_489 = arith.constant 5 : i32
      %dma_start3A_490 = arith.constant 0 : i32
      %dma_start3A_491 = tpu.memref_slice %arg8[%dma_start3A_489, %dma_start3A_490] : memref<16x512xf32, #tpu.memory_space<vmem>> -> memref<1x512xf32, #tpu.memory_space<vmem>>
      %dma_start3A_492 = tpu.memref_squeeze %dma_start3A_491 : memref<1x512xf32, #tpu.memory_space<vmem>> -> memref<512xf32, #tpu.memory_space<vmem>>
      %dma_start3A_493 = tpu.memref_slice %arg6[%mul3A_432] : memref<13312xi32, #tpu.memory_space<vmem>> -> memref<512xi32, #tpu.memory_space<vmem>>
      %dma_start3A_494 = arith.constant 0 : i32
      %dma_start3A_495 = tpu.memref_slice %arg4[%dma_start3A_488, %dma_start3A_494] : memref<16x1000000xf32, #tpu.memory_space<hbm>> -> memref<1x1000000xf32, #tpu.memory_space<hbm>>
      %dma_start3A_496 = tpu.memref_squeeze %dma_start3A_495 : memref<1x1000000xf32, #tpu.memory_space<hbm>> -> memref<1000000xf32, #tpu.memory_space<hbm>>
      %dma_start3A_497 = arith.constant 0 : i32
      %dma_start3A_498 = tpu.memref_slice %dma_start3A_496[%dma_start3A_497] : memref<1000000xf32, #tpu.memory_space<hbm>> -> memref<1000000xf32, #tpu.memory_space<hbm>>
      tpu.enqueue_indirect_dma source(%dma_start3A_498 : memref<1000000xf32, #tpu.memory_space<hbm>>) target(%dma_start3A_492 : memref<512xf32, #tpu.memory_space<vmem>>) offsets(%dma_start3A_493 : memref<512xi32, #tpu.memory_space<vmem>>) semaphore(%arg10 : memref<!tpu.dma_semaphore, #tpu.memory_space<semaphore_mem>>)
      %dma_start3A_499 = arith.constant 6 : i32
      %dma_start3A_500 = arith.constant 6 : i32
      %dma_start3A_501 = arith.constant 0 : i32
      %dma_start3A_502 = tpu.memref_slice %arg8[%dma_start3A_500, %dma_start3A_501] : memref<16x512xf32, #tpu.memory_space<vmem>> -> memref<1x512xf32, #tpu.memory_space<vmem>>
      %dma_start3A_503 = tpu.memref_squeeze %dma_start3A_502 : memref<1x512xf32, #tpu.memory_space<vmem>> -> memref<512xf32, #tpu.memory_space<vmem>>
      %dma_start3A_504 = tpu.memref_slice %arg6[%mul3A_432] : memref<13312xi32, #tpu.memory_space<vmem>> -> memref<512xi32, #tpu.memory_space<vmem>>
      %dma_start3A_505 = arith.constant 0 : i32
      %dma_start3A_506 = tpu.memref_slice %arg4[%dma_start3A_499, %dma_start3A_505] : memref<16x1000000xf32, #tpu.memory_space<hbm>> -> memref<1x1000000xf32, #tpu.memory_space<hbm>>
      %dma_start3A_507 = tpu.memref_squeeze %dma_start3A_506 : memref<1x1000000xf32, #tpu.memory_space<hbm>> -> memref<1000000xf32, #tpu.memory_space<hbm>>
      %dma_start3A_508 = arith.constant 0 : i32
      %dma_start3A_509 = tpu.memref_slice %dma_start3A_507[%dma_start3A_508] : memref<1000000xf32, #tpu.memory_space<hbm>> -> memref<1000000xf32, #tpu.memory_space<hbm>>
      tpu.enqueue_indirect_dma source(%dma_start3A_509 : memref<1000000xf32, #tpu.memory_space<hbm>>) target(%dma_start3A_503 : memref<512xf32, #tpu.memory_space<vmem>>) offsets(%dma_start3A_504 : memref<512xi32, #tpu.memory_space<vmem>>) semaphore(%arg10 : memref<!tpu.dma_semaphore, #tpu.memory_space<semaphore_mem>>)
      %dma_start3A_510 = arith.constant 7 : i32
      %dma_start3A_511 = arith.constant 7 : i32
      %dma_start3A_512 = arith.constant 0 : i32
      %dma_start3A_513 = tpu.memref_slice %arg8[%dma_start3A_511, %dma_start3A_512] : memref<16x512xf32, #tpu.memory_space<vmem>> -> memref<1x512xf32, #tpu.memory_space<vmem>>
      %dma_start3A_514 = tpu.memref_squeeze %dma_start3A_513 : memref<1x512xf32, #tpu.memory_space<vmem>> -> memref<512xf32, #tpu.memory_space<vmem>>
      %dma_start3A_515 = tpu.memref_slice %arg6[%mul3A_432] : memref<13312xi32, #tpu.memory_space<vmem>> -> memref<512xi32, #tpu.memory_space<vmem>>
      %dma_start3A_516 = arith.constant 0 : i32
      %dma_start3A_517 = tpu.memref_slice %arg4[%dma_start3A_510, %dma_start3A_516] : memref<16x1000000xf32, #tpu.memory_space<hbm>> -> memref<1x1000000xf32, #tpu.memory_space<hbm>>
      %dma_start3A_518 = tpu.memref_squeeze %dma_start3A_517 : memref<1x1000000xf32, #tpu.memory_space<hbm>> -> memref<1000000xf32, #tpu.memory_space<hbm>>
      %dma_start3A_519 = arith.constant 0 : i32
      %dma_start3A_520 = tpu.memref_slice %dma_start3A_518[%dma_start3A_519] : memref<1000000xf32, #tpu.memory_space<hbm>> -> memref<1000000xf32, #tpu.memory_space<hbm>>
      tpu.enqueue_indirect_dma source(%dma_start3A_520 : memref<1000000xf32, #tpu.memory_space<hbm>>) target(%dma_start3A_514 : memref<512xf32, #tpu.memory_space<vmem>>) offsets(%dma_start3A_515 : memref<512xi32, #tpu.memory_space<vmem>>) semaphore(%arg10 : memref<!tpu.dma_semaphore, #tpu.memory_space<semaphore_mem>>)
      %dma_start3A_521 = arith.constant 8 : i32
      %dma_start3A_522 = arith.constant 8 : i32
      %dma_start3A_523 = arith.constant 0 : i32
      %dma_start3A_524 = tpu.memref_slice %arg8[%dma_start3A_522, %dma_start3A_523] : memref<16x512xf32, #tpu.memory_space<vmem>> -> memref<1x512xf32, #tpu.memory_space<vmem>>
      %dma_start3A_525 = tpu.memref_squeeze %dma_start3A_524 : memref<1x512xf32, #tpu.memory_space<vmem>> -> memref<512xf32, #tpu.memory_space<vmem>>
      %dma_start3A_526 = tpu.memref_slice %arg6[%mul3A_432] : memref<13312xi32, #tpu.memory_space<vmem>> -> memref<512xi32, #tpu.memory_space<vmem>>
      %dma_start3A_527 = arith.constant 0 : i32
      %dma_start3A_528 = tpu.memref_slice %arg4[%dma_start3A_521, %dma_start3A_527] : memref<16x1000000xf32, #tpu.memory_space<hbm>> -> memref<1x1000000xf32, #tpu.memory_space<hbm>>
      %dma_start3A_529 = tpu.memref_squeeze %dma_start3A_528 : memref<1x1000000xf32, #tpu.memory_space<hbm>> -> memref<1000000xf32, #tpu.memory_space<hbm>>
      %dma_start3A_530 = arith.constant 0 : i32
      %dma_start3A_531 = tpu.memref_slice %dma_start3A_529[%dma_start3A_530] : memref<1000000xf32, #tpu.memory_space<hbm>> -> memref<1000000xf32, #tpu.memory_space<hbm>>
      tpu.enqueue_indirect_dma source(%dma_start3A_531 : memref<1000000xf32, #tpu.memory_space<hbm>>) target(%dma_start3A_525 : memref<512xf32, #tpu.memory_space<vmem>>) offsets(%dma_start3A_526 : memref<512xi32, #tpu.memory_space<vmem>>) semaphore(%arg10 : memref<!tpu.dma_semaphore, #tpu.memory_space<semaphore_mem>>)
      %dma_start3A_532 = arith.constant 9 : i32
      %dma_start3A_533 = arith.constant 9 : i32
      %dma_start3A_534 = arith.constant 0 : i32
      %dma_start3A_535 = tpu.memref_slice %arg8[%dma_start3A_533, %dma_start3A_534] : memref<16x512xf32, #tpu.memory_space<vmem>> -> memref<1x512xf32, #tpu.memory_space<vmem>>
      %dma_start3A_536 = tpu.memref_squeeze %dma_start3A_535 : memref<1x512xf32, #tpu.memory_space<vmem>> -> memref<512xf32, #tpu.memory_space<vmem>>
      %dma_start3A_537 = tpu.memref_slice %arg6[%mul3A_432] : memref<13312xi32, #tpu.memory_space<vmem>> -> memref<512xi32, #tpu.memory_space<vmem>>
      %dma_start3A_538 = arith.constant 0 : i32
      %dma_start3A_539 = tpu.memref_slice %arg4[%dma_start3A_532, %dma_start3A_538] : memref<16x1000000xf32, #tpu.memory_space<hbm>> -> memref<1x1000000xf32, #tpu.memory_space<hbm>>
      %dma_start3A_540 = tpu.memref_squeeze %dma_start3A_539 : memref<1x1000000xf32, #tpu.memory_space<hbm>> -> memref<1000000xf32, #tpu.memory_space<hbm>>
      %dma_start3A_541 = arith.constant 0 : i32
      %dma_start3A_542 = tpu.memref_slice %dma_start3A_540[%dma_start3A_541] : memref<1000000xf32, #tpu.memory_space<hbm>> -> memref<1000000xf32, #tpu.memory_space<hbm>>
      tpu.enqueue_indirect_dma source(%dma_start3A_542 : memref<1000000xf32, #tpu.memory_space<hbm>>) target(%dma_start3A_536 : memref<512xf32, #tpu.memory_space<vmem>>) offsets(%dma_start3A_537 : memref<512xi32, #tpu.memory_space<vmem>>) semaphore(%arg10 : memref<!tpu.dma_semaphore, #tpu.memory_space<semaphore_mem>>)
      %dma_start3A_543 = arith.constant 10 : i32
      %dma_start3A_544 = arith.constant 10 : i32
      %dma_start3A_545 = arith.constant 0 : i32
      %dma_start3A_546 = tpu.memref_slice %arg8[%dma_start3A_544, %dma_start3A_545] : memref<16x512xf32, #tpu.memory_space<vmem>> -> memref<1x512xf32, #tpu.memory_space<vmem>>
      %dma_start3A_547 = tpu.memref_squeeze %dma_start3A_546 : memref<1x512xf32, #tpu.memory_space<vmem>> -> memref<512xf32, #tpu.memory_space<vmem>>
      %dma_start3A_548 = tpu.memref_slice %arg6[%mul3A_432] : memref<13312xi32, #tpu.memory_space<vmem>> -> memref<512xi32, #tpu.memory_space<vmem>>
      %dma_start3A_549 = arith.constant 0 : i32
      %dma_start3A_550 = tpu.memref_slice %arg4[%dma_start3A_543, %dma_start3A_549] : memref<16x1000000xf32, #tpu.memory_space<hbm>> -> memref<1x1000000xf32, #tpu.memory_space<hbm>>
      %dma_start3A_551 = tpu.memref_squeeze %dma_start3A_550 : memref<1x1000000xf32, #tpu.memory_space<hbm>> -> memref<1000000xf32, #tpu.memory_space<hbm>>
      %dma_start3A_552 = arith.constant 0 : i32
      %dma_start3A_553 = tpu.memref_slice %dma_start3A_551[%dma_start3A_552] : memref<1000000xf32, #tpu.memory_space<hbm>> -> memref<1000000xf32, #tpu.memory_space<hbm>>
      tpu.enqueue_indirect_dma source(%dma_start3A_553 : memref<1000000xf32, #tpu.memory_space<hbm>>) target(%dma_start3A_547 : memref<512xf32, #tpu.memory_space<vmem>>) offsets(%dma_start3A_548 : memref<512xi32, #tpu.memory_space<vmem>>) semaphore(%arg10 : memref<!tpu.dma_semaphore, #tpu.memory_space<semaphore_mem>>)
      %dma_start3A_554 = arith.constant 11 : i32
      %dma_start3A_555 = arith.constant 11 : i32
      %dma_start3A_556 = arith.constant 0 : i32
      %dma_start3A_557 = tpu.memref_slice %arg8[%dma_start3A_555, %dma_start3A_556] : memref<16x512xf32, #tpu.memory_space<vmem>> -> memref<1x512xf32, #tpu.memory_space<vmem>>
      %dma_start3A_558 = tpu.memref_squeeze %dma_start3A_557 : memref<1x512xf32, #tpu.memory_space<vmem>> -> memref<512xf32, #tpu.memory_space<vmem>>
      %dma_start3A_559 = tpu.memref_slice %arg6[%mul3A_432] : memref<13312xi32, #tpu.memory_space<vmem>> -> memref<512xi32, #tpu.memory_space<vmem>>
      %dma_start3A_560 = arith.constant 0 : i32
      %dma_start3A_561 = tpu.memref_slice %arg4[%dma_start3A_554, %dma_start3A_560] : memref<16x1000000xf32, #tpu.memory_space<hbm>> -> memref<1x1000000xf32, #tpu.memory_space<hbm>>
      %dma_start3A_562 = tpu.memref_squeeze %dma_start3A_561 : memref<1x1000000xf32, #tpu.memory_space<hbm>> -> memref<1000000xf32, #tpu.memory_space<hbm>>
      %dma_start3A_563 = arith.constant 0 : i32
      %dma_start3A_564 = tpu.memref_slice %dma_start3A_562[%dma_start3A_563] : memref<1000000xf32, #tpu.memory_space<hbm>> -> memref<1000000xf32, #tpu.memory_space<hbm>>
      tpu.enqueue_indirect_dma source(%dma_start3A_564 : memref<1000000xf32, #tpu.memory_space<hbm>>) target(%dma_start3A_558 : memref<512xf32, #tpu.memory_space<vmem>>) offsets(%dma_start3A_559 : memref<512xi32, #tpu.memory_space<vmem>>) semaphore(%arg10 : memref<!tpu.dma_semaphore, #tpu.memory_space<semaphore_mem>>)
      %dma_start3A_565 = arith.constant 12 : i32
      %dma_start3A_566 = arith.constant 12 : i32
      %dma_start3A_567 = arith.constant 0 : i32
      %dma_start3A_568 = tpu.memref_slice %arg8[%dma_start3A_566, %dma_start3A_567] : memref<16x512xf32, #tpu.memory_space<vmem>> -> memref<1x512xf32, #tpu.memory_space<vmem>>
      %dma_start3A_569 = tpu.memref_squeeze %dma_start3A_568 : memref<1x512xf32, #tpu.memory_space<vmem>> -> memref<512xf32, #tpu.memory_space<vmem>>
      %dma_start3A_570 = tpu.memref_slice %arg6[%mul3A_432] : memref<13312xi32, #tpu.memory_space<vmem>> -> memref<512xi32, #tpu.memory_space<vmem>>
      %dma_start3A_571 = arith.constant 0 : i32
      %dma_start3A_572 = tpu.memref_slice %arg4[%dma_start3A_565, %dma_start3A_571] : memref<16x1000000xf32, #tpu.memory_space<hbm>> -> memref<1x1000000xf32, #tpu.memory_space<hbm>>
      %dma_start3A_573 = tpu.memref_squeeze %dma_start3A_572 : memref<1x1000000xf32, #tpu.memory_space<hbm>> -> memref<1000000xf32, #tpu.memory_space<hbm>>
      %dma_start3A_574 = arith.constant 0 : i32
      %dma_start3A_575 = tpu.memref_slice %dma_start3A_573[%dma_start3A_574] : memref<1000000xf32, #tpu.memory_space<hbm>> -> memref<1000000xf32, #tpu.memory_space<hbm>>
      tpu.enqueue_indirect_dma source(%dma_start3A_575 : memref<1000000xf32, #tpu.memory_space<hbm>>) target(%dma_start3A_569 : memref<512xf32, #tpu.memory_space<vmem>>) offsets(%dma_start3A_570 : memref<512xi32, #tpu.memory_space<vmem>>) semaphore(%arg10 : memref<!tpu.dma_semaphore, #tpu.memory_space<semaphore_mem>>)
      %dma_start3A_576 = arith.constant 13 : i32
      %dma_start3A_577 = arith.constant 13 : i32
      %dma_start3A_578 = arith.constant 0 : i32
      %dma_start3A_579 = tpu.memref_slice %arg8[%dma_start3A_577, %dma_start3A_578] : memref<16x512xf32, #tpu.memory_space<vmem>> -> memref<1x512xf32, #tpu.memory_space<vmem>>
      %dma_start3A_580 = tpu.memref_squeeze %dma_start3A_579 : memref<1x512xf32, #tpu.memory_space<vmem>> -> memref<512xf32, #tpu.memory_space<vmem>>
      %dma_start3A_581 = tpu.memref_slice %arg6[%mul3A_432] : memref<13312xi32, #tpu.memory_space<vmem>> -> memref<512xi32, #tpu.memory_space<vmem>>
      %dma_start3A_582 = arith.constant 0 : i32
      %dma_start3A_583 = tpu.memref_slice %arg4[%dma_start3A_576, %dma_start3A_582] : memref<16x1000000xf32, #tpu.memory_space<hbm>> -> memref<1x1000000xf32, #tpu.memory_space<hbm>>
      %dma_start3A_584 = tpu.memref_squeeze %dma_start3A_583 : memref<1x1000000xf32, #tpu.memory_space<hbm>> -> memref<1000000xf32, #tpu.memory_space<hbm>>
      %dma_start3A_585 = arith.constant 0 : i32
      %dma_start3A_586 = tpu.memref_slice %dma_start3A_584[%dma_start3A_585] : memref<1000000xf32, #tpu.memory_space<hbm>> -> memref<1000000xf32, #tpu.memory_space<hbm>>
      tpu.enqueue_indirect_dma source(%dma_start3A_586 : memref<1000000xf32, #tpu.memory_space<hbm>>) target(%dma_start3A_580 : memref<512xf32, #tpu.memory_space<vmem>>) offsets(%dma_start3A_581 : memref<512xi32, #tpu.memory_space<vmem>>) semaphore(%arg10 : memref<!tpu.dma_semaphore, #tpu.memory_space<semaphore_mem>>)
      %dma_start3A_587 = arith.constant 14 : i32
      %dma_start3A_588 = arith.constant 14 : i32
      %dma_start3A_589 = arith.constant 0 : i32
      %dma_start3A_590 = tpu.memref_slice %arg8[%dma_start3A_588, %dma_start3A_589] : memref<16x512xf32, #tpu.memory_space<vmem>> -> memref<1x512xf32, #tpu.memory_space<vmem>>
      %dma_start3A_591 = tpu.memref_squeeze %dma_start3A_590 : memref<1x512xf32, #tpu.memory_space<vmem>> -> memref<512xf32, #tpu.memory_space<vmem>>
      %dma_start3A_592 = tpu.memref_slice %arg6[%mul3A_432] : memref<13312xi32, #tpu.memory_space<vmem>> -> memref<512xi32, #tpu.memory_space<vmem>>
      %dma_start3A_593 = arith.constant 0 : i32
      %dma_start3A_594 = tpu.memref_slice %arg4[%dma_start3A_587, %dma_start3A_593] : memref<16x1000000xf32, #tpu.memory_space<hbm>> -> memref<1x1000000xf32, #tpu.memory_space<hbm>>
      %dma_start3A_595 = tpu.memref_squeeze %dma_start3A_594 : memref<1x1000000xf32, #tpu.memory_space<hbm>> -> memref<1000000xf32, #tpu.memory_space<hbm>>
      %dma_start3A_596 = arith.constant 0 : i32
      %dma_start3A_597 = tpu.memref_slice %dma_start3A_595[%dma_start3A_596] : memref<1000000xf32, #tpu.memory_space<hbm>> -> memref<1000000xf32, #tpu.memory_space<hbm>>
      tpu.enqueue_indirect_dma source(%dma_start3A_597 : memref<1000000xf32, #tpu.memory_space<hbm>>) target(%dma_start3A_591 : memref<512xf32, #tpu.memory_space<vmem>>) offsets(%dma_start3A_592 : memref<512xi32, #tpu.memory_space<vmem>>) semaphore(%arg10 : memref<!tpu.dma_semaphore, #tpu.memory_space<semaphore_mem>>)
      %dma_start3A_598 = arith.constant 15 : i32
      %dma_start3A_599 = arith.constant 15 : i32
      %dma_start3A_600 = arith.constant 0 : i32
      %dma_start3A_601 = tpu.memref_slice %arg8[%dma_start3A_599, %dma_start3A_600] : memref<16x512xf32, #tpu.memory_space<vmem>> -> memref<1x512xf32, #tpu.memory_space<vmem>>
      %dma_start3A_602 = tpu.memref_squeeze %dma_start3A_601 : memref<1x512xf32, #tpu.memory_space<vmem>> -> memref<512xf32, #tpu.memory_space<vmem>>
      %dma_start3A_603 = tpu.memref_slice %arg6[%mul3A_432] : memref<13312xi32, #tpu.memory_space<vmem>> -> memref<512xi32, #tpu.memory_space<vmem>>
      %dma_start3A_604 = arith.constant 0 : i32
      %dma_start3A_605 = tpu.memref_slice %arg4[%dma_start3A_598, %dma_start3A_604] : memref<16x1000000xf32, #tpu.memory_space<hbm>> -> memref<1x1000000xf32, #tpu.memory_space<hbm>>
      %dma_start3A_606 = tpu.memref_squeeze %dma_start3A_605 : memref<1x1000000xf32, #tpu.memory_space<hbm>> -> memref<1000000xf32, #tpu.memory_space<hbm>>
      %dma_start3A_607 = arith.constant 0 : i32
      %dma_start3A_608 = tpu.memref_slice %dma_start3A_606[%dma_start3A_607] : memref<1000000xf32, #tpu.memory_space<hbm>> -> memref<1000000xf32, #tpu.memory_space<hbm>>
      tpu.enqueue_indirect_dma source(%dma_start3A_608 : memref<1000000xf32, #tpu.memory_space<hbm>>) target(%dma_start3A_602 : memref<512xf32, #tpu.memory_space<vmem>>) offsets(%dma_start3A_603 : memref<512xi32, #tpu.memory_space<vmem>>) semaphore(%arg10 : memref<!tpu.dma_semaphore, #tpu.memory_space<semaphore_mem>>)
      %dma_wait3A_609 = arith.constant 0 : i32
      %dma_wait3A_610 = arith.constant 0 : i32
      %dma_wait3A_611 = arith.constant 0 : i32
      %dma_wait3A_612 = tpu.memref_slice %arg8[%dma_wait3A_610, %dma_wait3A_611] : memref<16x512xf32, #tpu.memory_space<vmem>> -> memref<1x512xf32, #tpu.memory_space<vmem>>
      %dma_wait3A_613 = tpu.memref_squeeze %dma_wait3A_612 : memref<1x512xf32, #tpu.memory_space<vmem>> -> memref<512xf32, #tpu.memory_space<vmem>>
      %dma_wait3A_614 = tpu.memref_slice %arg6[%mul3A_432] : memref<13312xi32, #tpu.memory_space<vmem>> -> memref<512xi32, #tpu.memory_space<vmem>>
      %dma_wait3A_615 = arith.constant 0 : i32
      %dma_wait3A_616 = tpu.memref_slice %arg4[%dma_wait3A_609, %dma_wait3A_615] : memref<16x1000000xf32, #tpu.memory_space<hbm>> -> memref<1x1000000xf32, #tpu.memory_space<hbm>>
      %dma_wait3A_617 = tpu.memref_squeeze %dma_wait3A_616 : memref<1x1000000xf32, #tpu.memory_space<hbm>> -> memref<1000000xf32, #tpu.memory_space<hbm>>
      %dma_wait3A_618 = arith.constant 0 : i32
      %dma_wait3A_619 = tpu.memref_slice %dma_wait3A_617[%dma_wait3A_618] : memref<1000000xf32, #tpu.memory_space<hbm>> -> memref<1000000xf32, #tpu.memory_space<hbm>>
      tpu.wait_indirect_dma semaphore(%arg10 : memref<!tpu.dma_semaphore, #tpu.memory_space<semaphore_mem>>) src(%dma_wait3A_619 : memref<1000000xf32, #tpu.memory_space<hbm>>) dst(%dma_wait3A_613 : memref<512xf32, #tpu.memory_space<vmem>>)
      %dma_wait3A_620 = arith.constant 1 : i32
      %dma_wait3A_621 = arith.constant 1 : i32
      %dma_wait3A_622 = arith.constant 0 : i32
      %dma_wait3A_623 = tpu.memref_slice %arg8[%dma_wait3A_621, %dma_wait3A_622] : memref<16x512xf32, #tpu.memory_space<vmem>> -> memref<1x512xf32, #tpu.memory_space<vmem>>
      %dma_wait3A_624 = tpu.memref_squeeze %dma_wait3A_623 : memref<1x512xf32, #tpu.memory_space<vmem>> -> memref<512xf32, #tpu.memory_space<vmem>>
      %dma_wait3A_625 = tpu.memref_slice %arg6[%mul3A_432] : memref<13312xi32, #tpu.memory_space<vmem>> -> memref<512xi32, #tpu.memory_space<vmem>>
      %dma_wait3A_626 = arith.constant 0 : i32
      %dma_wait3A_627 = tpu.memref_slice %arg4[%dma_wait3A_620, %dma_wait3A_626] : memref<16x1000000xf32, #tpu.memory_space<hbm>> -> memref<1x1000000xf32, #tpu.memory_space<hbm>>
      %dma_wait3A_628 = tpu.memref_squeeze %dma_wait3A_627 : memref<1x1000000xf32, #tpu.memory_space<hbm>> -> memref<1000000xf32, #tpu.memory_space<hbm>>
      %dma_wait3A_629 = arith.constant 0 : i32
      %dma_wait3A_630 = tpu.memref_slice %dma_wait3A_628[%dma_wait3A_629] : memref<1000000xf32, #tpu.memory_space<hbm>> -> memref<1000000xf32, #tpu.memory_space<hbm>>
      tpu.wait_indirect_dma semaphore(%arg10 : memref<!tpu.dma_semaphore, #tpu.memory_space<semaphore_mem>>) src(%dma_wait3A_630 : memref<1000000xf32, #tpu.memory_space<hbm>>) dst(%dma_wait3A_624 : memref<512xf32, #tpu.memory_space<vmem>>)
      %dma_wait3A_631 = arith.constant 2 : i32
      %dma_wait3A_632 = arith.constant 2 : i32
      %dma_wait3A_633 = arith.constant 0 : i32
      %dma_wait3A_634 = tpu.memref_slice %arg8[%dma_wait3A_632, %dma_wait3A_633] : memref<16x512xf32, #tpu.memory_space<vmem>> -> memref<1x512xf32, #tpu.memory_space<vmem>>
      %dma_wait3A_635 = tpu.memref_squeeze %dma_wait3A_634 : memref<1x512xf32, #tpu.memory_space<vmem>> -> memref<512xf32, #tpu.memory_space<vmem>>
      %dma_wait3A_636 = tpu.memref_slice %arg6[%mul3A_432] : memref<13312xi32, #tpu.memory_space<vmem>> -> memref<512xi32, #tpu.memory_space<vmem>>
      %dma_wait3A_637 = arith.constant 0 : i32
      %dma_wait3A_638 = tpu.memref_slice %arg4[%dma_wait3A_631, %dma_wait3A_637] : memref<16x1000000xf32, #tpu.memory_space<hbm>> -> memref<1x1000000xf32, #tpu.memory_space<hbm>>
      %dma_wait3A_639 = tpu.memref_squeeze %dma_wait3A_638 : memref<1x1000000xf32, #tpu.memory_space<hbm>> -> memref<1000000xf32, #tpu.memory_space<hbm>>
      %dma_wait3A_640 = arith.constant 0 : i32
      %dma_wait3A_641 = tpu.memref_slice %dma_wait3A_639[%dma_wait3A_640] : memref<1000000xf32, #tpu.memory_space<hbm>> -> memref<1000000xf32, #tpu.memory_space<hbm>>
      tpu.wait_indirect_dma semaphore(%arg10 : memref<!tpu.dma_semaphore, #tpu.memory_space<semaphore_mem>>) src(%dma_wait3A_641 : memref<1000000xf32, #tpu.memory_space<hbm>>) dst(%dma_wait3A_635 : memref<512xf32, #tpu.memory_space<vmem>>)
      %dma_wait3A_642 = arith.constant 3 : i32
      %dma_wait3A_643 = arith.constant 3 : i32
      %dma_wait3A_644 = arith.constant 0 : i32
      %dma_wait3A_645 = tpu.memref_slice %arg8[%dma_wait3A_643, %dma_wait3A_644] : memref<16x512xf32, #tpu.memory_space<vmem>> -> memref<1x512xf32, #tpu.memory_space<vmem>>
      %dma_wait3A_646 = tpu.memref_squeeze %dma_wait3A_645 : memref<1x512xf32, #tpu.memory_space<vmem>> -> memref<512xf32, #tpu.memory_space<vmem>>
      %dma_wait3A_647 = tpu.memref_slice %arg6[%mul3A_432] : memref<13312xi32, #tpu.memory_space<vmem>> -> memref<512xi32, #tpu.memory_space<vmem>>
      %dma_wait3A_648 = arith.constant 0 : i32
      %dma_wait3A_649 = tpu.memref_slice %arg4[%dma_wait3A_642, %dma_wait3A_648] : memref<16x1000000xf32, #tpu.memory_space<hbm>> -> memref<1x1000000xf32, #tpu.memory_space<hbm>>
      %dma_wait3A_650 = tpu.memref_squeeze %dma_wait3A_649 : memref<1x1000000xf32, #tpu.memory_space<hbm>> -> memref<1000000xf32, #tpu.memory_space<hbm>>
      %dma_wait3A_651 = arith.constant 0 : i32
      %dma_wait3A_652 = tpu.memref_slice %dma_wait3A_650[%dma_wait3A_651] : memref<1000000xf32, #tpu.memory_space<hbm>> -> memref<1000000xf32, #tpu.memory_space<hbm>>
      tpu.wait_indirect_dma semaphore(%arg10 : memref<!tpu.dma_semaphore, #tpu.memory_space<semaphore_mem>>) src(%dma_wait3A_652 : memref<1000000xf32, #tpu.memory_space<hbm>>) dst(%dma_wait3A_646 : memref<512xf32, #tpu.memory_space<vmem>>)
      %dma_wait3A_653 = arith.constant 4 : i32
      %dma_wait3A_654 = arith.constant 4 : i32
      %dma_wait3A_655 = arith.constant 0 : i32
      %dma_wait3A_656 = tpu.memref_slice %arg8[%dma_wait3A_654, %dma_wait3A_655] : memref<16x512xf32, #tpu.memory_space<vmem>> -> memref<1x512xf32, #tpu.memory_space<vmem>>
      %dma_wait3A_657 = tpu.memref_squeeze %dma_wait3A_656 : memref<1x512xf32, #tpu.memory_space<vmem>> -> memref<512xf32, #tpu.memory_space<vmem>>
      %dma_wait3A_658 = tpu.memref_slice %arg6[%mul3A_432] : memref<13312xi32, #tpu.memory_space<vmem>> -> memref<512xi32, #tpu.memory_space<vmem>>
      %dma_wait3A_659 = arith.constant 0 : i32
      %dma_wait3A_660 = tpu.memref_slice %arg4[%dma_wait3A_653, %dma_wait3A_659] : memref<16x1000000xf32, #tpu.memory_space<hbm>> -> memref<1x1000000xf32, #tpu.memory_space<hbm>>
      %dma_wait3A_661 = tpu.memref_squeeze %dma_wait3A_660 : memref<1x1000000xf32, #tpu.memory_space<hbm>> -> memref<1000000xf32, #tpu.memory_space<hbm>>
      %dma_wait3A_662 = arith.constant 0 : i32
      %dma_wait3A_663 = tpu.memref_slice %dma_wait3A_661[%dma_wait3A_662] : memref<1000000xf32, #tpu.memory_space<hbm>> -> memref<1000000xf32, #tpu.memory_space<hbm>>
      tpu.wait_indirect_dma semaphore(%arg10 : memref<!tpu.dma_semaphore, #tpu.memory_space<semaphore_mem>>) src(%dma_wait3A_663 : memref<1000000xf32, #tpu.memory_space<hbm>>) dst(%dma_wait3A_657 : memref<512xf32, #tpu.memory_space<vmem>>)
      %dma_wait3A_664 = arith.constant 5 : i32
      %dma_wait3A_665 = arith.constant 5 : i32
      %dma_wait3A_666 = arith.constant 0 : i32
      %dma_wait3A_667 = tpu.memref_slice %arg8[%dma_wait3A_665, %dma_wait3A_666] : memref<16x512xf32, #tpu.memory_space<vmem>> -> memref<1x512xf32, #tpu.memory_space<vmem>>
      %dma_wait3A_668 = tpu.memref_squeeze %dma_wait3A_667 : memref<1x512xf32, #tpu.memory_space<vmem>> -> memref<512xf32, #tpu.memory_space<vmem>>
      %dma_wait3A_669 = tpu.memref_slice %arg6[%mul3A_432] : memref<13312xi32, #tpu.memory_space<vmem>> -> memref<512xi32, #tpu.memory_space<vmem>>
      %dma_wait3A_670 = arith.constant 0 : i32
      %dma_wait3A_671 = tpu.memref_slice %arg4[%dma_wait3A_664, %dma_wait3A_670] : memref<16x1000000xf32, #tpu.memory_space<hbm>> -> memref<1x1000000xf32, #tpu.memory_space<hbm>>
      %dma_wait3A_672 = tpu.memref_squeeze %dma_wait3A_671 : memref<1x1000000xf32, #tpu.memory_space<hbm>> -> memref<1000000xf32, #tpu.memory_space<hbm>>
      %dma_wait3A_673 = arith.constant 0 : i32
      %dma_wait3A_674 = tpu.memref_slice %dma_wait3A_672[%dma_wait3A_673] : memref<1000000xf32, #tpu.memory_space<hbm>> -> memref<1000000xf32, #tpu.memory_space<hbm>>
      tpu.wait_indirect_dma semaphore(%arg10 : memref<!tpu.dma_semaphore, #tpu.memory_space<semaphore_mem>>) src(%dma_wait3A_674 : memref<1000000xf32, #tpu.memory_space<hbm>>) dst(%dma_wait3A_668 : memref<512xf32, #tpu.memory_space<vmem>>)
      %dma_wait3A_675 = arith.constant 6 : i32
      %dma_wait3A_676 = arith.constant 6 : i32
      %dma_wait3A_677 = arith.constant 0 : i32
      %dma_wait3A_678 = tpu.memref_slice %arg8[%dma_wait3A_676, %dma_wait3A_677] : memref<16x512xf32, #tpu.memory_space<vmem>> -> memref<1x512xf32, #tpu.memory_space<vmem>>
      %dma_wait3A_679 = tpu.memref_squeeze %dma_wait3A_678 : memref<1x512xf32, #tpu.memory_space<vmem>> -> memref<512xf32, #tpu.memory_space<vmem>>
      %dma_wait3A_680 = tpu.memref_slice %arg6[%mul3A_432] : memref<13312xi32, #tpu.memory_space<vmem>> -> memref<512xi32, #tpu.memory_space<vmem>>
      %dma_wait3A_681 = arith.constant 0 : i32
      %dma_wait3A_682 = tpu.memref_slice %arg4[%dma_wait3A_675, %dma_wait3A_681] : memref<16x1000000xf32, #tpu.memory_space<hbm>> -> memref<1x1000000xf32, #tpu.memory_space<hbm>>
      %dma_wait3A_683 = tpu.memref_squeeze %dma_wait3A_682 : memref<1x1000000xf32, #tpu.memory_space<hbm>> -> memref<1000000xf32, #tpu.memory_space<hbm>>
      %dma_wait3A_684 = arith.constant 0 : i32
      %dma_wait3A_685 = tpu.memref_slice %dma_wait3A_683[%dma_wait3A_684] : memref<1000000xf32, #tpu.memory_space<hbm>> -> memref<1000000xf32, #tpu.memory_space<hbm>>
      tpu.wait_indirect_dma semaphore(%arg10 : memref<!tpu.dma_semaphore, #tpu.memory_space<semaphore_mem>>) src(%dma_wait3A_685 : memref<1000000xf32, #tpu.memory_space<hbm>>) dst(%dma_wait3A_679 : memref<512xf32, #tpu.memory_space<vmem>>)
      %dma_wait3A_686 = arith.constant 7 : i32
      %dma_wait3A_687 = arith.constant 7 : i32
      %dma_wait3A_688 = arith.constant 0 : i32
      %dma_wait3A_689 = tpu.memref_slice %arg8[%dma_wait3A_687, %dma_wait3A_688] : memref<16x512xf32, #tpu.memory_space<vmem>> -> memref<1x512xf32, #tpu.memory_space<vmem>>
      %dma_wait3A_690 = tpu.memref_squeeze %dma_wait3A_689 : memref<1x512xf32, #tpu.memory_space<vmem>> -> memref<512xf32, #tpu.memory_space<vmem>>
      %dma_wait3A_691 = tpu.memref_slice %arg6[%mul3A_432] : memref<13312xi32, #tpu.memory_space<vmem>> -> memref<512xi32, #tpu.memory_space<vmem>>
      %dma_wait3A_692 = arith.constant 0 : i32
      %dma_wait3A_693 = tpu.memref_slice %arg4[%dma_wait3A_686, %dma_wait3A_692] : memref<16x1000000xf32, #tpu.memory_space<hbm>> -> memref<1x1000000xf32, #tpu.memory_space<hbm>>
      %dma_wait3A_694 = tpu.memref_squeeze %dma_wait3A_693 : memref<1x1000000xf32, #tpu.memory_space<hbm>> -> memref<1000000xf32, #tpu.memory_space<hbm>>
      %dma_wait3A_695 = arith.constant 0 : i32
      %dma_wait3A_696 = tpu.memref_slice %dma_wait3A_694[%dma_wait3A_695] : memref<1000000xf32, #tpu.memory_space<hbm>> -> memref<1000000xf32, #tpu.memory_space<hbm>>
      tpu.wait_indirect_dma semaphore(%arg10 : memref<!tpu.dma_semaphore, #tpu.memory_space<semaphore_mem>>) src(%dma_wait3A_696 : memref<1000000xf32, #tpu.memory_space<hbm>>) dst(%dma_wait3A_690 : memref<512xf32, #tpu.memory_space<vmem>>)
      %dma_wait3A_697 = arith.constant 8 : i32
      %dma_wait3A_698 = arith.constant 8 : i32
      %dma_wait3A_699 = arith.constant 0 : i32
      %dma_wait3A_700 = tpu.memref_slice %arg8[%dma_wait3A_698, %dma_wait3A_699] : memref<16x512xf32, #tpu.memory_space<vmem>> -> memref<1x512xf32, #tpu.memory_space<vmem>>
      %dma_wait3A_701 = tpu.memref_squeeze %dma_wait3A_700 : memref<1x512xf32, #tpu.memory_space<vmem>> -> memref<512xf32, #tpu.memory_space<vmem>>
      %dma_wait3A_702 = tpu.memref_slice %arg6[%mul3A_432] : memref<13312xi32, #tpu.memory_space<vmem>> -> memref<512xi32, #tpu.memory_space<vmem>>
      %dma_wait3A_703 = arith.constant 0 : i32
      %dma_wait3A_704 = tpu.memref_slice %arg4[%dma_wait3A_697, %dma_wait3A_703] : memref<16x1000000xf32, #tpu.memory_space<hbm>> -> memref<1x1000000xf32, #tpu.memory_space<hbm>>
      %dma_wait3A_705 = tpu.memref_squeeze %dma_wait3A_704 : memref<1x1000000xf32, #tpu.memory_space<hbm>> -> memref<1000000xf32, #tpu.memory_space<hbm>>
      %dma_wait3A_706 = arith.constant 0 : i32
      %dma_wait3A_707 = tpu.memref_slice %dma_wait3A_705[%dma_wait3A_706] : memref<1000000xf32, #tpu.memory_space<hbm>> -> memref<1000000xf32, #tpu.memory_space<hbm>>
      tpu.wait_indirect_dma semaphore(%arg10 : memref<!tpu.dma_semaphore, #tpu.memory_space<semaphore_mem>>) src(%dma_wait3A_707 : memref<1000000xf32, #tpu.memory_space<hbm>>) dst(%dma_wait3A_701 : memref<512xf32, #tpu.memory_space<vmem>>)
      %dma_wait3A_708 = arith.constant 9 : i32
      %dma_wait3A_709 = arith.constant 9 : i32
      %dma_wait3A_710 = arith.constant 0 : i32
      %dma_wait3A_711 = tpu.memref_slice %arg8[%dma_wait3A_709, %dma_wait3A_710] : memref<16x512xf32, #tpu.memory_space<vmem>> -> memref<1x512xf32, #tpu.memory_space<vmem>>
      %dma_wait3A_712 = tpu.memref_squeeze %dma_wait3A_711 : memref<1x512xf32, #tpu.memory_space<vmem>> -> memref<512xf32, #tpu.memory_space<vmem>>
      %dma_wait3A_713 = tpu.memref_slice %arg6[%mul3A_432] : memref<13312xi32, #tpu.memory_space<vmem>> -> memref<512xi32, #tpu.memory_space<vmem>>
      %dma_wait3A_714 = arith.constant 0 : i32
      %dma_wait3A_715 = tpu.memref_slice %arg4[%dma_wait3A_708, %dma_wait3A_714] : memref<16x1000000xf32, #tpu.memory_space<hbm>> -> memref<1x1000000xf32, #tpu.memory_space<hbm>>
      %dma_wait3A_716 = tpu.memref_squeeze %dma_wait3A_715 : memref<1x1000000xf32, #tpu.memory_space<hbm>> -> memref<1000000xf32, #tpu.memory_space<hbm>>
      %dma_wait3A_717 = arith.constant 0 : i32
      %dma_wait3A_718 = tpu.memref_slice %dma_wait3A_716[%dma_wait3A_717] : memref<1000000xf32, #tpu.memory_space<hbm>> -> memref<1000000xf32, #tpu.memory_space<hbm>>
      tpu.wait_indirect_dma semaphore(%arg10 : memref<!tpu.dma_semaphore, #tpu.memory_space<semaphore_mem>>) src(%dma_wait3A_718 : memref<1000000xf32, #tpu.memory_space<hbm>>) dst(%dma_wait3A_712 : memref<512xf32, #tpu.memory_space<vmem>>)
      %dma_wait3A_719 = arith.constant 10 : i32
      %dma_wait3A_720 = arith.constant 10 : i32
      %dma_wait3A_721 = arith.constant 0 : i32
      %dma_wait3A_722 = tpu.memref_slice %arg8[%dma_wait3A_720, %dma_wait3A_721] : memref<16x512xf32, #tpu.memory_space<vmem>> -> memref<1x512xf32, #tpu.memory_space<vmem>>
      %dma_wait3A_723 = tpu.memref_squeeze %dma_wait3A_722 : memref<1x512xf32, #tpu.memory_space<vmem>> -> memref<512xf32, #tpu.memory_space<vmem>>
      %dma_wait3A_724 = tpu.memref_slice %arg6[%mul3A_432] : memref<13312xi32, #tpu.memory_space<vmem>> -> memref<512xi32, #tpu.memory_space<vmem>>
      %dma_wait3A_725 = arith.constant 0 : i32
      %dma_wait3A_726 = tpu.memref_slice %arg4[%dma_wait3A_719, %dma_wait3A_725] : memref<16x1000000xf32, #tpu.memory_space<hbm>> -> memref<1x1000000xf32, #tpu.memory_space<hbm>>
      %dma_wait3A_727 = tpu.memref_squeeze %dma_wait3A_726 : memref<1x1000000xf32, #tpu.memory_space<hbm>> -> memref<1000000xf32, #tpu.memory_space<hbm>>
      %dma_wait3A_728 = arith.constant 0 : i32
      %dma_wait3A_729 = tpu.memref_slice %dma_wait3A_727[%dma_wait3A_728] : memref<1000000xf32, #tpu.memory_space<hbm>> -> memref<1000000xf32, #tpu.memory_space<hbm>>
      tpu.wait_indirect_dma semaphore(%arg10 : memref<!tpu.dma_semaphore, #tpu.memory_space<semaphore_mem>>) src(%dma_wait3A_729 : memref<1000000xf32, #tpu.memory_space<hbm>>) dst(%dma_wait3A_723 : memref<512xf32, #tpu.memory_space<vmem>>)
      %dma_wait3A_730 = arith.constant 11 : i32
      %dma_wait3A_731 = arith.constant 11 : i32
      %dma_wait3A_732 = arith.constant 0 : i32
      %dma_wait3A_733 = tpu.memref_slice %arg8[%dma_wait3A_731, %dma_wait3A_732] : memref<16x512xf32, #tpu.memory_space<vmem>> -> memref<1x512xf32, #tpu.memory_space<vmem>>
      %dma_wait3A_734 = tpu.memref_squeeze %dma_wait3A_733 : memref<1x512xf32, #tpu.memory_space<vmem>> -> memref<512xf32, #tpu.memory_space<vmem>>
      %dma_wait3A_735 = tpu.memref_slice %arg6[%mul3A_432] : memref<13312xi32, #tpu.memory_space<vmem>> -> memref<512xi32, #tpu.memory_space<vmem>>
      %dma_wait3A_736 = arith.constant 0 : i32
      %dma_wait3A_737 = tpu.memref_slice %arg4[%dma_wait3A_730, %dma_wait3A_736] : memref<16x1000000xf32, #tpu.memory_space<hbm>> -> memref<1x1000000xf32, #tpu.memory_space<hbm>>
      %dma_wait3A_738 = tpu.memref_squeeze %dma_wait3A_737 : memref<1x1000000xf32, #tpu.memory_space<hbm>> -> memref<1000000xf32, #tpu.memory_space<hbm>>
      %dma_wait3A_739 = arith.constant 0 : i32
      %dma_wait3A_740 = tpu.memref_slice %dma_wait3A_738[%dma_wait3A_739] : memref<1000000xf32, #tpu.memory_space<hbm>> -> memref<1000000xf32, #tpu.memory_space<hbm>>
      tpu.wait_indirect_dma semaphore(%arg10 : memref<!tpu.dma_semaphore, #tpu.memory_space<semaphore_mem>>) src(%dma_wait3A_740 : memref<1000000xf32, #tpu.memory_space<hbm>>) dst(%dma_wait3A_734 : memref<512xf32, #tpu.memory_space<vmem>>)
      %dma_wait3A_741 = arith.constant 12 : i32
      %dma_wait3A_742 = arith.constant 12 : i32
      %dma_wait3A_743 = arith.constant 0 : i32
      %dma_wait3A_744 = tpu.memref_slice %arg8[%dma_wait3A_742, %dma_wait3A_743] : memref<16x512xf32, #tpu.memory_space<vmem>> -> memref<1x512xf32, #tpu.memory_space<vmem>>
      %dma_wait3A_745 = tpu.memref_squeeze %dma_wait3A_744 : memref<1x512xf32, #tpu.memory_space<vmem>> -> memref<512xf32, #tpu.memory_space<vmem>>
      %dma_wait3A_746 = tpu.memref_slice %arg6[%mul3A_432] : memref<13312xi32, #tpu.memory_space<vmem>> -> memref<512xi32, #tpu.memory_space<vmem>>
      %dma_wait3A_747 = arith.constant 0 : i32
      %dma_wait3A_748 = tpu.memref_slice %arg4[%dma_wait3A_741, %dma_wait3A_747] : memref<16x1000000xf32, #tpu.memory_space<hbm>> -> memref<1x1000000xf32, #tpu.memory_space<hbm>>
      %dma_wait3A_749 = tpu.memref_squeeze %dma_wait3A_748 : memref<1x1000000xf32, #tpu.memory_space<hbm>> -> memref<1000000xf32, #tpu.memory_space<hbm>>
      %dma_wait3A_750 = arith.constant 0 : i32
      %dma_wait3A_751 = tpu.memref_slice %dma_wait3A_749[%dma_wait3A_750] : memref<1000000xf32, #tpu.memory_space<hbm>> -> memref<1000000xf32, #tpu.memory_space<hbm>>
      tpu.wait_indirect_dma semaphore(%arg10 : memref<!tpu.dma_semaphore, #tpu.memory_space<semaphore_mem>>) src(%dma_wait3A_751 : memref<1000000xf32, #tpu.memory_space<hbm>>) dst(%dma_wait3A_745 : memref<512xf32, #tpu.memory_space<vmem>>)
      %dma_wait3A_752 = arith.constant 13 : i32
      %dma_wait3A_753 = arith.constant 13 : i32
      %dma_wait3A_754 = arith.constant 0 : i32
      %dma_wait3A_755 = tpu.memref_slice %arg8[%dma_wait3A_753, %dma_wait3A_754] : memref<16x512xf32, #tpu.memory_space<vmem>> -> memref<1x512xf32, #tpu.memory_space<vmem>>
      %dma_wait3A_756 = tpu.memref_squeeze %dma_wait3A_755 : memref<1x512xf32, #tpu.memory_space<vmem>> -> memref<512xf32, #tpu.memory_space<vmem>>
      %dma_wait3A_757 = tpu.memref_slice %arg6[%mul3A_432] : memref<13312xi32, #tpu.memory_space<vmem>> -> memref<512xi32, #tpu.memory_space<vmem>>
      %dma_wait3A_758 = arith.constant 0 : i32
      %dma_wait3A_759 = tpu.memref_slice %arg4[%dma_wait3A_752, %dma_wait3A_758] : memref<16x1000000xf32, #tpu.memory_space<hbm>> -> memref<1x1000000xf32, #tpu.memory_space<hbm>>
      %dma_wait3A_760 = tpu.memref_squeeze %dma_wait3A_759 : memref<1x1000000xf32, #tpu.memory_space<hbm>> -> memref<1000000xf32, #tpu.memory_space<hbm>>
      %dma_wait3A_761 = arith.constant 0 : i32
      %dma_wait3A_762 = tpu.memref_slice %dma_wait3A_760[%dma_wait3A_761] : memref<1000000xf32, #tpu.memory_space<hbm>> -> memref<1000000xf32, #tpu.memory_space<hbm>>
      tpu.wait_indirect_dma semaphore(%arg10 : memref<!tpu.dma_semaphore, #tpu.memory_space<semaphore_mem>>) src(%dma_wait3A_762 : memref<1000000xf32, #tpu.memory_space<hbm>>) dst(%dma_wait3A_756 : memref<512xf32, #tpu.memory_space<vmem>>)
      %dma_wait3A_763 = arith.constant 14 : i32
      %dma_wait3A_764 = arith.constant 14 : i32
      %dma_wait3A_765 = arith.constant 0 : i32
      %dma_wait3A_766 = tpu.memref_slice %arg8[%dma_wait3A_764, %dma_wait3A_765] : memref<16x512xf32, #tpu.memory_space<vmem>> -> memref<1x512xf32, #tpu.memory_space<vmem>>
      %dma_wait3A_767 = tpu.memref_squeeze %dma_wait3A_766 : memref<1x512xf32, #tpu.memory_space<vmem>> -> memref<512xf32, #tpu.memory_space<vmem>>
      %dma_wait3A_768 = tpu.memref_slice %arg6[%mul3A_432] : memref<13312xi32, #tpu.memory_space<vmem>> -> memref<512xi32, #tpu.memory_space<vmem>>
      %dma_wait3A_769 = arith.constant 0 : i32
      %dma_wait3A_770 = tpu.memref_slice %arg4[%dma_wait3A_763, %dma_wait3A_769] : memref<16x1000000xf32, #tpu.memory_space<hbm>> -> memref<1x1000000xf32, #tpu.memory_space<hbm>>
      %dma_wait3A_771 = tpu.memref_squeeze %dma_wait3A_770 : memref<1x1000000xf32, #tpu.memory_space<hbm>> -> memref<1000000xf32, #tpu.memory_space<hbm>>
      %dma_wait3A_772 = arith.constant 0 : i32
      %dma_wait3A_773 = tpu.memref_slice %dma_wait3A_771[%dma_wait3A_772] : memref<1000000xf32, #tpu.memory_space<hbm>> -> memref<1000000xf32, #tpu.memory_space<hbm>>
      tpu.wait_indirect_dma semaphore(%arg10 : memref<!tpu.dma_semaphore, #tpu.memory_space<semaphore_mem>>) src(%dma_wait3A_773 : memref<1000000xf32, #tpu.memory_space<hbm>>) dst(%dma_wait3A_767 : memref<512xf32, #tpu.memory_space<vmem>>)
      %dma_wait3A_774 = arith.constant 15 : i32
      %dma_wait3A_775 = arith.constant 15 : i32
      %dma_wait3A_776 = arith.constant 0 : i32
      %dma_wait3A_777 = tpu.memref_slice %arg8[%dma_wait3A_775, %dma_wait3A_776] : memref<16x512xf32, #tpu.memory_space<vmem>> -> memref<1x512xf32, #tpu.memory_space<vmem>>
      %dma_wait3A_778 = tpu.memref_squeeze %dma_wait3A_777 : memref<1x512xf32, #tpu.memory_space<vmem>> -> memref<512xf32, #tpu.memory_space<vmem>>
      %dma_wait3A_779 = tpu.memref_slice %arg6[%mul3A_432] : memref<13312xi32, #tpu.memory_space<vmem>> -> memref<512xi32, #tpu.memory_space<vmem>>
      %dma_wait3A_780 = arith.constant 0 : i32
      %dma_wait3A_781 = tpu.memref_slice %arg4[%dma_wait3A_774, %dma_wait3A_780] : memref<16x1000000xf32, #tpu.memory_space<hbm>> -> memref<1x1000000xf32, #tpu.memory_space<hbm>>
      %dma_wait3A_782 = tpu.memref_squeeze %dma_wait3A_781 : memref<1x1000000xf32, #tpu.memory_space<hbm>> -> memref<1000000xf32, #tpu.memory_space<hbm>>
      %dma_wait3A_783 = arith.constant 0 : i32
      %dma_wait3A_784 = tpu.memref_slice %dma_wait3A_782[%dma_wait3A_783] : memref<1000000xf32, #tpu.memory_space<hbm>> -> memref<1000000xf32, #tpu.memory_space<hbm>>
      tpu.wait_indirect_dma semaphore(%arg10 : memref<!tpu.dma_semaphore, #tpu.memory_space<semaphore_mem>>) src(%dma_wait3A_784 : memref<1000000xf32, #tpu.memory_space<hbm>>) dst(%dma_wait3A_778 : memref<512xf32, #tpu.memory_space<vmem>>)
      %scan3A_785 = arith.constant 0 : i32
      %scan3A_786 = arith.constant 0 : i32
      %scan3A_787 = arith.constant 32 : i32
      %scan3A_788 = arith.addi %scan3A_786, %scan3A_787 : i32
      %scan3A_789 = arith.constant 1 : i32
      scf.for %scan3A_1103 = %scan3A_786 to %scan3A_788 step %scan3A_789  : i32 {
        %mul3A_1104 = arith.constant 512 : i32
        %mul3A_1105 = arith.muli %scan3A_430, %mul3A_1104 : i32
        %mul3A_1106 = arith.constant 16 : i32
        %mul3A_1107 = arith.muli %scan3A_1103, %mul3A_1106 : i32
        %add3A_1108 = arith.addi %mul3A_1105, %mul3A_1107 : i32
        %get3A = arith.index_cast %add3A_1108 : i32 to index
        %get3A_1109 = tpu.vector_load %arg7[%get3A] {strides = array<i32>} : memref<13312xf32, #tpu.memory_space<vmem>>, vector<16xf32>,
        %get3A_1110 = vector.shape_cast %get3A_1109 : vector<16xf32> to vector<16xf32>
        %mul3A_1111 = arith.constant 16 : i32
        %mul3A_1112 = arith.muli %scan3A_1103, %mul3A_1111 : i32
        %get3A_1113 = arith.constant 0 : i32
        %get3A_1114 = arith.index_cast %get3A_1113 : i32 to index
        %get3A_1115 = arith.index_cast %mul3A_1112 : i32 to index
        %get3A_1116 = tpu.vector_load %arg8[%get3A_1114, %get3A_1115] {strides = array<i32>} : memref<16x512xf32, #tpu.memory_space<vmem>>, vector<1x16xf32>,
        %get3A_1117 = vector.shape_cast %get3A_1116 : vector<1x16xf32> to vector<16xf32>
        %mul3A_1118 = arith.mulf %get3A_1117, %get3A_1110 : vector<16xf32>
        %mul3A_1119 = arith.constant 16 : i32
        %mul3A_1120 = arith.muli %scan3A_1103, %mul3A_1119 : i32
        %swap3A = arith.constant 0 : i32
        %swap3A_1121 = arith.index_cast %swap3A : i32 to index
        %swap3A_1122 = arith.index_cast %mul3A_1120 : i32 to index
        %swap3A_1123 = tpu.vector_load %arg8[%swap3A_1121, %swap3A_1122] {strides = array<i32>} : memref<16x512xf32, #tpu.memory_space<vmem>>, vector<1x16xf32>,
        %swap3A_1124 = vector.shape_cast %swap3A_1123 : vector<1x16xf32> to vector<16xf32>
        %swap3A_1125 = vector.shape_cast %mul3A_1118 : vector<16xf32> to vector<1x16xf32>
        tpu.vector_store %arg8[%swap3A_1121, %swap3A_1122], %swap3A_1125 {strides = array<i32>} : memref<16x512xf32, #tpu.memory_space<vmem>>, vector<1x16xf32>,
        %mul3A_1126 = arith.constant 16 : i32
        %mul3A_1127 = arith.muli %scan3A_1103, %mul3A_1126 : i32
        %get3A_1128 = arith.constant 1 : i32
        %get3A_1129 = arith.index_cast %get3A_1128 : i32 to index
        %get3A_1130 = arith.index_cast %mul3A_1127 : i32 to index
        %get3A_1131 = tpu.vector_load %arg8[%get3A_1129, %get3A_1130] {strides = array<i32>} : memref<16x512xf32, #tpu.memory_space<vmem>>, vector<1x16xf32>,
        %get3A_1132 = vector.shape_cast %get3A_1131 : vector<1x16xf32> to vector<16xf32>
        %mul3A_1133 = arith.mulf %get3A_1132, %get3A_1110 : vector<16xf32>
        %mul3A_1134 = arith.constant 16 : i32
        %mul3A_1135 = arith.muli %scan3A_1103, %mul3A_1134 : i32
        %swap3A_1136 = arith.constant 1 : i32
        %swap3A_1137 = arith.index_cast %swap3A_1136 : i32 to index
        %swap3A_1138 = arith.index_cast %mul3A_1135 : i32 to index
        %swap3A_1139 = tpu.vector_load %arg8[%swap3A_1137, %swap3A_1138] {strides = array<i32>} : memref<16x512xf32, #tpu.memory_space<vmem>>, vector<1x16xf32>,
        %swap3A_1140 = vector.shape_cast %swap3A_1139 : vector<1x16xf32> to vector<16xf32>
        %swap3A_1141 = vector.shape_cast %mul3A_1133 : vector<16xf32> to vector<1x16xf32>
        tpu.vector_store %arg8[%swap3A_1137, %swap3A_1138], %swap3A_1141 {strides = array<i32>} : memref<16x512xf32, #tpu.memory_space<vmem>>, vector<1x16xf32>,
        %mul3A_1142 = arith.constant 16 : i32
        %mul3A_1143 = arith.muli %scan3A_1103, %mul3A_1142 : i32
        %get3A_1144 = arith.constant 2 : i32
        %get3A_1145 = arith.index_cast %get3A_1144 : i32 to index
        %get3A_1146 = arith.index_cast %mul3A_1143 : i32 to index
        %get3A_1147 = tpu.vector_load %arg8[%get3A_1145, %get3A_1146] {strides = array<i32>} : memref<16x512xf32, #tpu.memory_space<vmem>>, vector<1x16xf32>,
        %get3A_1148 = vector.shape_cast %get3A_1147 : vector<1x16xf32> to vector<16xf32>
        %mul3A_1149 = arith.mulf %get3A_1148, %get3A_1110 : vector<16xf32>
        %mul3A_1150 = arith.constant 16 : i32
        %mul3A_1151 = arith.muli %scan3A_1103, %mul3A_1150 : i32
        %swap3A_1152 = arith.constant 2 : i32
        %swap3A_1153 = arith.index_cast %swap3A_1152 : i32 to index
        %swap3A_1154 = arith.index_cast %mul3A_1151 : i32 to index
        %swap3A_1155 = tpu.vector_load %arg8[%swap3A_1153, %swap3A_1154] {strides = array<i32>} : memref<16x512xf32, #tpu.memory_space<vmem>>, vector<1x16xf32>,
        %swap3A_1156 = vector.shape_cast %swap3A_1155 : vector<1x16xf32> to vector<16xf32>
        %swap3A_1157 = vector.shape_cast %mul3A_1149 : vector<16xf32> to vector<1x16xf32>
        tpu.vector_store %arg8[%swap3A_1153, %swap3A_1154], %swap3A_1157 {strides = array<i32>} : memref<16x512xf32, #tpu.memory_space<vmem>>, vector<1x16xf32>,
        %mul3A_1158 = arith.constant 16 : i32
        %mul3A_1159 = arith.muli %scan3A_1103, %mul3A_1158 : i32
        %get3A_1160 = arith.constant 3 : i32
        %get3A_1161 = arith.index_cast %get3A_1160 : i32 to index
        %get3A_1162 = arith.index_cast %mul3A_1159 : i32 to index
        %get3A_1163 = tpu.vector_load %arg8[%get3A_1161, %get3A_1162] {strides = array<i32>} : memref<16x512xf32, #tpu.memory_space<vmem>>, vector<1x16xf32>,
        %get3A_1164 = vector.shape_cast %get3A_1163 : vector<1x16xf32> to vector<16xf32>
        %mul3A_1165 = arith.mulf %get3A_1164, %get3A_1110 : vector<16xf32>
        %mul3A_1166 = arith.constant 16 : i32
        %mul3A_1167 = arith.muli %scan3A_1103, %mul3A_1166 : i32
        %swap3A_1168 = arith.constant 3 : i32
        %swap3A_1169 = arith.index_cast %swap3A_1168 : i32 to index
        %swap3A_1170 = arith.index_cast %mul3A_1167 : i32 to index
        %swap3A_1171 = tpu.vector_load %arg8[%swap3A_1169, %swap3A_1170] {strides = array<i32>} : memref<16x512xf32, #tpu.memory_space<vmem>>, vector<1x16xf32>,
        %swap3A_1172 = vector.shape_cast %swap3A_1171 : vector<1x16xf32> to vector<16xf32>
        %swap3A_1173 = vector.shape_cast %mul3A_1165 : vector<16xf32> to vector<1x16xf32>
        tpu.vector_store %arg8[%swap3A_1169, %swap3A_1170], %swap3A_1173 {strides = array<i32>} : memref<16x512xf32, #tpu.memory_space<vmem>>, vector<1x16xf32>,
        %mul3A_1174 = arith.constant 16 : i32
        %mul3A_1175 = arith.muli %scan3A_1103, %mul3A_1174 : i32
        %get3A_1176 = arith.constant 4 : i32
        %get3A_1177 = arith.index_cast %get3A_1176 : i32 to index
        %get3A_1178 = arith.index_cast %mul3A_1175 : i32 to index
        %get3A_1179 = tpu.vector_load %arg8[%get3A_1177, %get3A_1178] {strides = array<i32>} : memref<16x512xf32, #tpu.memory_space<vmem>>, vector<1x16xf32>,
        %get3A_1180 = vector.shape_cast %get3A_1179 : vector<1x16xf32> to vector<16xf32>
        %mul3A_1181 = arith.mulf %get3A_1180, %get3A_1110 : vector<16xf32>
        %mul3A_1182 = arith.constant 16 : i32
        %mul3A_1183 = arith.muli %scan3A_1103, %mul3A_1182 : i32
        %swap3A_1184 = arith.constant 4 : i32
        %swap3A_1185 = arith.index_cast %swap3A_1184 : i32 to index
        %swap3A_1186 = arith.index_cast %mul3A_1183 : i32 to index
        %swap3A_1187 = tpu.vector_load %arg8[%swap3A_1185, %swap3A_1186] {strides = array<i32>} : memref<16x512xf32, #tpu.memory_space<vmem>>, vector<1x16xf32>,
        %swap3A_1188 = vector.shape_cast %swap3A_1187 : vector<1x16xf32> to vector<16xf32>
        %swap3A_1189 = vector.shape_cast %mul3A_1181 : vector<16xf32> to vector<1x16xf32>
        tpu.vector_store %arg8[%swap3A_1185, %swap3A_1186], %swap3A_1189 {strides = array<i32>} : memref<16x512xf32, #tpu.memory_space<vmem>>, vector<1x16xf32>,
        %mul3A_1190 = arith.constant 16 : i32
        %mul3A_1191 = arith.muli %scan3A_1103, %mul3A_1190 : i32
        %get3A_1192 = arith.constant 5 : i32
        %get3A_1193 = arith.index_cast %get3A_1192 : i32 to index
        %get3A_1194 = arith.index_cast %mul3A_1191 : i32 to index
        %get3A_1195 = tpu.vector_load %arg8[%get3A_1193, %get3A_1194] {strides = array<i32>} : memref<16x512xf32, #tpu.memory_space<vmem>>, vector<1x16xf32>,
        %get3A_1196 = vector.shape_cast %get3A_1195 : vector<1x16xf32> to vector<16xf32>
        %mul3A_1197 = arith.mulf %get3A_1196, %get3A_1110 : vector<16xf32>
        %mul3A_1198 = arith.constant 16 : i32
        %mul3A_1199 = arith.muli %scan3A_1103, %mul3A_1198 : i32
        %swap3A_1200 = arith.constant 5 : i32
        %swap3A_1201 = arith.index_cast %swap3A_1200 : i32 to index
        %swap3A_1202 = arith.index_cast %mul3A_1199 : i32 to index
        %swap3A_1203 = tpu.vector_load %arg8[%swap3A_1201, %swap3A_1202] {strides = array<i32>} : memref<16x512xf32, #tpu.memory_space<vmem>>, vector<1x16xf32>,
        %swap3A_1204 = vector.shape_cast %swap3A_1203 : vector<1x16xf32> to vector<16xf32>
        %swap3A_1205 = vector.shape_cast %mul3A_1197 : vector<16xf32> to vector<1x16xf32>
        tpu.vector_store %arg8[%swap3A_1201, %swap3A_1202], %swap3A_1205 {strides = array<i32>} : memref<16x512xf32, #tpu.memory_space<vmem>>, vector<1x16xf32>,
        %mul3A_1206 = arith.constant 16 : i32
        %mul3A_1207 = arith.muli %scan3A_1103, %mul3A_1206 : i32
        %get3A_1208 = arith.constant 6 : i32
        %get3A_1209 = arith.index_cast %get3A_1208 : i32 to index
        %get3A_1210 = arith.index_cast %mul3A_1207 : i32 to index
        %get3A_1211 = tpu.vector_load %arg8[%get3A_1209, %get3A_1210] {strides = array<i32>} : memref<16x512xf32, #tpu.memory_space<vmem>>, vector<1x16xf32>,
        %get3A_1212 = vector.shape_cast %get3A_1211 : vector<1x16xf32> to vector<16xf32>
        %mul3A_1213 = arith.mulf %get3A_1212, %get3A_1110 : vector<16xf32>
        %mul3A_1214 = arith.constant 16 : i32
        %mul3A_1215 = arith.muli %scan3A_1103, %mul3A_1214 : i32
        %swap3A_1216 = arith.constant 6 : i32
        %swap3A_1217 = arith.index_cast %swap3A_1216 : i32 to index
        %swap3A_1218 = arith.index_cast %mul3A_1215 : i32 to index
        %swap3A_1219 = tpu.vector_load %arg8[%swap3A_1217, %swap3A_1218] {strides = array<i32>} : memref<16x512xf32, #tpu.memory_space<vmem>>, vector<1x16xf32>,
        %swap3A_1220 = vector.shape_cast %swap3A_1219 : vector<1x16xf32> to vector<16xf32>
        %swap3A_1221 = vector.shape_cast %mul3A_1213 : vector<16xf32> to vector<1x16xf32>
        tpu.vector_store %arg8[%swap3A_1217, %swap3A_1218], %swap3A_1221 {strides = array<i32>} : memref<16x512xf32, #tpu.memory_space<vmem>>, vector<1x16xf32>,
        %mul3A_1222 = arith.constant 16 : i32
        %mul3A_1223 = arith.muli %scan3A_1103, %mul3A_1222 : i32
        %get3A_1224 = arith.constant 7 : i32
        %get3A_1225 = arith.index_cast %get3A_1224 : i32 to index
        %get3A_1226 = arith.index_cast %mul3A_1223 : i32 to index
        %get3A_1227 = tpu.vector_load %arg8[%get3A_1225, %get3A_1226] {strides = array<i32>} : memref<16x512xf32, #tpu.memory_space<vmem>>, vector<1x16xf32>,
        %get3A_1228 = vector.shape_cast %get3A_1227 : vector<1x16xf32> to vector<16xf32>
        %mul3A_1229 = arith.mulf %get3A_1228, %get3A_1110 : vector<16xf32>
        %mul3A_1230 = arith.constant 16 : i32
        %mul3A_1231 = arith.muli %scan3A_1103, %mul3A_1230 : i32
        %swap3A_1232 = arith.constant 7 : i32
        %swap3A_1233 = arith.index_cast %swap3A_1232 : i32 to index
        %swap3A_1234 = arith.index_cast %mul3A_1231 : i32 to index
        %swap3A_1235 = tpu.vector_load %arg8[%swap3A_1233, %swap3A_1234] {strides = array<i32>} : memref<16x512xf32, #tpu.memory_space<vmem>>, vector<1x16xf32>,
        %swap3A_1236 = vector.shape_cast %swap3A_1235 : vector<1x16xf32> to vector<16xf32>
        %swap3A_1237 = vector.shape_cast %mul3A_1229 : vector<16xf32> to vector<1x16xf32>
        tpu.vector_store %arg8[%swap3A_1233, %swap3A_1234], %swap3A_1237 {strides = array<i32>} : memref<16x512xf32, #tpu.memory_space<vmem>>, vector<1x16xf32>,
        %mul3A_1238 = arith.constant 16 : i32
        %mul3A_1239 = arith.muli %scan3A_1103, %mul3A_1238 : i32
        %get3A_1240 = arith.constant 8 : i32
        %get3A_1241 = arith.index_cast %get3A_1240 : i32 to index
        %get3A_1242 = arith.index_cast %mul3A_1239 : i32 to index
        %get3A_1243 = tpu.vector_load %arg8[%get3A_1241, %get3A_1242] {strides = array<i32>} : memref<16x512xf32, #tpu.memory_space<vmem>>, vector<1x16xf32>,
        %get3A_1244 = vector.shape_cast %get3A_1243 : vector<1x16xf32> to vector<16xf32>
        %mul3A_1245 = arith.mulf %get3A_1244, %get3A_1110 : vector<16xf32>
        %mul3A_1246 = arith.constant 16 : i32
        %mul3A_1247 = arith.muli %scan3A_1103, %mul3A_1246 : i32
        %swap3A_1248 = arith.constant 8 : i32
        %swap3A_1249 = arith.index_cast %swap3A_1248 : i32 to index
        %swap3A_1250 = arith.index_cast %mul3A_1247 : i32 to index
        %swap3A_1251 = tpu.vector_load %arg8[%swap3A_1249, %swap3A_1250] {strides = array<i32>} : memref<16x512xf32, #tpu.memory_space<vmem>>, vector<1x16xf32>,
        %swap3A_1252 = vector.shape_cast %swap3A_1251 : vector<1x16xf32> to vector<16xf32>
        %swap3A_1253 = vector.shape_cast %mul3A_1245 : vector<16xf32> to vector<1x16xf32>
        tpu.vector_store %arg8[%swap3A_1249, %swap3A_1250], %swap3A_1253 {strides = array<i32>} : memref<16x512xf32, #tpu.memory_space<vmem>>, vector<1x16xf32>,
        %mul3A_1254 = arith.constant 16 : i32
        %mul3A_1255 = arith.muli %scan3A_1103, %mul3A_1254 : i32
        %get3A_1256 = arith.constant 9 : i32
        %get3A_1257 = arith.index_cast %get3A_1256 : i32 to index
        %get3A_1258 = arith.index_cast %mul3A_1255 : i32 to index
        %get3A_1259 = tpu.vector_load %arg8[%get3A_1257, %get3A_1258] {strides = array<i32>} : memref<16x512xf32, #tpu.memory_space<vmem>>, vector<1x16xf32>,
        %get3A_1260 = vector.shape_cast %get3A_1259 : vector<1x16xf32> to vector<16xf32>
        %mul3A_1261 = arith.mulf %get3A_1260, %get3A_1110 : vector<16xf32>
        %mul3A_1262 = arith.constant 16 : i32
        %mul3A_1263 = arith.muli %scan3A_1103, %mul3A_1262 : i32
        %swap3A_1264 = arith.constant 9 : i32
        %swap3A_1265 = arith.index_cast %swap3A_1264 : i32 to index
        %swap3A_1266 = arith.index_cast %mul3A_1263 : i32 to index
        %swap3A_1267 = tpu.vector_load %arg8[%swap3A_1265, %swap3A_1266] {strides = array<i32>} : memref<16x512xf32, #tpu.memory_space<vmem>>, vector<1x16xf32>,
        %swap3A_1268 = vector.shape_cast %swap3A_1267 : vector<1x16xf32> to vector<16xf32>
        %swap3A_1269 = vector.shape_cast %mul3A_1261 : vector<16xf32> to vector<1x16xf32>
        tpu.vector_store %arg8[%swap3A_1265, %swap3A_1266], %swap3A_1269 {strides = array<i32>} : memref<16x512xf32, #tpu.memory_space<vmem>>, vector<1x16xf32>,
        %mul3A_1270 = arith.constant 16 : i32
        %mul3A_1271 = arith.muli %scan3A_1103, %mul3A_1270 : i32
        %get3A_1272 = arith.constant 10 : i32
        %get3A_1273 = arith.index_cast %get3A_1272 : i32 to index
        %get3A_1274 = arith.index_cast %mul3A_1271 : i32 to index
        %get3A_1275 = tpu.vector_load %arg8[%get3A_1273, %get3A_1274] {strides = array<i32>} : memref<16x512xf32, #tpu.memory_space<vmem>>, vector<1x16xf32>,
        %get3A_1276 = vector.shape_cast %get3A_1275 : vector<1x16xf32> to vector<16xf32>
        %mul3A_1277 = arith.mulf %get3A_1276, %get3A_1110 : vector<16xf32>
        %mul3A_1278 = arith.constant 16 : i32
        %mul3A_1279 = arith.muli %scan3A_1103, %mul3A_1278 : i32
        %swap3A_1280 = arith.constant 10 : i32
        %swap3A_1281 = arith.index_cast %swap3A_1280 : i32 to index
        %swap3A_1282 = arith.index_cast %mul3A_1279 : i32 to index
        %swap3A_1283 = tpu.vector_load %arg8[%swap3A_1281, %swap3A_1282] {strides = array<i32>} : memref<16x512xf32, #tpu.memory_space<vmem>>, vector<1x16xf32>,
        %swap3A_1284 = vector.shape_cast %swap3A_1283 : vector<1x16xf32> to vector<16xf32>
        %swap3A_1285 = vector.shape_cast %mul3A_1277 : vector<16xf32> to vector<1x16xf32>
        tpu.vector_store %arg8[%swap3A_1281, %swap3A_1282], %swap3A_1285 {strides = array<i32>} : memref<16x512xf32, #tpu.memory_space<vmem>>, vector<1x16xf32>,
        %mul3A_1286 = arith.constant 16 : i32
        %mul3A_1287 = arith.muli %scan3A_1103, %mul3A_1286 : i32
        %get3A_1288 = arith.constant 11 : i32
        %get3A_1289 = arith.index_cast %get3A_1288 : i32 to index
        %get3A_1290 = arith.index_cast %mul3A_1287 : i32 to index
        %get3A_1291 = tpu.vector_load %arg8[%get3A_1289, %get3A_1290] {strides = array<i32>} : memref<16x512xf32, #tpu.memory_space<vmem>>, vector<1x16xf32>,
        %get3A_1292 = vector.shape_cast %get3A_1291 : vector<1x16xf32> to vector<16xf32>
        %mul3A_1293 = arith.mulf %get3A_1292, %get3A_1110 : vector<16xf32>
        %mul3A_1294 = arith.constant 16 : i32
        %mul3A_1295 = arith.muli %scan3A_1103, %mul3A_1294 : i32
        %swap3A_1296 = arith.constant 11 : i32
        %swap3A_1297 = arith.index_cast %swap3A_1296 : i32 to index
        %swap3A_1298 = arith.index_cast %mul3A_1295 : i32 to index
        %swap3A_1299 = tpu.vector_load %arg8[%swap3A_1297, %swap3A_1298] {strides = array<i32>} : memref<16x512xf32, #tpu.memory_space<vmem>>, vector<1x16xf32>,
        %swap3A_1300 = vector.shape_cast %swap3A_1299 : vector<1x16xf32> to vector<16xf32>
        %swap3A_1301 = vector.shape_cast %mul3A_1293 : vector<16xf32> to vector<1x16xf32>
        tpu.vector_store %arg8[%swap3A_1297, %swap3A_1298], %swap3A_1301 {strides = array<i32>} : memref<16x512xf32, #tpu.memory_space<vmem>>, vector<1x16xf32>,
        %mul3A_1302 = arith.constant 16 : i32
        %mul3A_1303 = arith.muli %scan3A_1103, %mul3A_1302 : i32
        %get3A_1304 = arith.constant 12 : i32
        %get3A_1305 = arith.index_cast %get3A_1304 : i32 to index
        %get3A_1306 = arith.index_cast %mul3A_1303 : i32 to index
        %get3A_1307 = tpu.vector_load %arg8[%get3A_1305, %get3A_1306] {strides = array<i32>} : memref<16x512xf32, #tpu.memory_space<vmem>>, vector<1x16xf32>,
        %get3A_1308 = vector.shape_cast %get3A_1307 : vector<1x16xf32> to vector<16xf32>
        %mul3A_1309 = arith.mulf %get3A_1308, %get3A_1110 : vector<16xf32>
        %mul3A_1310 = arith.constant 16 : i32
        %mul3A_1311 = arith.muli %scan3A_1103, %mul3A_1310 : i32
        %swap3A_1312 = arith.constant 12 : i32
        %swap3A_1313 = arith.index_cast %swap3A_1312 : i32 to index
        %swap3A_1314 = arith.index_cast %mul3A_1311 : i32 to index
        %swap3A_1315 = tpu.vector_load %arg8[%swap3A_1313, %swap3A_1314] {strides = array<i32>} : memref<16x512xf32, #tpu.memory_space<vmem>>, vector<1x16xf32>,
        %swap3A_1316 = vector.shape_cast %swap3A_1315 : vector<1x16xf32> to vector<16xf32>
        %swap3A_1317 = vector.shape_cast %mul3A_1309 : vector<16xf32> to vector<1x16xf32>
        tpu.vector_store %arg8[%swap3A_1313, %swap3A_1314], %swap3A_1317 {strides = array<i32>} : memref<16x512xf32, #tpu.memory_space<vmem>>, vector<1x16xf32>,
        %mul3A_1318 = arith.constant 16 : i32
        %mul3A_1319 = arith.muli %scan3A_1103, %mul3A_1318 : i32
        %get3A_1320 = arith.constant 13 : i32
        %get3A_1321 = arith.index_cast %get3A_1320 : i32 to index
        %get3A_1322 = arith.index_cast %mul3A_1319 : i32 to index
        %get3A_1323 = tpu.vector_load %arg8[%get3A_1321, %get3A_1322] {strides = array<i32>} : memref<16x512xf32, #tpu.memory_space<vmem>>, vector<1x16xf32>,
        %get3A_1324 = vector.shape_cast %get3A_1323 : vector<1x16xf32> to vector<16xf32>
        %mul3A_1325 = arith.mulf %get3A_1324, %get3A_1110 : vector<16xf32>
        %mul3A_1326 = arith.constant 16 : i32
        %mul3A_1327 = arith.muli %scan3A_1103, %mul3A_1326 : i32
        %swap3A_1328 = arith.constant 13 : i32
        %swap3A_1329 = arith.index_cast %swap3A_1328 : i32 to index
        %swap3A_1330 = arith.index_cast %mul3A_1327 : i32 to index
        %swap3A_1331 = tpu.vector_load %arg8[%swap3A_1329, %swap3A_1330] {strides = array<i32>} : memref<16x512xf32, #tpu.memory_space<vmem>>, vector<1x16xf32>,
        %swap3A_1332 = vector.shape_cast %swap3A_1331 : vector<1x16xf32> to vector<16xf32>
        %swap3A_1333 = vector.shape_cast %mul3A_1325 : vector<16xf32> to vector<1x16xf32>
        tpu.vector_store %arg8[%swap3A_1329, %swap3A_1330], %swap3A_1333 {strides = array<i32>} : memref<16x512xf32, #tpu.memory_space<vmem>>, vector<1x16xf32>,
        %mul3A_1334 = arith.constant 16 : i32
        %mul3A_1335 = arith.muli %scan3A_1103, %mul3A_1334 : i32
        %get3A_1336 = arith.constant 14 : i32
        %get3A_1337 = arith.index_cast %get3A_1336 : i32 to index
        %get3A_1338 = arith.index_cast %mul3A_1335 : i32 to index
        %get3A_1339 = tpu.vector_load %arg8[%get3A_1337, %get3A_1338] {strides = array<i32>} : memref<16x512xf32, #tpu.memory_space<vmem>>, vector<1x16xf32>,
        %get3A_1340 = vector.shape_cast %get3A_1339 : vector<1x16xf32> to vector<16xf32>
        %mul3A_1341 = arith.mulf %get3A_1340, %get3A_1110 : vector<16xf32>
        %mul3A_1342 = arith.constant 16 : i32
        %mul3A_1343 = arith.muli %scan3A_1103, %mul3A_1342 : i32
        %swap3A_1344 = arith.constant 14 : i32
        %swap3A_1345 = arith.index_cast %swap3A_1344 : i32 to index
        %swap3A_1346 = arith.index_cast %mul3A_1343 : i32 to index
        %swap3A_1347 = tpu.vector_load %arg8[%swap3A_1345, %swap3A_1346] {strides = array<i32>} : memref<16x512xf32, #tpu.memory_space<vmem>>, vector<1x16xf32>,
        %swap3A_1348 = vector.shape_cast %swap3A_1347 : vector<1x16xf32> to vector<16xf32>
        %swap3A_1349 = vector.shape_cast %mul3A_1341 : vector<16xf32> to vector<1x16xf32>
        tpu.vector_store %arg8[%swap3A_1345, %swap3A_1346], %swap3A_1349 {strides = array<i32>} : memref<16x512xf32, #tpu.memory_space<vmem>>, vector<1x16xf32>,
        %mul3A_1350 = arith.constant 16 : i32
        %mul3A_1351 = arith.muli %scan3A_1103, %mul3A_1350 : i32
        %get3A_1352 = arith.constant 15 : i32
        %get3A_1353 = arith.index_cast %get3A_1352 : i32 to index
        %get3A_1354 = arith.index_cast %mul3A_1351 : i32 to index
        %get3A_1355 = tpu.vector_load %arg8[%get3A_1353, %get3A_1354] {strides = array<i32>} : memref<16x512xf32, #tpu.memory_space<vmem>>, vector<1x16xf32>,
        %get3A_1356 = vector.shape_cast %get3A_1355 : vector<1x16xf32> to vector<16xf32>
        %mul3A_1357 = arith.mulf %get3A_1356, %get3A_1110 : vector<16xf32>
        %mul3A_1358 = arith.constant 16 : i32
        %mul3A_1359 = arith.muli %scan3A_1103, %mul3A_1358 : i32
        %swap3A_1360 = arith.constant 15 : i32
        %swap3A_1361 = arith.index_cast %swap3A_1360 : i32 to index
        %swap3A_1362 = arith.index_cast %mul3A_1359 : i32 to index
        %swap3A_1363 = tpu.vector_load %arg8[%swap3A_1361, %swap3A_1362] {strides = array<i32>} : memref<16x512xf32, #tpu.memory_space<vmem>>, vector<1x16xf32>,
        %swap3A_1364 = vector.shape_cast %swap3A_1363 : vector<1x16xf32> to vector<16xf32>
        %swap3A_1365 = vector.shape_cast %mul3A_1357 : vector<16xf32> to vector<1x16xf32>
        tpu.vector_store %arg8[%swap3A_1361, %swap3A_1362], %swap3A_1365 {strides = array<i32>} : memref<16x512xf32, #tpu.memory_space<vmem>>, vector<1x16xf32>,
      }
      %scan3A_790 = arith.constant 32 : i32
      %mul3A_791 = arith.constant 2 : i32
      %mul3A_792 = arith.muli %scan3A_430, %mul3A_791 : i32
      %add3A_793 = arith.constant 0 : i32
      %add3A_794 = arith.addi %mul3A_792, %add3A_793 : i32
      %mul3A_795 = arith.constant 128 : i32
      %mul3A_796 = arith.muli %add3A_794, %mul3A_795 : i32
      %mul3A_797 = arith.constant 4 : i32
      %mul3A_798 = arith.muli %add3A, %mul3A_797 : i32
      %add3A_799 = arith.addi %mul3A_796, %mul3A_798 : i32
      %add3A_800 = arith.constant 0 : i32
      %add3A_801 = arith.addi %add3A_799, %add3A_800 : i32
      %dma_start3A_802 = arith.constant 0 : i32
      %dma_start3A_803 = arith.constant 0 : i32
      %dma_start3A_804 = tpu.memref_slice %arg8[%dma_start3A_802, %dma_start3A_803] : memref<16x512xf32, #tpu.memory_space<vmem>> -> memref<8x128xf32, #tpu.memory_space<vmem>>
      %dma_start3A_805 = arith.constant 0 : i32
      %dma_start3A_806 = arith.constant 0 : i32
      %dma_start3A_807 = tpu.memref_slice %arg5[%add3A_801, %dma_start3A_805, %dma_start3A_806] : memref<6656x8x128xf32, #tpu.memory_space<hbm>> -> memref<1x8x128xf32, #tpu.memory_space<hbm>>
      %dma_start3A_808 = tpu.memref_squeeze %dma_start3A_807 : memref<1x8x128xf32, #tpu.memory_space<hbm>> -> memref<8x128xf32, #tpu.memory_space<hbm>>
      %dma_start3A_809 = arith.constant 0 : i32
      %dma_start3A_810 = arith.constant 0 : i32
      %dma_start3A_811 = tpu.memref_slice %arg5[%add3A_801, %dma_start3A_809, %dma_start3A_810] : memref<6656x8x128xf32, #tpu.memory_space<hbm>> -> memref<1x8x128xf32, #tpu.memory_space<hbm>>
      %dma_start3A_812 = tpu.memref_squeeze %dma_start3A_811 : memref<1x8x128xf32, #tpu.memory_space<hbm>> -> memref<8x128xf32, #tpu.memory_space<hbm>>
      %dma_start3A_813 = arith.constant 0 : i32
      %dma_start3A_814 = arith.constant 0 : i32
      %dma_start3A_815 = tpu.memref_slice %arg8[%dma_start3A_813, %dma_start3A_814] : memref<16x512xf32, #tpu.memory_space<vmem>> -> memref<8x128xf32, #tpu.memory_space<vmem>>
      tpu.enqueue_dma source(%dma_start3A_815 : memref<8x128xf32, #tpu.memory_space<vmem>>) target(%dma_start3A_812 : memref<8x128xf32, #tpu.memory_space<hbm>>) target_semaphore(%arg11 : memref<!tpu.dma_semaphore, #tpu.memory_space<semaphore_mem>>)
      %mul3A_816 = arith.constant 2 : i32
      %mul3A_817 = arith.muli %scan3A_430, %mul3A_816 : i32
      %add3A_818 = arith.constant 0 : i32
      %add3A_819 = arith.addi %mul3A_817, %add3A_818 : i32
      %mul3A_820 = arith.constant 128 : i32
      %mul3A_821 = arith.muli %add3A_819, %mul3A_820 : i32
      %mul3A_822 = arith.constant 4 : i32
      %mul3A_823 = arith.muli %add3A, %mul3A_822 : i32
      %add3A_824 = arith.addi %mul3A_821, %mul3A_823 : i32
      %add3A_825 = arith.constant 1 : i32
      %add3A_826 = arith.addi %add3A_824, %add3A_825 : i32
      %dma_start3A_827 = arith.constant 0 : i32
      %dma_start3A_828 = arith.constant 128 : i32
      %dma_start3A_829 = tpu.memref_slice %arg8[%dma_start3A_827, %dma_start3A_828] : memref<16x512xf32, #tpu.memory_space<vmem>> -> memref<8x128xf32, #tpu.memory_space<vmem>>
      %dma_start3A_830 = arith.constant 0 : i32
      %dma_start3A_831 = arith.constant 0 : i32
      %dma_start3A_832 = tpu.memref_slice %arg5[%add3A_826, %dma_start3A_830, %dma_start3A_831] : memref<6656x8x128xf32, #tpu.memory_space<hbm>> -> memref<1x8x128xf32, #tpu.memory_space<hbm>>
      %dma_start3A_833 = tpu.memref_squeeze %dma_start3A_832 : memref<1x8x128xf32, #tpu.memory_space<hbm>> -> memref<8x128xf32, #tpu.memory_space<hbm>>
      %dma_start3A_834 = arith.constant 0 : i32
      %dma_start3A_835 = arith.constant 0 : i32
      %dma_start3A_836 = tpu.memref_slice %arg5[%add3A_826, %dma_start3A_834, %dma_start3A_835] : memref<6656x8x128xf32, #tpu.memory_space<hbm>> -> memref<1x8x128xf32, #tpu.memory_space<hbm>>
      %dma_start3A_837 = tpu.memref_squeeze %dma_start3A_836 : memref<1x8x128xf32, #tpu.memory_space<hbm>> -> memref<8x128xf32, #tpu.memory_space<hbm>>
      %dma_start3A_838 = arith.constant 0 : i32
      %dma_start3A_839 = arith.constant 128 : i32
      %dma_start3A_840 = tpu.memref_slice %arg8[%dma_start3A_838, %dma_start3A_839] : memref<16x512xf32, #tpu.memory_space<vmem>> -> memref<8x128xf32, #tpu.memory_space<vmem>>
      tpu.enqueue_dma source(%dma_start3A_840 : memref<8x128xf32, #tpu.memory_space<vmem>>) target(%dma_start3A_837 : memref<8x128xf32, #tpu.memory_space<hbm>>) target_semaphore(%arg11 : memref<!tpu.dma_semaphore, #tpu.memory_space<semaphore_mem>>)
      %mul3A_841 = arith.constant 2 : i32
      %mul3A_842 = arith.muli %scan3A_430, %mul3A_841 : i32
      %add3A_843 = arith.constant 0 : i32
      %add3A_844 = arith.addi %mul3A_842, %add3A_843 : i32
      %mul3A_845 = arith.constant 128 : i32
      %mul3A_846 = arith.muli %add3A_844, %mul3A_845 : i32
      %mul3A_847 = arith.constant 4 : i32
      %mul3A_848 = arith.muli %add3A, %mul3A_847 : i32
      %add3A_849 = arith.addi %mul3A_846, %mul3A_848 : i32
      %add3A_850 = arith.constant 2 : i32
      %add3A_851 = arith.addi %add3A_849, %add3A_850 : i32
      %dma_start3A_852 = arith.constant 0 : i32
      %dma_start3A_853 = arith.constant 256 : i32
      %dma_start3A_854 = tpu.memref_slice %arg8[%dma_start3A_852, %dma_start3A_853] : memref<16x512xf32, #tpu.memory_space<vmem>> -> memref<8x128xf32, #tpu.memory_space<vmem>>
      %dma_start3A_855 = arith.constant 0 : i32
      %dma_start3A_856 = arith.constant 0 : i32
      %dma_start3A_857 = tpu.memref_slice %arg5[%add3A_851, %dma_start3A_855, %dma_start3A_856] : memref<6656x8x128xf32, #tpu.memory_space<hbm>> -> memref<1x8x128xf32, #tpu.memory_space<hbm>>
      %dma_start3A_858 = tpu.memref_squeeze %dma_start3A_857 : memref<1x8x128xf32, #tpu.memory_space<hbm>> -> memref<8x128xf32, #tpu.memory_space<hbm>>
      %dma_start3A_859 = arith.constant 0 : i32
      %dma_start3A_860 = arith.constant 0 : i32
      %dma_start3A_861 = tpu.memref_slice %arg5[%add3A_851, %dma_start3A_859, %dma_start3A_860] : memref<6656x8x128xf32, #tpu.memory_space<hbm>> -> memref<1x8x128xf32, #tpu.memory_space<hbm>>
      %dma_start3A_862 = tpu.memref_squeeze %dma_start3A_861 : memref<1x8x128xf32, #tpu.memory_space<hbm>> -> memref<8x128xf32, #tpu.memory_space<hbm>>
      %dma_start3A_863 = arith.constant 0 : i32
      %dma_start3A_864 = arith.constant 256 : i32
      %dma_start3A_865 = tpu.memref_slice %arg8[%dma_start3A_863, %dma_start3A_864] : memref<16x512xf32, #tpu.memory_space<vmem>> -> memref<8x128xf32, #tpu.memory_space<vmem>>
      tpu.enqueue_dma source(%dma_start3A_865 : memref<8x128xf32, #tpu.memory_space<vmem>>) target(%dma_start3A_862 : memref<8x128xf32, #tpu.memory_space<hbm>>) target_semaphore(%arg11 : memref<!tpu.dma_semaphore, #tpu.memory_space<semaphore_mem>>)
      %mul3A_866 = arith.constant 2 : i32
      %mul3A_867 = arith.muli %scan3A_430, %mul3A_866 : i32
      %add3A_868 = arith.constant 0 : i32
      %add3A_869 = arith.addi %mul3A_867, %add3A_868 : i32
      %mul3A_870 = arith.constant 128 : i32
      %mul3A_871 = arith.muli %add3A_869, %mul3A_870 : i32
      %mul3A_872 = arith.constant 4 : i32
      %mul3A_873 = arith.muli %add3A, %mul3A_872 : i32
      %add3A_874 = arith.addi %mul3A_871, %mul3A_873 : i32
      %add3A_875 = arith.constant 3 : i32
      %add3A_876 = arith.addi %add3A_874, %add3A_875 : i32
      %dma_start3A_877 = arith.constant 0 : i32
      %dma_start3A_878 = arith.constant 384 : i32
      %dma_start3A_879 = tpu.memref_slice %arg8[%dma_start3A_877, %dma_start3A_878] : memref<16x512xf32, #tpu.memory_space<vmem>> -> memref<8x128xf32, #tpu.memory_space<vmem>>
      %dma_start3A_880 = arith.constant 0 : i32
      %dma_start3A_881 = arith.constant 0 : i32
      %dma_start3A_882 = tpu.memref_slice %arg5[%add3A_876, %dma_start3A_880, %dma_start3A_881] : memref<6656x8x128xf32, #tpu.memory_space<hbm>> -> memref<1x8x128xf32, #tpu.memory_space<hbm>>
      %dma_start3A_883 = tpu.memref_squeeze %dma_start3A_882 : memref<1x8x128xf32, #tpu.memory_space<hbm>> -> memref<8x128xf32, #tpu.memory_space<hbm>>
      %dma_start3A_884 = arith.constant 0 : i32
      %dma_start3A_885 = arith.constant 0 : i32
      %dma_start3A_886 = tpu.memref_slice %arg5[%add3A_876, %dma_start3A_884, %dma_start3A_885] : memref<6656x8x128xf32, #tpu.memory_space<hbm>> -> memref<1x8x128xf32, #tpu.memory_space<hbm>>
      %dma_start3A_887 = tpu.memref_squeeze %dma_start3A_886 : memref<1x8x128xf32, #tpu.memory_space<hbm>> -> memref<8x128xf32, #tpu.memory_space<hbm>>
      %dma_start3A_888 = arith.constant 0 : i32
      %dma_start3A_889 = arith.constant 384 : i32
      %dma_start3A_890 = tpu.memref_slice %arg8[%dma_start3A_888, %dma_start3A_889] : memref<16x512xf32, #tpu.memory_space<vmem>> -> memref<8x128xf32, #tpu.memory_space<vmem>>
      tpu.enqueue_dma source(%dma_start3A_890 : memref<8x128xf32, #tpu.memory_space<vmem>>) target(%dma_start3A_887 : memref<8x128xf32, #tpu.memory_space<hbm>>) target_semaphore(%arg11 : memref<!tpu.dma_semaphore, #tpu.memory_space<semaphore_mem>>)
      %mul3A_891 = arith.constant 2 : i32
      %mul3A_892 = arith.muli %scan3A_430, %mul3A_891 : i32
      %add3A_893 = arith.constant 1 : i32
      %add3A_894 = arith.addi %mul3A_892, %add3A_893 : i32
      %mul3A_895 = arith.constant 128 : i32
      %mul3A_896 = arith.muli %add3A_894, %mul3A_895 : i32
      %mul3A_897 = arith.constant 4 : i32
      %mul3A_898 = arith.muli %add3A, %mul3A_897 : i32
      %add3A_899 = arith.addi %mul3A_896, %mul3A_898 : i32
      %add3A_900 = arith.constant 0 : i32
      %add3A_901 = arith.addi %add3A_899, %add3A_900 : i32
      %dma_start3A_902 = arith.constant 8 : i32
      %dma_start3A_903 = arith.constant 0 : i32
      %dma_start3A_904 = tpu.memref_slice %arg8[%dma_start3A_902, %dma_start3A_903] : memref<16x512xf32, #tpu.memory_space<vmem>> -> memref<8x128xf32, #tpu.memory_space<vmem>>
      %dma_start3A_905 = arith.constant 0 : i32
      %dma_start3A_906 = arith.constant 0 : i32
      %dma_start3A_907 = tpu.memref_slice %arg5[%add3A_901, %dma_start3A_905, %dma_start3A_906] : memref<6656x8x128xf32, #tpu.memory_space<hbm>> -> memref<1x8x128xf32, #tpu.memory_space<hbm>>
      %dma_start3A_908 = tpu.memref_squeeze %dma_start3A_907 : memref<1x8x128xf32, #tpu.memory_space<hbm>> -> memref<8x128xf32, #tpu.memory_space<hbm>>
      %dma_start3A_909 = arith.constant 0 : i32
      %dma_start3A_910 = arith.constant 0 : i32
      %dma_start3A_911 = tpu.memref_slice %arg5[%add3A_901, %dma_start3A_909, %dma_start3A_910] : memref<6656x8x128xf32, #tpu.memory_space<hbm>> -> memref<1x8x128xf32, #tpu.memory_space<hbm>>
      %dma_start3A_912 = tpu.memref_squeeze %dma_start3A_911 : memref<1x8x128xf32, #tpu.memory_space<hbm>> -> memref<8x128xf32, #tpu.memory_space<hbm>>
      %dma_start3A_913 = arith.constant 8 : i32
      %dma_start3A_914 = arith.constant 0 : i32
      %dma_start3A_915 = tpu.memref_slice %arg8[%dma_start3A_913, %dma_start3A_914] : memref<16x512xf32, #tpu.memory_space<vmem>> -> memref<8x128xf32, #tpu.memory_space<vmem>>
      tpu.enqueue_dma source(%dma_start3A_915 : memref<8x128xf32, #tpu.memory_space<vmem>>) target(%dma_start3A_912 : memref<8x128xf32, #tpu.memory_space<hbm>>) target_semaphore(%arg11 : memref<!tpu.dma_semaphore, #tpu.memory_space<semaphore_mem>>)
      %mul3A_916 = arith.constant 2 : i32
      %mul3A_917 = arith.muli %scan3A_430, %mul3A_916 : i32
      %add3A_918 = arith.constant 1 : i32
      %add3A_919 = arith.addi %mul3A_917, %add3A_918 : i32
      %mul3A_920 = arith.constant 128 : i32
      %mul3A_921 = arith.muli %add3A_919, %mul3A_920 : i32
      %mul3A_922 = arith.constant 4 : i32
      %mul3A_923 = arith.muli %add3A, %mul3A_922 : i32
      %add3A_924 = arith.addi %mul3A_921, %mul3A_923 : i32
      %add3A_925 = arith.constant 1 : i32
      %add3A_926 = arith.addi %add3A_924, %add3A_925 : i32
      %dma_start3A_927 = arith.constant 8 : i32
      %dma_start3A_928 = arith.constant 128 : i32
      %dma_start3A_929 = tpu.memref_slice %arg8[%dma_start3A_927, %dma_start3A_928] : memref<16x512xf32, #tpu.memory_space<vmem>> -> memref<8x128xf32, #tpu.memory_space<vmem>>
      %dma_start3A_930 = arith.constant 0 : i32
      %dma_start3A_931 = arith.constant 0 : i32
      %dma_start3A_932 = tpu.memref_slice %arg5[%add3A_926, %dma_start3A_930, %dma_start3A_931] : memref<6656x8x128xf32, #tpu.memory_space<hbm>> -> memref<1x8x128xf32, #tpu.memory_space<hbm>>
      %dma_start3A_933 = tpu.memref_squeeze %dma_start3A_932 : memref<1x8x128xf32, #tpu.memory_space<hbm>> -> memref<8x128xf32, #tpu.memory_space<hbm>>
      %dma_start3A_934 = arith.constant 0 : i32
      %dma_start3A_935 = arith.constant 0 : i32
      %dma_start3A_936 = tpu.memref_slice %arg5[%add3A_926, %dma_start3A_934, %dma_start3A_935] : memref<6656x8x128xf32, #tpu.memory_space<hbm>> -> memref<1x8x128xf32, #tpu.memory_space<hbm>>
      %dma_start3A_937 = tpu.memref_squeeze %dma_start3A_936 : memref<1x8x128xf32, #tpu.memory_space<hbm>> -> memref<8x128xf32, #tpu.memory_space<hbm>>
      %dma_start3A_938 = arith.constant 8 : i32
      %dma_start3A_939 = arith.constant 128 : i32
      %dma_start3A_940 = tpu.memref_slice %arg8[%dma_start3A_938, %dma_start3A_939] : memref<16x512xf32, #tpu.memory_space<vmem>> -> memref<8x128xf32, #tpu.memory_space<vmem>>
      tpu.enqueue_dma source(%dma_start3A_940 : memref<8x128xf32, #tpu.memory_space<vmem>>) target(%dma_start3A_937 : memref<8x128xf32, #tpu.memory_space<hbm>>) target_semaphore(%arg11 : memref<!tpu.dma_semaphore, #tpu.memory_space<semaphore_mem>>)
      %mul3A_941 = arith.constant 2 : i32
      %mul3A_942 = arith.muli %scan3A_430, %mul3A_941 : i32
      %add3A_943 = arith.constant 1 : i32
      %add3A_944 = arith.addi %mul3A_942, %add3A_943 : i32
      %mul3A_945 = arith.constant 128 : i32
      %mul3A_946 = arith.muli %add3A_944, %mul3A_945 : i32
      %mul3A_947 = arith.constant 4 : i32
      %mul3A_948 = arith.muli %add3A, %mul3A_947 : i32
      %add3A_949 = arith.addi %mul3A_946, %mul3A_948 : i32
      %add3A_950 = arith.constant 2 : i32
      %add3A_951 = arith.addi %add3A_949, %add3A_950 : i32
      %dma_start3A_952 = arith.constant 8 : i32
      %dma_start3A_953 = arith.constant 256 : i32
      %dma_start3A_954 = tpu.memref_slice %arg8[%dma_start3A_952, %dma_start3A_953] : memref<16x512xf32, #tpu.memory_space<vmem>> -> memref<8x128xf32, #tpu.memory_space<vmem>>
      %dma_start3A_955 = arith.constant 0 : i32
      %dma_start3A_956 = arith.constant 0 : i32
      %dma_start3A_957 = tpu.memref_slice %arg5[%add3A_951, %dma_start3A_955, %dma_start3A_956] : memref<6656x8x128xf32, #tpu.memory_space<hbm>> -> memref<1x8x128xf32, #tpu.memory_space<hbm>>
      %dma_start3A_958 = tpu.memref_squeeze %dma_start3A_957 : memref<1x8x128xf32, #tpu.memory_space<hbm>> -> memref<8x128xf32, #tpu.memory_space<hbm>>
      %dma_start3A_959 = arith.constant 0 : i32
      %dma_start3A_960 = arith.constant 0 : i32
      %dma_start3A_961 = tpu.memref_slice %arg5[%add3A_951, %dma_start3A_959, %dma_start3A_960] : memref<6656x8x128xf32, #tpu.memory_space<hbm>> -> memref<1x8x128xf32, #tpu.memory_space<hbm>>
      %dma_start3A_962 = tpu.memref_squeeze %dma_start3A_961 : memref<1x8x128xf32, #tpu.memory_space<hbm>> -> memref<8x128xf32, #tpu.memory_space<hbm>>
      %dma_start3A_963 = arith.constant 8 : i32
      %dma_start3A_964 = arith.constant 256 : i32
      %dma_start3A_965 = tpu.memref_slice %arg8[%dma_start3A_963, %dma_start3A_964] : memref<16x512xf32, #tpu.memory_space<vmem>> -> memref<8x128xf32, #tpu.memory_space<vmem>>
      tpu.enqueue_dma source(%dma_start3A_965 : memref<8x128xf32, #tpu.memory_space<vmem>>) target(%dma_start3A_962 : memref<8x128xf32, #tpu.memory_space<hbm>>) target_semaphore(%arg11 : memref<!tpu.dma_semaphore, #tpu.memory_space<semaphore_mem>>)
      %mul3A_966 = arith.constant 2 : i32
      %mul3A_967 = arith.muli %scan3A_430, %mul3A_966 : i32
      %add3A_968 = arith.constant 1 : i32
      %add3A_969 = arith.addi %mul3A_967, %add3A_968 : i32
      %mul3A_970 = arith.constant 128 : i32
      %mul3A_971 = arith.muli %add3A_969, %mul3A_970 : i32
      %mul3A_972 = arith.constant 4 : i32
      %mul3A_973 = arith.muli %add3A, %mul3A_972 : i32
      %add3A_974 = arith.addi %mul3A_971, %mul3A_973 : i32
      %add3A_975 = arith.constant 3 : i32
      %add3A_976 = arith.addi %add3A_974, %add3A_975 : i32
      %dma_start3A_977 = arith.constant 8 : i32
      %dma_start3A_978 = arith.constant 384 : i32
      %dma_start3A_979 = tpu.memref_slice %arg8[%dma_start3A_977, %dma_start3A_978] : memref<16x512xf32, #tpu.memory_space<vmem>> -> memref<8x128xf32, #tpu.memory_space<vmem>>
      %dma_start3A_980 = arith.constant 0 : i32
      %dma_start3A_981 = arith.constant 0 : i32
      %dma_start3A_982 = tpu.memref_slice %arg5[%add3A_976, %dma_start3A_980, %dma_start3A_981] : memref<6656x8x128xf32, #tpu.memory_space<hbm>> -> memref<1x8x128xf32, #tpu.memory_space<hbm>>
      %dma_start3A_983 = tpu.memref_squeeze %dma_start3A_982 : memref<1x8x128xf32, #tpu.memory_space<hbm>> -> memref<8x128xf32, #tpu.memory_space<hbm>>
      %dma_start3A_984 = arith.constant 0 : i32
      %dma_start3A_985 = arith.constant 0 : i32
      %dma_start3A_986 = tpu.memref_slice %arg5[%add3A_976, %dma_start3A_984, %dma_start3A_985] : memref<6656x8x128xf32, #tpu.memory_space<hbm>> -> memref<1x8x128xf32, #tpu.memory_space<hbm>>
      %dma_start3A_987 = tpu.memref_squeeze %dma_start3A_986 : memref<1x8x128xf32, #tpu.memory_space<hbm>> -> memref<8x128xf32, #tpu.memory_space<hbm>>
      %dma_start3A_988 = arith.constant 8 : i32
      %dma_start3A_989 = arith.constant 384 : i32
      %dma_start3A_990 = tpu.memref_slice %arg8[%dma_start3A_988, %dma_start3A_989] : memref<16x512xf32, #tpu.memory_space<vmem>> -> memref<8x128xf32, #tpu.memory_space<vmem>>
      tpu.enqueue_dma source(%dma_start3A_990 : memref<8x128xf32, #tpu.memory_space<vmem>>) target(%dma_start3A_987 : memref<8x128xf32, #tpu.memory_space<hbm>>) target_semaphore(%arg11 : memref<!tpu.dma_semaphore, #tpu.memory_space<semaphore_mem>>)
      %dma_wait3A_991 = arith.constant 0 : i32
      %dma_wait3A_992 = arith.constant 0 : i32
      %dma_wait3A_993 = tpu.memref_slice %arg8[%dma_wait3A_991, %dma_wait3A_992] : memref<16x512xf32, #tpu.memory_space<vmem>> -> memref<8x128xf32, #tpu.memory_space<vmem>>
      %dma_wait3A_994 = arith.constant 0 : i32
      %dma_wait3A_995 = arith.constant 0 : i32
      %dma_wait3A_996 = tpu.memref_slice %arg5[%add3A_801, %dma_wait3A_994, %dma_wait3A_995] : memref<6656x8x128xf32, #tpu.memory_space<hbm>> -> memref<1x8x128xf32, #tpu.memory_space<hbm>>
      %dma_wait3A_997 = tpu.memref_squeeze %dma_wait3A_996 : memref<1x8x128xf32, #tpu.memory_space<hbm>> -> memref<8x128xf32, #tpu.memory_space<hbm>>
      %dma_wait3A_998 = arith.constant 0 : i32
      %dma_wait3A_999 = arith.constant 0 : i32
      %dma_wait3A_1000 = tpu.memref_slice %arg5[%add3A_801, %dma_wait3A_998, %dma_wait3A_999] : memref<6656x8x128xf32, #tpu.memory_space<hbm>> -> memref<1x8x128xf32, #tpu.memory_space<hbm>>
      %dma_wait3A_1001 = tpu.memref_squeeze %dma_wait3A_1000 : memref<1x8x128xf32, #tpu.memory_space<hbm>> -> memref<8x128xf32, #tpu.memory_space<hbm>>
      %dma_wait3A_1002 = arith.constant 0 : i32
      %dma_wait3A_1003 = arith.constant 0 : i32
      %dma_wait3A_1004 = tpu.memref_slice %arg8[%dma_wait3A_1002, %dma_wait3A_1003] : memref<16x512xf32, #tpu.memory_space<vmem>> -> memref<8x128xf32, #tpu.memory_space<vmem>>
      tpu.wait_dma2 semaphore(%arg11 : memref<!tpu.dma_semaphore, #tpu.memory_space<semaphore_mem>>) src(%dma_wait3A_1004 : memref<8x128xf32, #tpu.memory_space<vmem>>) dst(%dma_wait3A_1001 : memref<8x128xf32, #tpu.memory_space<hbm>>)
      %dma_wait3A_1005 = arith.constant 0 : i32
      %dma_wait3A_1006 = arith.constant 128 : i32
      %dma_wait3A_1007 = tpu.memref_slice %arg8[%dma_wait3A_1005, %dma_wait3A_1006] : memref<16x512xf32, #tpu.memory_space<vmem>> -> memref<8x128xf32, #tpu.memory_space<vmem>>
      %dma_wait3A_1008 = arith.constant 0 : i32
      %dma_wait3A_1009 = arith.constant 0 : i32
      %dma_wait3A_1010 = tpu.memref_slice %arg5[%add3A_826, %dma_wait3A_1008, %dma_wait3A_1009] : memref<6656x8x128xf32, #tpu.memory_space<hbm>> -> memref<1x8x128xf32, #tpu.memory_space<hbm>>
      %dma_wait3A_1011 = tpu.memref_squeeze %dma_wait3A_1010 : memref<1x8x128xf32, #tpu.memory_space<hbm>> -> memref<8x128xf32, #tpu.memory_space<hbm>>
      %dma_wait3A_1012 = arith.constant 0 : i32
      %dma_wait3A_1013 = arith.constant 0 : i32
      %dma_wait3A_1014 = tpu.memref_slice %arg5[%add3A_826, %dma_wait3A_1012, %dma_wait3A_1013] : memref<6656x8x128xf32, #tpu.memory_space<hbm>> -> memref<1x8x128xf32, #tpu.memory_space<hbm>>
      %dma_wait3A_1015 = tpu.memref_squeeze %dma_wait3A_1014 : memref<1x8x128xf32, #tpu.memory_space<hbm>> -> memref<8x128xf32, #tpu.memory_space<hbm>>
      %dma_wait3A_1016 = arith.constant 0 : i32
      %dma_wait3A_1017 = arith.constant 128 : i32
      %dma_wait3A_1018 = tpu.memref_slice %arg8[%dma_wait3A_1016, %dma_wait3A_1017] : memref<16x512xf32, #tpu.memory_space<vmem>> -> memref<8x128xf32, #tpu.memory_space<vmem>>
      tpu.wait_dma2 semaphore(%arg11 : memref<!tpu.dma_semaphore, #tpu.memory_space<semaphore_mem>>) src(%dma_wait3A_1018 : memref<8x128xf32, #tpu.memory_space<vmem>>) dst(%dma_wait3A_1015 : memref<8x128xf32, #tpu.memory_space<hbm>>)
      %dma_wait3A_1019 = arith.constant 0 : i32
      %dma_wait3A_1020 = arith.constant 256 : i32
      %dma_wait3A_1021 = tpu.memref_slice %arg8[%dma_wait3A_1019, %dma_wait3A_1020] : memref<16x512xf32, #tpu.memory_space<vmem>> -> memref<8x128xf32, #tpu.memory_space<vmem>>
      %dma_wait3A_1022 = arith.constant 0 : i32
      %dma_wait3A_1023 = arith.constant 0 : i32
      %dma_wait3A_1024 = tpu.memref_slice %arg5[%add3A_851, %dma_wait3A_1022, %dma_wait3A_1023] : memref<6656x8x128xf32, #tpu.memory_space<hbm>> -> memref<1x8x128xf32, #tpu.memory_space<hbm>>
      %dma_wait3A_1025 = tpu.memref_squeeze %dma_wait3A_1024 : memref<1x8x128xf32, #tpu.memory_space<hbm>> -> memref<8x128xf32, #tpu.memory_space<hbm>>
      %dma_wait3A_1026 = arith.constant 0 : i32
      %dma_wait3A_1027 = arith.constant 0 : i32
      %dma_wait3A_1028 = tpu.memref_slice %arg5[%add3A_851, %dma_wait3A_1026, %dma_wait3A_1027] : memref<6656x8x128xf32, #tpu.memory_space<hbm>> -> memref<1x8x128xf32, #tpu.memory_space<hbm>>
      %dma_wait3A_1029 = tpu.memref_squeeze %dma_wait3A_1028 : memref<1x8x128xf32, #tpu.memory_space<hbm>> -> memref<8x128xf32, #tpu.memory_space<hbm>>
      %dma_wait3A_1030 = arith.constant 0 : i32
      %dma_wait3A_1031 = arith.constant 256 : i32
      %dma_wait3A_1032 = tpu.memref_slice %arg8[%dma_wait3A_1030, %dma_wait3A_1031] : memref<16x512xf32, #tpu.memory_space<vmem>> -> memref<8x128xf32, #tpu.memory_space<vmem>>
      tpu.wait_dma2 semaphore(%arg11 : memref<!tpu.dma_semaphore, #tpu.memory_space<semaphore_mem>>) src(%dma_wait3A_1032 : memref<8x128xf32, #tpu.memory_space<vmem>>) dst(%dma_wait3A_1029 : memref<8x128xf32, #tpu.memory_space<hbm>>)
      %dma_wait3A_1033 = arith.constant 0 : i32
      %dma_wait3A_1034 = arith.constant 384 : i32
      %dma_wait3A_1035 = tpu.memref_slice %arg8[%dma_wait3A_1033, %dma_wait3A_1034] : memref<16x512xf32, #tpu.memory_space<vmem>> -> memref<8x128xf32, #tpu.memory_space<vmem>>
      %dma_wait3A_1036 = arith.constant 0 : i32
      %dma_wait3A_1037 = arith.constant 0 : i32
      %dma_wait3A_1038 = tpu.memref_slice %arg5[%add3A_876, %dma_wait3A_1036, %dma_wait3A_1037] : memref<6656x8x128xf32, #tpu.memory_space<hbm>> -> memref<1x8x128xf32, #tpu.memory_space<hbm>>
      %dma_wait3A_1039 = tpu.memref_squeeze %dma_wait3A_1038 : memref<1x8x128xf32, #tpu.memory_space<hbm>> -> memref<8x128xf32, #tpu.memory_space<hbm>>
      %dma_wait3A_1040 = arith.constant 0 : i32
      %dma_wait3A_1041 = arith.constant 0 : i32
      %dma_wait3A_1042 = tpu.memref_slice %arg5[%add3A_876, %dma_wait3A_1040, %dma_wait3A_1041] : memref<6656x8x128xf32, #tpu.memory_space<hbm>> -> memref<1x8x128xf32, #tpu.memory_space<hbm>>
      %dma_wait3A_1043 = tpu.memref_squeeze %dma_wait3A_1042 : memref<1x8x128xf32, #tpu.memory_space<hbm>> -> memref<8x128xf32, #tpu.memory_space<hbm>>
      %dma_wait3A_1044 = arith.constant 0 : i32
      %dma_wait3A_1045 = arith.constant 384 : i32
      %dma_wait3A_1046 = tpu.memref_slice %arg8[%dma_wait3A_1044, %dma_wait3A_1045] : memref<16x512xf32, #tpu.memory_space<vmem>> -> memref<8x128xf32, #tpu.memory_space<vmem>>
      tpu.wait_dma2 semaphore(%arg11 : memref<!tpu.dma_semaphore, #tpu.memory_space<semaphore_mem>>) src(%dma_wait3A_1046 : memref<8x128xf32, #tpu.memory_space<vmem>>) dst(%dma_wait3A_1043 : memref<8x128xf32, #tpu.memory_space<hbm>>)
      %dma_wait3A_1047 = arith.constant 8 : i32
      %dma_wait3A_1048 = arith.constant 0 : i32
      %dma_wait3A_1049 = tpu.memref_slice %arg8[%dma_wait3A_1047, %dma_wait3A_1048] : memref<16x512xf32, #tpu.memory_space<vmem>> -> memref<8x128xf32, #tpu.memory_space<vmem>>
      %dma_wait3A_1050 = arith.constant 0 : i32
      %dma_wait3A_1051 = arith.constant 0 : i32
      %dma_wait3A_1052 = tpu.memref_slice %arg5[%add3A_901, %dma_wait3A_1050, %dma_wait3A_1051] : memref<6656x8x128xf32, #tpu.memory_space<hbm>> -> memref<1x8x128xf32, #tpu.memory_space<hbm>>
      %dma_wait3A_1053 = tpu.memref_squeeze %dma_wait3A_1052 : memref<1x8x128xf32, #tpu.memory_space<hbm>> -> memref<8x128xf32, #tpu.memory_space<hbm>>
      %dma_wait3A_1054 = arith.constant 0 : i32
      %dma_wait3A_1055 = arith.constant 0 : i32
      %dma_wait3A_1056 = tpu.memref_slice %arg5[%add3A_901, %dma_wait3A_1054, %dma_wait3A_1055] : memref<6656x8x128xf32, #tpu.memory_space<hbm>> -> memref<1x8x128xf32, #tpu.memory_space<hbm>>
      %dma_wait3A_1057 = tpu.memref_squeeze %dma_wait3A_1056 : memref<1x8x128xf32, #tpu.memory_space<hbm>> -> memref<8x128xf32, #tpu.memory_space<hbm>>
      %dma_wait3A_1058 = arith.constant 8 : i32
      %dma_wait3A_1059 = arith.constant 0 : i32
      %dma_wait3A_1060 = tpu.memref_slice %arg8[%dma_wait3A_1058, %dma_wait3A_1059] : memref<16x512xf32, #tpu.memory_space<vmem>> -> memref<8x128xf32, #tpu.memory_space<vmem>>
      tpu.wait_dma2 semaphore(%arg11 : memref<!tpu.dma_semaphore, #tpu.memory_space<semaphore_mem>>) src(%dma_wait3A_1060 : memref<8x128xf32, #tpu.memory_space<vmem>>) dst(%dma_wait3A_1057 : memref<8x128xf32, #tpu.memory_space<hbm>>)
      %dma_wait3A_1061 = arith.constant 8 : i32
      %dma_wait3A_1062 = arith.constant 128 : i32
      %dma_wait3A_1063 = tpu.memref_slice %arg8[%dma_wait3A_1061, %dma_wait3A_1062] : memref<16x512xf32, #tpu.memory_space<vmem>> -> memref<8x128xf32, #tpu.memory_space<vmem>>
      %dma_wait3A_1064 = arith.constant 0 : i32
      %dma_wait3A_1065 = arith.constant 0 : i32
      %dma_wait3A_1066 = tpu.memref_slice %arg5[%add3A_926, %dma_wait3A_1064, %dma_wait3A_1065] : memref<6656x8x128xf32, #tpu.memory_space<hbm>> -> memref<1x8x128xf32, #tpu.memory_space<hbm>>
      %dma_wait3A_1067 = tpu.memref_squeeze %dma_wait3A_1066 : memref<1x8x128xf32, #tpu.memory_space<hbm>> -> memref<8x128xf32, #tpu.memory_space<hbm>>
      %dma_wait3A_1068 = arith.constant 0 : i32
      %dma_wait3A_1069 = arith.constant 0 : i32
      %dma_wait3A_1070 = tpu.memref_slice %arg5[%add3A_926, %dma_wait3A_1068, %dma_wait3A_1069] : memref<6656x8x128xf32, #tpu.memory_space<hbm>> -> memref<1x8x128xf32, #tpu.memory_space<hbm>>
      %dma_wait3A_1071 = tpu.memref_squeeze %dma_wait3A_1070 : memref<1x8x128xf32, #tpu.memory_space<hbm>> -> memref<8x128xf32, #tpu.memory_space<hbm>>
      %dma_wait3A_1072 = arith.constant 8 : i32
      %dma_wait3A_1073 = arith.constant 128 : i32
      %dma_wait3A_1074 = tpu.memref_slice %arg8[%dma_wait3A_1072, %dma_wait3A_1073] : memref<16x512xf32, #tpu.memory_space<vmem>> -> memref<8x128xf32, #tpu.memory_space<vmem>>
      tpu.wait_dma2 semaphore(%arg11 : memref<!tpu.dma_semaphore, #tpu.memory_space<semaphore_mem>>) src(%dma_wait3A_1074 : memref<8x128xf32, #tpu.memory_space<vmem>>) dst(%dma_wait3A_1071 : memref<8x128xf32, #tpu.memory_space<hbm>>)
      %dma_wait3A_1075 = arith.constant 8 : i32
      %dma_wait3A_1076 = arith.constant 256 : i32
      %dma_wait3A_1077 = tpu.memref_slice %arg8[%dma_wait3A_1075, %dma_wait3A_1076] : memref<16x512xf32, #tpu.memory_space<vmem>> -> memref<8x128xf32, #tpu.memory_space<vmem>>
      %dma_wait3A_1078 = arith.constant 0 : i32
      %dma_wait3A_1079 = arith.constant 0 : i32
      %dma_wait3A_1080 = tpu.memref_slice %arg5[%add3A_951, %dma_wait3A_1078, %dma_wait3A_1079] : memref<6656x8x128xf32, #tpu.memory_space<hbm>> -> memref<1x8x128xf32, #tpu.memory_space<hbm>>
      %dma_wait3A_1081 = tpu.memref_squeeze %dma_wait3A_1080 : memref<1x8x128xf32, #tpu.memory_space<hbm>> -> memref<8x128xf32, #tpu.memory_space<hbm>>
      %dma_wait3A_1082 = arith.constant 0 : i32
      %dma_wait3A_1083 = arith.constant 0 : i32
      %dma_wait3A_1084 = tpu.memref_slice %arg5[%add3A_951, %dma_wait3A_1082, %dma_wait3A_1083] : memref<6656x8x128xf32, #tpu.memory_space<hbm>> -> memref<1x8x128xf32, #tpu.memory_space<hbm>>
      %dma_wait3A_1085 = tpu.memref_squeeze %dma_wait3A_1084 : memref<1x8x128xf32, #tpu.memory_space<hbm>> -> memref<8x128xf32, #tpu.memory_space<hbm>>
      %dma_wait3A_1086 = arith.constant 8 : i32
      %dma_wait3A_1087 = arith.constant 256 : i32
      %dma_wait3A_1088 = tpu.memref_slice %arg8[%dma_wait3A_1086, %dma_wait3A_1087] : memref<16x512xf32, #tpu.memory_space<vmem>> -> memref<8x128xf32, #tpu.memory_space<vmem>>
      tpu.wait_dma2 semaphore(%arg11 : memref<!tpu.dma_semaphore, #tpu.memory_space<semaphore_mem>>) src(%dma_wait3A_1088 : memref<8x128xf32, #tpu.memory_space<vmem>>) dst(%dma_wait3A_1085 : memref<8x128xf32, #tpu.memory_space<hbm>>)
      %dma_wait3A_1089 = arith.constant 8 : i32
      %dma_wait3A_1090 = arith.constant 384 : i32
      %dma_wait3A_1091 = tpu.memref_slice %arg8[%dma_wait3A_1089, %dma_wait3A_1090] : memref<16x512xf32, #tpu.memory_space<vmem>> -> memref<8x128xf32, #tpu.memory_space<vmem>>
      %dma_wait3A_1092 = arith.constant 0 : i32
      %dma_wait3A_1093 = arith.constant 0 : i32
      %dma_wait3A_1094 = tpu.memref_slice %arg5[%add3A_976, %dma_wait3A_1092, %dma_wait3A_1093] : memref<6656x8x128xf32, #tpu.memory_space<hbm>> -> memref<1x8x128xf32, #tpu.memory_space<hbm>>
      %dma_wait3A_1095 = tpu.memref_squeeze %dma_wait3A_1094 : memref<1x8x128xf32, #tpu.memory_space<hbm>> -> memref<8x128xf32, #tpu.memory_space<hbm>>
      %dma_wait3A_1096 = arith.constant 0 : i32
      %dma_wait3A_1097 = arith.constant 0 : i32
      %dma_wait3A_1098 = tpu.memref_slice %arg5[%add3A_976, %dma_wait3A_1096, %dma_wait3A_1097] : memref<6656x8x128xf32, #tpu.memory_space<hbm>> -> memref<1x8x128xf32, #tpu.memory_space<hbm>>
      %dma_wait3A_1099 = tpu.memref_squeeze %dma_wait3A_1098 : memref<1x8x128xf32, #tpu.memory_space<hbm>> -> memref<8x128xf32, #tpu.memory_space<hbm>>
      %dma_wait3A_1100 = arith.constant 8 : i32
      %dma_wait3A_1101 = arith.constant 384 : i32
      %dma_wait3A_1102 = tpu.memref_slice %arg8[%dma_wait3A_1100, %dma_wait3A_1101] : memref<16x512xf32, #tpu.memory_space<vmem>> -> memref<8x128xf32, #tpu.memory_space<vmem>>
      tpu.wait_dma2 semaphore(%arg11 : memref<!tpu.dma_semaphore, #tpu.memory_space<semaphore_mem>>) src(%dma_wait3A_1102 : memref<8x128xf32, #tpu.memory_space<vmem>>) dst(%dma_wait3A_1099 : memref<8x128xf32, #tpu.memory_space<hbm>>)
    }
    %scan3A_429 = arith.constant 26 : i32
    return
  }
}

</mosaic_0001>

<sc_bundles>
// kernel: _run.3.cloned.1.call-start
scs
__scs_entry_jumppad:
0x0: {  	(pc) =	sbr.rel $0x88, $3  }
0x1: {  	(tag) =	ssettag $0x0;
	lr =	simm.s32 $0x1  }
0x2: {  	[smem:$0x3F9E] =	sst lr;
	_ =	strace $0xD0000000  }
0x3: {  	_ = 	snop  }
0x4: {  	_ = 	snop  }
0x5: {  	_ = 	snop  }
0x6: {  	_ = 	snop  }
0x7: {  	_ = 	snop  }
__scs_overlays_trampoline_lowered:
0x8: {  	[smem:$0x3FAD] =	sst s0  }
0x9: {  	[smem:$0x3FAE] =	sst s1  }
0xa: {  	[smem:$0x3FAF] =	sst s2  }
0xb: {  	[smem:$0x3FB0] =	sst s3  }
0xc: {  	[smem:$0x3FB1] =	sst s4  }
0xd: {  	[smem:$0x3FB2] =	sst s5  }
0xe: {  	[smem:$0x3FB3] =	sst s6  }
0xf: {  	[smem:$0x3FB4] =	sst s7  }
0x10: {  	[smem:$0x3FB5] =	sst s8  }
0x11: {  	[smem:$0x3FB6] =	sst s9;
	s0 =	simm.s32 @!p0 $0x0  }
0x12: {  	s1 =	sld [smem:$0x3F9C];
	s0 =	simm.s32 @p0 $0x1  }
0x13: {  	[smem:$0x3FB7] =	sst s0;
	s0 =	simm.s32 @!p1 $0x0  }
0x14: {  	s2 =	sld [smem:$0x3F9B];
	s0 =	simm.s32 @p1 $0x1  }
0x15: {  	[smem:$0x3FB8] =	sst s0;
	s0 =	simm.s32 @!p2 $0x0  }
0x16: {  	s3 =	sld [smem:$0x3FDB];
	s0 =	simm.s32 @p2 $0x1  }
0x17: {  	s4 =	simm.s32 $0x1BF5;
	[smem:$0x3FBA] =	sst s0  }
0x18: {  	s0 =	sld [smem:$0x3F9D];
	_ =	swait.ge [sflag:s4], $0x0  }
0x19: {  	s7 =	sld [smem:$0x3F9E]  }
0x1a: {  	s8 =	sadd.s32 $0xFFFFE003, lr  }
0x1b: {  	s9 =	sadd.s32 $0xFFFFFEF7, lr;
	s5 =	simm.s32 $0xFFFFFFFF;
	p2 =	slt.u32 s8, $0xFFFFF086  }
0x1c: {  	p1 =	slt.u32 s9, $0xF7A;
	s5 =	simm.s32 @!p2 $0x0  }
0x1d: {  	s5 =	simm.s32 @p1 $0x1;
	p0 =	seq.s32 s7, s2  }
0x1e: {  	s7 =	smul.u32 @!p0 $0xF7A, s2;
	p2 =	seq.s32 @!p0 s5, $0x0  }
0x1f: {  	s9 =	smul.u32 $0xF7A, s1;
	s8 =	simm.s32 @!p0 $0x1BF5;
	p2 =	por !p2, p0  }
0x20: {  	[sflag:s8] =	ssyncset.s32 @!p0 $0xFFFFF086;
	s6 =	sadd.s32 @!p0 s3, s7;
	s7 =	simm.s32 @!p0 $0x108  }
0x21: {  	s3 =	sadd.s32 s3, s9;
	s6 =	sadd.s32 @!p0 $0x88, s6;
	s7 =	simm.s32 @p2 $0x1082  }
0x22: {  	[simem:s7], [sflag:s8] =	dma.local @!p0 [hbm:s6], $0xF7A  }
0x23: {  	s9 =	sor.u32 $0xD0000000, s2;
	s6 =	simm.s32 $0x108;
	_ =	swait.ge @!p0 [sflag:s8], $0x0  }
0x24: {  	s3 =	sadd.s32 $0x88, s3;
	s6 =	simm.s32 @!p1 $0x1082;
	[sflag:s4] =	ssyncset.s32 $0xFFFFF086  }
0x25: {  	[simem:s6], [sflag:s4] =	dma.local [hbm:s3], $0xF7A  }
0x26: {  	[smem:$0x3F9E] =	sst s1;
	(tag) =	ssettag s2;
	_ =	strace s9  }
0x27: {  	s1 =	sld [smem:$0x3FAE]  }
0x28: {  	s2 =	sld [smem:$0x3FAF]  }
0x29: {  	s4 =	sld [smem:$0x3FB1]  }
0x2a: {  	p0 =	seq.s32 s5, $0x0;
	s5 =	sld [smem:$0x3FB2]  }
0x2b: {  	s6 =	sld [smem:$0x3FB3]  }
0x2c: {  	s7 =	sld [smem:$0x3FB4]  }
0x2d: {  	s3 =	simm.s32 $0x108;
	s8 =	sld [smem:$0x3FB5]  }
0x2e: {  	s3 =	simm.s32 @!p0 $0x1082;
	s9 =	sld [smem:$0x3FB6]  }
0x2f: {  	lr =	sadd.s32 s0, s3;
	s0 =	sld [smem:$0x3FAD]  }
0x30: {  	s3 =	sld [smem:$0x3FB0]  }
0x31: {  	[smem:$0x3FB9] =	sst s10  }
0x32: {  	s10 =	sld [smem:$0x3FB7];
	_ =	sdelay $0x3  }
0x33: {  	p0 =	seq.s32 s10, $0x1;
	s10 =	sld [smem:$0x3FB9];
	_ =	sdelay $0x3  }
0x34: {  	[smem:$0x3FB9] =	sst s10  }
0x35: {  	s10 =	sld [smem:$0x3FB8];
	_ =	sdelay $0x3  }
0x36: {  	p1 =	seq.s32 s10, $0x1;
	s10 =	sld [smem:$0x3FB9];
	_ =	sdelay $0x3  }
0x37: {  	[smem:$0x3FB9] =	sst s10  }
0x38: {  	s10 =	sld [smem:$0x3FBA]  }
0x39: {  	_ = 	snop;
	(pc) =	sbr.ind lr, $3  }
0x3a: {  	_ = 	snop  }
0x3b: {  	_ = 	snop  }
0x3c: {  	p2 =	seq.s32 s10, $0x1;
	s10 =	sld [smem:$0x3FB9]  }
0x3d: {  	_ =	shalt  }
0x3e: {  	_ =	shalt  }
0x3f: {  	_ =	shalt  }
0x40: {  	_ =	shalt  }
0x41: {  	_ =	shalt  }
0x42: {  	_ =	shalt  }
0x43: {  	_ =	shalt  }
0x44: {  	_ =	shalt  }
0x45: {  	_ =	shalt  }
0x46: {  	_ =	shalt  }
0x47: {  	_ =	shalt  }
0x48: {  	_ =	shalt  }
0x49: {  	_ =	shalt  }
0x4a: {  	_ =	shalt  }
0x4b: {  	_ =	shalt  }
0x4c: {  	_ =	shalt  }
0x4d: {  	_ =	shalt  }
0x4e: {  	_ =	shalt  }
0x4f: {  	_ =	shalt  }
0x50: {  	_ =	shalt  }
0x51: {  	_ =	shalt  }
0x52: {  	_ =	shalt  }
0x53: {  	_ =	shalt  }
0x54: {  	_ =	shalt  }
0x55: {  	_ =	shalt  }
0x56: {  	_ =	shalt  }
0x57: {  	_ =	shalt  }
0x58: {  	_ =	shalt  }
0x59: {  	_ =	shalt  }
0x5a: {  	_ =	shalt  }
0x5b: {  	_ =	shalt  }
0x5c: {  	_ =	shalt  }
0x5d: {  	_ =	shalt  }
0x5e: {  	_ =	shalt  }
0x5f: {  	_ =	shalt  }
0x60: {  	_ =	shalt  }
0x61: {  	_ =	shalt  }
0x62: {  	_ =	shalt  }
0x63: {  	_ =	shalt  }
0x64: {  	_ =	shalt  }
0x65: {  	_ =	shalt  }
0x66: {  	_ =	shalt  }
0x67: {  	_ =	shalt  }
0x68: {  	_ =	shalt  }
0x69: {  	_ =	shalt  }
0x6a: {  	_ =	shalt  }
0x6b: {  	_ =	shalt  }
0x6c: {  	_ =	shalt  }
0x6d: {  	_ =	shalt  }
0x6e: {  	_ =	shalt  }
0x6f: {  	_ =	shalt  }
0x70: {  	_ =	shalt  }
0x71: {  	_ =	shalt  }
0x72: {  	_ =	shalt  }
0x73: {  	_ =	shalt  }
0x74: {  	_ =	shalt  }
0x75: {  	_ =	shalt  }
0x76: {  	_ =	shalt  }
0x77: {  	_ =	shalt  }
0x78: {  	_ =	shalt  }
0x79: {  	_ =	shalt  }
0x7a: {  	_ =	shalt  }
0x7b: {  	_ =	shalt  }
0x7c: {  	_ =	shalt  }
0x7d: {  	_ =	shalt  }
0x7e: {  	_ =	shalt  }
0x7f: {  	_ =	shalt  }
0x80: {  	_ =	shalt  }
0x81: {  	_ =	shalt  }
0x82: {  	_ =	shalt  }
0x83: {  	_ =	shalt  }
0x84: {  	_ =	shalt  }
0x85: {  	_ =	shalt  }
0x86: {  	_ =	shalt  }
0x87: {  	_ =	shalt  }
.Lfunc_end0:
.L_simem_size_0:
called_computation_lowered:
.L_overlay_start_0:
0x88: {  	s2 =	sld [smem:$0x3FD9]  }
0x89: {  	s3 =	sld [smem:$0x3FFE];
	_ =	sdelay $0x1  }
0x8a: {  	s1 =	srdreg.scid  }
0x8b: {  	s0 =	sand.u32 $0x1, s1  }
0x8c: {  	s17 =	sshll.u32 s0, $0xA;
	s2 =	sadd.s32 s3, s2  }
0x8d: {  	s2 =	sadd.s32 s2, s17  }
0x8e: {  	[smem:$0x3FC5] =	sst s2  }
0x8f: {  	_ = 	snop  }
0x90: {  	s2 =	sld [smem:$0x3FC9]  }
0x91: {  	s18 =	sld [smem:$0x3FC8]  }
0x92: {  	s4 =	sld [smem:$0x3FD0];
	(tm) =	ssettm $0x1  }
0x93: {  	s5 =	sld [smem:$0x3FFB];
	_ =	sdelay $0x3  }
0x94: {  	_ =	strace s5  }
0x95: {  	s5 =	sld [smem:$0x3FFC];
	_ =	sdelay $0x3  }
0x96: {  	_ =	strace s5  }
0x97: {  	s5 =	sld [smem:$0x3FFD];
	_ =	sdelay $0x3  }
0x98: {  	_ =	strace s5  }
0x99: {  	_ =	strace $0x8FFFFFFF  }
0x9a: {  	s19 =	sld [smem:$0x3FDB];
	_ =	sdelay $0x1  }
0x9b: {  	s6 =	simm.s32 $_scs_section_size  }
0x9c: {  	s7 =	simm.s32 $_size__tile_overlayer_lowered;
	s8 =	simm.s32 $_tile_overlayer_lowered  }
0x9d: {  	s22 =	simm.s32 $0x1BFF;
	s21 =	sshll.u32 s8, $0x1;
	s5 =	sadd.s32 s6, s19  }
0x9e: {  	s9 =	simm.s32 $0x0;
	s20 =	sshll.u32 s7, $0x1;
	s7 =	sadd.s32 s21, s5  }
0x9f: {  	[timem:s9], [sflag:s22] =	dma.local [hbm:s7], s20  }
0xa0: {  	_ =	swait.ge [sflag:s22], s20  }
0xa1: {  	s6 =	ssub.s32 $0x0, s20;
	[sflag:s22] =	ssyncset.done $0x0  }
0xa2: {  	[sflag:s22] =	ssyncadd.s32 s6;
	_ =	sdelay $0x1  }
0xa3: {  	s23 =	simm.s32 $0x1B8B  }
0xa4: {  	_ =	swait.ge [sflag:s23], $0x1  }
0xa5: {  	[sflag:s23] =	ssyncset.done $0x0  }
0xa6: {  	s25 =	simm.s32 $0x1B8E;
	s24 =	sld [smem:$0x3FFE];
	[sflag:s23] =	ssyncadd.s32 $0xFFFFFFFF  }
0xa7: {  	s26 =	simm.s32 $execute0_lowered;
	[smem:$0x3FD2] =	sst s25  }
0xa8: {  	s7 =	sshll.u32 s26, $0x1;
	_ =	strace $0x80000046;
	[dreg:$0x1] =	wrdreg $0xFFFFFFFF  }
0xa9: {  	s28 =	simm.s32 $_size_execute0_lowered;
	s5 =	sadd.s32 s5, s7;
	[dreg:$0x0] =	wrdreg $0x0  }
0xaa: {  	s7 =	sshll.u32 s28, $0x1;
	[dreg:$0x2] =	wrdreg s5  }
0xab: {  	[dreg:$0x3] =	wrdreg s7  }
0xac: {  	[dreg:$0x4] =	wrdreg $0xC0  }
0xad: {  	_ =	task [dreg:s9], $0x5FFFF  }
0xae: {  	[dreg:$0x1] =	wrdreg $0xFFFFFFFF  }
0xaf: {  	[dreg:$0x0] =	wrdreg $0x60  }
0xb0: {  	[dreg:$0x2] =	wrdreg s2  }
0xb1: {  	[dreg:$0x3] =	wrdreg s18  }
0xb2: {  	[dreg:$0x4] =	wrdreg s24  }
0xb3: {  	[dreg:$0x5] =	wrdreg s4  }
0xb4: {  	[dreg:$0x6] =	wrdreg $0x9  }
0xb5: {  	_ =	task.clear_ibuf [dreg:s9], $0x7FFFF;
	_ =	strace $0x90000046  }
0xb6: {  	s29 =	simm.s32 $0x9;
	_ =	strace $0x80000048  }
0xb7: {  	_ =	swait.ge [sflag:s29], $0x1  }
0xb8: {  	[sflag:s29] =	ssyncadd.s32 $0xFFFFFFFF  }
0xb9: {  	_ =	strace $0x90000048  }
0xba: {  	_ =	sfence  }
0xbb: {  	s30 =	sld [smem:$0x0];
	_ =	sdelay $0x2  }
0xbc: {  	s31 =	sshll.u32 s1, $0xD;
	s1 =	sshrl.u32 s1, $0x2  }
0xbd: {  	s3 =	sand.u32 $0x4000, s31;
	s1 =	sadd.s32 s1, s30  }
0xbe: {  	s0 =	sor.u32 s3, s0;
	s1 =	sshll.u32 s1, $0x11  }
0xbf: {  	s0 =	sor.u32 s1, s0  }
0xc0: {  	s0 =	sadd.s32 $0x8F2B, s0  }
0xc1: {  	[sflag:s0] =	ssyncadd.remote.s32 $0x1  }
0xc2: {  	_ =	sfence.sel $0xFFFF  }
0xc3: {  	[dreg:$0x0] =	wrdreg $0xFFFFFFFF;
	(pc) =	sbr.abs _section_cstart, $3  }
0xc4: {  	[dreg:$0x1] =	wrdreg $0xFFFFFFFF  }
0xc5: {  	_ =	task.clear_ibuf [dreg:s9], $0x2FFFF;
	_ =	strace $0x9FFFFFFF  }
0xc6: {  	(tm) =	ssettm $0x7FFFFFFF  }
0xc7: {  	_ =	shalt  }
tec
execute0_lowered:
.L_overlay_start_1:
0x0: {  	(tag) =	ssettag $0x1  }
0x1: {  	s2 =	rddreg [dreg:$0x0]  }
0x2: {  	s3 =	srdreg.scid;
	s5 =	stileid.u32  }
0x3: {  	s1 =	rddreg [dreg:$0x1];
	s4 =	sand.u32 $0x1, s3;
	s5 =	sshll.u32 s5, $0x1  }
0x4: {  	s0 =	rddreg [dreg:$0x2];
	s7 =	ssub.s32 $0x2, s4;
	s4 =	sor.u32 s4, s5  }
0x5: {  	s8 =	rddreg [dreg:$0x3];
	s3 =	simm.s32 $0x0;
	s6 =	sshll.u32 s4, $0x6  }
0x6: {  	[smem:$0x7FF] =	sst s3;
	s9 =	sshrl.u32 s7, $0x1;
	s10 =	sor.u32 $0x800, s6  }
0x7: {  	_ =	strace $0x80000047;
	s5 =	ssub.s32 s7, s9;
	s9 =	sadd.s32 s2, s10  }
0x8: {  	s11 =	sor.u32 $0x1000, s6;
	s7 =	sadd.s32 s1, s10;
	[dreg:$0x5] =	wrdreg s9  }
0x9: {  	s13 =	sor.u32 $0x1800, s6;
	s12 =	sadd.s32 s2, s11;
	[dreg:$0x6] =	wrdreg s7  }
0xa: {  	s15 =	sor.u32 $0x2000, s6;
	s14 =	sadd.s32 s2, s13;
	[dreg:$0x7] =	wrdreg s12  }
0xb: {  	s17 =	sor.u32 $0x2800, s6;
	s16 =	sadd.s32 s2, s15;
	[dreg:$0x9] =	wrdreg s14  }
0xc: {  	s19 =	sor.u32 $0x3000, s6;
	s18 =	sadd.s32 s2, s17;
	[dreg:$0xb] =	wrdreg s16  }
0xd: {  	s21 =	sor.u32 $0x3800, s6;
	s20 =	sadd.s32 s2, s19;
	[dreg:$0xd] =	wrdreg s18  }
0xe: {  	s23 =	sor.u32 $0x4000, s6;
	s22 =	sadd.s32 s2, s21;
	[dreg:$0xf] =	wrdreg s20  }
0xf: {  	s25 =	sor.u32 $0x4800, s6;
	s24 =	sadd.s32 s2, s23;
	[dreg:$0x11] =	wrdreg s22  }
0x10: {  	s26 =	sadd.s32 s2, s25;
	[dreg:$0x13] =	wrdreg s24  }
0x11: {  	s10 =	sor.u32 $0x5000, s6;
	s7 =	sadd.s32 s1, s11;
	[dreg:$0x15] =	wrdreg s26  }
0x12: {  	s11 =	sadd.s32 s2, s10;
	[dreg:$0x8] =	wrdreg s7  }
0x13: {  	s12 =	sor.u32 $0x5800, s6;
	s7 =	sadd.s32 s1, s13;
	[dreg:$0x17] =	wrdreg s11  }
0x14: {  	s13 =	sadd.s32 s2, s12;
	[dreg:$0xa] =	wrdreg s7  }
0x15: {  	s14 =	sor.u32 $0x6000, s6;
	s7 =	sadd.s32 s1, s15;
	[dreg:$0x19] =	wrdreg s13  }
0x16: {  	s15 =	sadd.s32 s2, s14;
	[dreg:$0xc] =	wrdreg s7  }
0x17: {  	s16 =	sor.u32 $0x6800, s6;
	s7 =	sadd.s32 s1, s17;
	[dreg:$0x1b] =	wrdreg s15  }
0x18: {  	s17 =	sadd.s32 s2, s16;
	[dreg:$0xe] =	wrdreg s7  }
0x19: {  	s18 =	sor.u32 $0x7000, s6;
	s7 =	sadd.s32 s1, s19;
	[dreg:$0x1d] =	wrdreg s17  }
0x1a: {  	s19 =	sadd.s32 s2, s18;
	[dreg:$0x10] =	wrdreg s7  }
0x1b: {  	s20 =	sor.u32 $0x7800, s6;
	s7 =	sadd.s32 s1, s21;
	[dreg:$0x1f] =	wrdreg s19  }
0x1c: {  	s21 =	sadd.s32 s2, s20;
	[dreg:$0x12] =	wrdreg s7  }
0x1d: {  	s22 =	sor.u32 $0x8000, s6;
	s7 =	sadd.s32 s1, s23;
	[smem:$0x7D2] =	sst s21  }
0x1e: {  	s23 =	sadd.s32 s2, s22;
	[dreg:$0x14] =	wrdreg s7  }
0x1f: {  	s21 =	sadd.s32 s2, s6;
	[smem:$0x7D4] =	sst s23  }
0x20: {  	s24 =	sor.u32 $0x8800, s6;
	s7 =	sadd.s32 s1, s25;
	[smem:$0x7E4] =	sst s21  }
0x21: {  	s25 =	sadd.s32 s2, s24;
	[dreg:$0x16] =	wrdreg s7  }
0x22: {  	s21 =	sadd.s32 $0x1AB5F0, s0;
	[smem:$0x7D6] =	sst s25  }
0x23: {  	s26 =	sor.u32 $0x9000, s6;
	s7 =	sadd.s32 s1, s10;
	[smem:$0x7F7] =	sst s21  }
0x24: {  	s23 =	sor.u32 $0xC000, s6;
	s10 =	sadd.s32 s2, s26;
	[dreg:$0x18] =	wrdreg s7  }
0x25: {  	s25 =	sadd.s32 s2, s23;
	[smem:$0x7D8] =	sst s10  }
0x26: {  	s11 =	sor.u32 $0x9800, s6;
	s7 =	sadd.s32 s1, s12;
	[smem:$0x7E7] =	sst s25  }
0x27: {  	s12 =	sadd.s32 s2, s11;
	[dreg:$0x1a] =	wrdreg s7  }
0x28: {  	s10 =	sadd.s32 $0x3D290, s0;
	[smem:$0x7DA] =	sst s12  }
0x29: {  	s25 =	sadd.s32 $0x80, s8;
	[smem:$0x7E9] =	sst s10  }
0x2a: {  	s13 =	sor.u32 $0xA000, s6;
	s7 =	sadd.s32 s1, s14;
	[smem:$0x7FC] =	sst s25  }
0x2b: {  	s14 =	sadd.s32 s2, s13;
	[dreg:$0x1c] =	wrdreg s7  }
0x2c: {  	s12 =	sadd.s32 $0x7A320, s0;
	[smem:$0x7DC] =	sst s14  }
0x2d: {  	s15 =	sor.u32 $0xA800, s6;
	s7 =	sadd.s32 s1, s16;
	[smem:$0x7EB] =	sst s12  }
0x2e: {  	s16 =	sadd.s32 s2, s15;
	[dreg:$0x1e] =	wrdreg s7  }
0x2f: {  	s14 =	sadd.s32 $0xB73B0, s0;
	[smem:$0x7DE] =	sst s16  }
0x30: {  	s17 =	sor.u32 $0xB000, s6;
	s7 =	sadd.s32 s1, s18;
	[smem:$0x7ED] =	sst s14  }
0x31: {  	s18 =	sadd.s32 s2, s17;
	[smem:$0x7D1] =	sst s7  }
0x32: {  	s16 =	sadd.s32 $0x112C88, s0;
	[smem:$0x7E0] =	sst s18  }
0x33: {  	s19 =	sor.u32 $0xB800, s6;
	s7 =	sadd.s32 s1, s20;
	[smem:$0x7F0] =	sst s16  }
0x34: {  	s20 =	sadd.s32 s2, s19;
	[smem:$0x7D3] =	sst s7  }
0x35: {  	s18 =	sadd.s32 $0x14FD18, s0;
	[smem:$0x7E2] =	sst s20  }
0x36: {  	s7 =	sadd.s32 s1, s22;
	[smem:$0x7F3] =	sst s18  }
0x37: {  	s22 =	sadd.s32 s1, s6;
	[smem:$0x7D5] =	sst s7  }
0x38: {  	s20 =	sadd.s32 $0x18CDA8, s0;
	[smem:$0x7E5] =	sst s22  }
0x39: {  	s7 =	sadd.s32 s1, s24;
	[smem:$0x7F6] =	sst s20  }
0x3a: {  	s6 =	sor.u32 $0xC800, s6;
	s24 =	sadd.s32 $0x200, s0;
	[smem:$0x7D7] =	sst s7  }
0x3b: {  	s28 =	simm.s32 $0x7800;
	s2 =	sadd.s32 s2, s6;
	[smem:$0x7E6] =	sst s24  }
0x3c: {  	s29 =	simm.s32 $0x7A00;
	s22 =	sadd.s32 $0xF4440, s0;
	[smem:$0x7F2] =	sst s2  }
0x3d: {  	s30 =	simm.s32 $0x7C00;
	s7 =	sadd.s32 s1, s26;
	[smem:$0x7F8] =	sst s22  }
0x3e: {  	s31 =	simm.s32 $0x7E00;
	s26 =	sadd.s32 $0x1EA48, s0;
	[smem:$0x7D9] =	sst s7  }
0x3f: {  	s9 =	simm.s32 $0x6A00;
	s24 =	smax.u32 s5, $0x1;
	[smem:$0x7E8] =	sst s26  }
0x40: {  	s21 =	sadd.s32 $0x4100, s8;
	s7 =	sadd.s32 s1, s11;
	[smem:$0x7FB] =	sst s24  }
0x41: {  	s25 =	simm.s32 $0x7400;
	s11 =	sadd.s32 $0x5BAD8, s0;
	[smem:$0x7DB] =	sst s7  }
0x42: {  	s10 =	simm.s32 $0x3;
	s26 =	sadd.s32 $0x100, s8;
	[smem:$0x7EA] =	sst s11  }
0x43: {  	s12 =	simm.s32 $0x0;
	s7 =	sadd.s32 s1, s13;
	[smem:$0x7FD] =	sst s26  }
0x44: {  	s18 =	sadd.s32 $0x180, s8;
	s13 =	sadd.s32 $0x98B68, s0;
	[smem:$0x7DD] =	sst s7  }
0x45: {  	s20 =	sadd.s32 $0x4080, s8;
	s7 =	sadd.s32 s1, s15;
	[smem:$0x7EC] =	sst s13  }
0x46: {  	s22 =	sadd.s32 $0x4180, s8;
	s15 =	sadd.s32 $0xD5BF8, s0;
	[smem:$0x7DF] =	sst s7  }
0x47: {  	s2 =	simm.s32 $0x7000;
	s7 =	sadd.s32 s1, s17;
	[smem:$0x7EE] =	sst s15  }
0x48: {  	s5 =	simm.s32 $0x8400;
	s17 =	sadd.s32 $0x1314D0, s0;
	[smem:$0x7E1] =	sst s7  }
0x49: {  	s24 =	simm.s32 $0x200;
	s7 =	sadd.s32 s1, s19;
	[smem:$0x7F1] =	sst s17  }
0x4a: {  	s26 =	simm.s32 $0x7600;
	s19 =	sadd.s32 $0x16E560, s0;
	[smem:$0x7E3] =	sst s7  }
0x4b: {  	s15 =	simm.s32 $0x6C00;
	s0 =	sadd.s32 $0x1C9E38, s0;
	[smem:$0x7F4] =	sst s19  }
0x4c: {  	s7 =	sadd.s32 s1, s23;
	s1 =	sadd.s32 s1, s6;
	[smem:$0x7F9] =	sst s0  }
0x4d: {  	s23 =	sshll.u32 s4, $0x9;
	s19 =	sadd.s32 $0x4000, s8;
	[smem:$0x7EF] =	sst s7  }
0x4e: {  	s6 =	simm.s32 $0x6800;
	s0 =	simm.s32 $0x8000;
	[smem:$0x7F5] =	sst s1  }
0x4f: {  	s4 =	simm.s32 $0x8200;
	s8 =	simm.s32 $0x2;
	[smem:$0x7FA] =	sst s23  }
0x50: {  	s1 =	simm.s32 $0x6E00;
	s23 =	simm.s32 $0x7200;
	s7 =	simm.s32 $0x8600  }
.LBB2_1:
0x51: {  	s11 =	sld [smem:$0x7E4];
	_ =	sdelay $0x1  }
0x52: {  	s17 =	sld [smem:$0x7E5]  }
0x53: {  	[tilespmem:s3], [sflag:$0x1] =	stream.linear.gather [hbm4b:s11+s3], $0x200, $0x38;
	[tilespmem:$0x8800] =	vst v63  }
0x54: {  	s13 =	rddreg [dreg:$0x5];
	s11 =	simm.s32 $0x3400  }
0x55: {  	[tilespmem:s11], [sflag:$0x1] =	stream.linear.gather [hbm4b:s17+s3], $0x200, $0x38;
	[tilespmem:$0x8800] =	vst v63  }
0x56: {  	s14 =	rddreg [dreg:$0x6]  }
0x57: {  	[tilespmem:s24], [sflag:$0x1] =	stream.linear.gather [hbm4b:s13+s3], $0x200, $0x38;
	[tilespmem:$0x8800] =	vst v63  }
0x58: {  	s16 =	rddreg [dreg:$0x7];
	s13 =	simm.s32 $0x3600  }
0x59: {  	[tilespmem:s13], [sflag:$0x1] =	stream.linear.gather [hbm4b:s14+s3], $0x200, $0x38;
	[tilespmem:$0x8800] =	vst v63  }
0x5a: {  	s17 =	simm.s32 $0x400;
	s13 =	rddreg [dreg:$0x8]  }
0x5b: {  	[tilespmem:s17], [sflag:$0x1] =	stream.linear.gather [hbm4b:s16+s3], $0x200, $0x38;
	[tilespmem:$0x8800] =	vst v63  }
0x5c: {  	s14 =	simm.s32 $0x3800;
	s16 =	rddreg [dreg:$0x9]  }
0x5d: {  	[tilespmem:s14], [sflag:$0x1] =	stream.linear.gather [hbm4b:s13+s3], $0x200, $0x38;
	[tilespmem:$0x8800] =	vst v63  }
0x5e: {  	s17 =	simm.s32 $0x600;
	s13 =	rddreg [dreg:$0xa]  }
0x5f: {  	[tilespmem:s17], [sflag:$0x1] =	stream.linear.gather [hbm4b:s16+s3], $0x200, $0x38;
	[tilespmem:$0x8800] =	vst v63  }
0x60: {  	s14 =	simm.s32 $0x3A00;
	s16 =	rddreg [dreg:$0xb]  }
0x61: {  	[tilespmem:s14], [sflag:$0x1] =	stream.linear.gather [hbm4b:s13+s3], $0x200, $0x38;
	[tilespmem:$0x8800] =	vst v63  }
0x62: {  	s17 =	simm.s32 $0x800;
	s13 =	rddreg [dreg:$0xc]  }
0x63: {  	[tilespmem:s17], [sflag:$0x1] =	stream.linear.gather [hbm4b:s16+s3], $0x200, $0x38;
	[tilespmem:$0x8800] =	vst v63  }
0x64: {  	s14 =	simm.s32 $0x3C00;
	s16 =	rddreg [dreg:$0xd]  }
0x65: {  	[tilespmem:s14], [sflag:$0x1] =	stream.linear.gather [hbm4b:s13+s3], $0x200, $0x38;
	[tilespmem:$0x8800] =	vst v63  }
0x66: {  	s17 =	simm.s32 $0xA00;
	s13 =	rddreg [dreg:$0xe]  }
0x67: {  	[tilespmem:s17], [sflag:$0x1] =	stream.linear.gather [hbm4b:s16+s3], $0x200, $0x38;
	[tilespmem:$0x8800] =	vst v63  }
0x68: {  	s14 =	simm.s32 $0x3E00;
	s16 =	rddreg [dreg:$0xf]  }
0x69: {  	[tilespmem:s14], [sflag:$0x1] =	stream.linear.gather [hbm4b:s13+s3], $0x200, $0x38;
	[tilespmem:$0x8800] =	vst v63  }
0x6a: {  	s17 =	simm.s32 $0xC00;
	s13 =	rddreg [dreg:$0x10]  }
0x6b: {  	[tilespmem:s17], [sflag:$0x1] =	stream.linear.gather [hbm4b:s16+s3], $0x200, $0x38;
	[tilespmem:$0x8800] =	vst v63  }
0x6c: {  	s14 =	simm.s32 $0x4000;
	s16 =	rddreg [dreg:$0x11]  }
0x6d: {  	[tilespmem:s14], [sflag:$0x1] =	stream.linear.gather [hbm4b:s13+s3], $0x200, $0x38;
	[tilespmem:$0x8800] =	vst v63  }
0x6e: {  	s17 =	simm.s32 $0xE00;
	s13 =	rddreg [dreg:$0x12]  }
0x6f: {  	[tilespmem:s17], [sflag:$0x1] =	stream.linear.gather [hbm4b:s16+s3], $0x200, $0x38;
	[tilespmem:$0x8800] =	vst v63  }
0x70: {  	s14 =	simm.s32 $0x4200;
	s16 =	rddreg [dreg:$0x13]  }
0x71: {  	[tilespmem:s14], [sflag:$0x1] =	stream.linear.gather [hbm4b:s13+s3], $0x200, $0x38;
	[tilespmem:$0x8800] =	vst v63  }
0x72: {  	s17 =	simm.s32 $0x1000;
	s13 =	rddreg [dreg:$0x14]  }
0x73: {  	[tilespmem:s17], [sflag:$0x1] =	stream.linear.gather [hbm4b:s16+s3], $0x200, $0x38;
	[tilespmem:$0x8800] =	vst v63  }
0x74: {  	s14 =	simm.s32 $0x4400;
	s16 =	rddreg [dreg:$0x15]  }
0x75: {  	[tilespmem:s14], [sflag:$0x1] =	stream.linear.gather [hbm4b:s13+s3], $0x200, $0x38;
	[tilespmem:$0x8800] =	vst v63  }
0x76: {  	s17 =	simm.s32 $0x1200;
	s13 =	rddreg [dreg:$0x16]  }
0x77: {  	[tilespmem:s17], [sflag:$0x1] =	stream.linear.gather [hbm4b:s16+s3], $0x200, $0x38;
	[tilespmem:$0x8800] =	vst v63  }
0x78: {  	s14 =	simm.s32 $0x4600;
	s16 =	rddreg [dreg:$0x17]  }
0x79: {  	[tilespmem:s14], [sflag:$0x1] =	stream.linear.gather [hbm4b:s13+s3], $0x200, $0x38;
	[tilespmem:$0x8800] =	vst v63  }
0x7a: {  	s17 =	simm.s32 $0x1400;
	s13 =	rddreg [dreg:$0x18]  }
0x7b: {  	[tilespmem:s17], [sflag:$0x1] =	stream.linear.gather [hbm4b:s16+s3], $0x200, $0x38;
	[tilespmem:$0x8800] =	vst v63  }
0x7c: {  	s14 =	simm.s32 $0x4800;
	s16 =	rddreg [dreg:$0x19]  }
0x7d: {  	[tilespmem:s14], [sflag:$0x1] =	stream.linear.gather [hbm4b:s13+s3], $0x200, $0x38;
	[tilespmem:$0x8800] =	vst v63  }
0x7e: {  	s17 =	simm.s32 $0x1600;
	s13 =	rddreg [dreg:$0x1a]  }
0x7f: {  	[tilespmem:s17], [sflag:$0x1] =	stream.linear.gather [hbm4b:s16+s3], $0x200, $0x38;
	[tilespmem:$0x8800] =	vst v63  }
0x80: {  	s14 =	simm.s32 $0x4A00;
	s16 =	rddreg [dreg:$0x1b]  }
0x81: {  	[tilespmem:s14], [sflag:$0x1] =	stream.linear.gather [hbm4b:s13+s3], $0x200, $0x38;
	[tilespmem:$0x8800] =	vst v63  }
0x82: {  	s17 =	simm.s32 $0x1800;
	s13 =	rddreg [dreg:$0x1c]  }
0x83: {  	[tilespmem:s17], [sflag:$0x1] =	stream.linear.gather [hbm4b:s16+s3], $0x200, $0x38;
	[tilespmem:$0x8800] =	vst v63  }
0x84: {  	s14 =	simm.s32 $0x4C00;
	s16 =	rddreg [dreg:$0x1d]  }
0x85: {  	[tilespmem:s14], [sflag:$0x1] =	stream.linear.gather [hbm4b:s13+s3], $0x200, $0x38;
	[tilespmem:$0x8800] =	vst v63  }
0x86: {  	s17 =	simm.s32 $0x1A00;
	s13 =	rddreg [dreg:$0x1e]  }
0x87: {  	[tilespmem:s17], [sflag:$0x1] =	stream.linear.gather [hbm4b:s16+s3], $0x200, $0x38;
	[tilespmem:$0x8800] =	vst v63  }
0x88: {  	s14 =	simm.s32 $0x4E00;
	s16 =	rddreg [dreg:$0x1f]  }
0x89: {  	[tilespmem:s14], [sflag:$0x1] =	stream.linear.gather [hbm4b:s13+s3], $0x200, $0x38;
	[tilespmem:$0x8800] =	vst v63  }
0x8a: {  	s17 =	simm.s32 $0x1C00;
	s13 =	sld [smem:$0x7D1]  }
0x8b: {  	[tilespmem:s17], [sflag:$0x1] =	stream.linear.gather [hbm4b:s16+s3], $0x200, $0x38;
	[tilespmem:$0x8800] =	vst v63  }
0x8c: {  	s14 =	simm.s32 $0x5000;
	s16 =	sld [smem:$0x7D2]  }
0x8d: {  	[tilespmem:s14], [sflag:$0x1] =	stream.linear.gather [hbm4b:s13+s3], $0x200, $0x38;
	[tilespmem:$0x8800] =	vst v63  }
0x8e: {  	s17 =	simm.s32 $0x1E00;
	s13 =	sld [smem:$0x7D3]  }
0x8f: {  	[tilespmem:s17], [sflag:$0x1] =	stream.linear.gather [hbm4b:s16+s3], $0x200, $0x38;
	[tilespmem:$0x8800] =	vst v63  }
0x90: {  	s14 =	simm.s32 $0x5200;
	s16 =	sld [smem:$0x7D4]  }
0x91: {  	[tilespmem:s14], [sflag:$0x1] =	stream.linear.gather [hbm4b:s13+s3], $0x200, $0x38;
	[tilespmem:$0x8800] =	vst v63  }
0x92: {  	s17 =	simm.s32 $0x2000;
	s13 =	sld [smem:$0x7D5]  }
0x93: {  	[tilespmem:s17], [sflag:$0x1] =	stream.linear.gather [hbm4b:s16+s3], $0x200, $0x38;
	[tilespmem:$0x8800] =	vst v63  }
0x94: {  	s14 =	simm.s32 $0x5400;
	s16 =	sld [smem:$0x7D6]  }
0x95: {  	[tilespmem:s14], [sflag:$0x1] =	stream.linear.gather [hbm4b:s13+s3], $0x200, $0x38;
	[tilespmem:$0x8800] =	vst v63  }
0x96: {  	s17 =	simm.s32 $0x2200;
	s13 =	sld [smem:$0x7D7]  }
0x97: {  	[tilespmem:s17], [sflag:$0x1] =	stream.linear.gather [hbm4b:s16+s3], $0x200, $0x38;
	[tilespmem:$0x8800] =	vst v63  }
0x98: {  	s14 =	simm.s32 $0x5600;
	s16 =	sld [smem:$0x7D8]  }
0x99: {  	[tilespmem:s14], [sflag:$0x1] =	stream.linear.gather [hbm4b:s13+s3], $0x200, $0x38;
	[tilespmem:$0x8800] =	vst v63  }
0x9a: {  	s17 =	simm.s32 $0x2400;
	s13 =	sld [smem:$0x7D9]  }
0x9b: {  	[tilespmem:s17], [sflag:$0x1] =	stream.linear.gather [hbm4b:s16+s3], $0x200, $0x38;
	[tilespmem:$0x8800] =	vst v63  }
0x9c: {  	s14 =	simm.s32 $0x5800;
	s16 =	sld [smem:$0x7DA]  }
0x9d: {  	[tilespmem:s14], [sflag:$0x1] =	stream.linear.gather [hbm4b:s13+s3], $0x200, $0x38;
	[tilespmem:$0x8800] =	vst v63  }
0x9e: {  	s17 =	simm.s32 $0x2600;
	s13 =	sld [smem:$0x7DB]  }
0x9f: {  	[tilespmem:s17], [sflag:$0x1] =	stream.linear.gather [hbm4b:s16+s3], $0x200, $0x38;
	[tilespmem:$0x8800] =	vst v63  }
0xa0: {  	s14 =	simm.s32 $0x5A00;
	s16 =	sld [smem:$0x7DC]  }
0xa1: {  	[tilespmem:s14], [sflag:$0x1] =	stream.linear.gather [hbm4b:s13+s3], $0x200, $0x38;
	[tilespmem:$0x8800] =	vst v63  }
0xa2: {  	s17 =	simm.s32 $0x2800;
	s13 =	sld [smem:$0x7DD]  }
0xa3: {  	[tilespmem:s17], [sflag:$0x1] =	stream.linear.gather [hbm4b:s16+s3], $0x200, $0x38;
	[tilespmem:$0x8800] =	vst v63  }
0xa4: {  	s14 =	simm.s32 $0x5C00;
	s16 =	sld [smem:$0x7DE]  }
0xa5: {  	[tilespmem:s14], [sflag:$0x1] =	stream.linear.gather [hbm4b:s13+s3], $0x200, $0x38;
	[tilespmem:$0x8800] =	vst v63  }
0xa6: {  	s17 =	simm.s32 $0x2A00;
	s13 =	sld [smem:$0x7DF]  }
0xa7: {  	[tilespmem:s17], [sflag:$0x1] =	stream.linear.gather [hbm4b:s16+s3], $0x200, $0x38;
	[tilespmem:$0x8800] =	vst v63  }
0xa8: {  	s14 =	simm.s32 $0x5E00;
	s16 =	sld [smem:$0x7E0]  }
0xa9: {  	[tilespmem:s14], [sflag:$0x1] =	stream.linear.gather [hbm4b:s13+s3], $0x200, $0x38;
	[tilespmem:$0x8800] =	vst v63  }
0xaa: {  	s17 =	simm.s32 $0x2C00;
	s13 =	sld [smem:$0x7E1]  }
0xab: {  	[tilespmem:s17], [sflag:$0x1] =	stream.linear.gather [hbm4b:s16+s3], $0x200, $0x38;
	[tilespmem:$0x8800] =	vst v63  }
0xac: {  	s14 =	simm.s32 $0x6000;
	s16 =	sld [smem:$0x7E2]  }
0xad: {  	[tilespmem:s14], [sflag:$0x1] =	stream.linear.gather [hbm4b:s13+s3], $0x200, $0x38;
	[tilespmem:$0x8800] =	vst v63  }
0xae: {  	s17 =	simm.s32 $0x2E00;
	s13 =	sld [smem:$0x7E3]  }
0xaf: {  	[tilespmem:s17], [sflag:$0x1] =	stream.linear.gather [hbm4b:s16+s3], $0x200, $0x38;
	[tilespmem:$0x8800] =	vst v63  }
0xb0: {  	s14 =	simm.s32 $0x6200;
	s16 =	sld [smem:$0x7E7]  }
0xb1: {  	[tilespmem:s14], [sflag:$0x1] =	stream.linear.gather [hbm4b:s13+s3], $0x200, $0x38;
	[tilespmem:$0x8800] =	vst v63  }
0xb2: {  	s17 =	simm.s32 $0x3000;
	s13 =	sld [smem:$0x7EF]  }
0xb3: {  	[tilespmem:s17], [sflag:$0x1] =	stream.linear.gather [hbm4b:s16+s3], $0x200, $0x38;
	[tilespmem:$0x8800] =	vst v63  }
0xb4: {  	s14 =	simm.s32 $0x6400;
	s16 =	sld [smem:$0x7F2]  }
0xb5: {  	[tilespmem:s14], [sflag:$0x1] =	stream.linear.gather [hbm4b:s13+s3], $0x200, $0x38;
	[tilespmem:$0x8800] =	vst v63  }
0xb6: {  	s17 =	simm.s32 $0x3200;
	s14 =	sld [smem:$0x7F5]  }
0xb7: {  	[tilespmem:s17], [sflag:$0x1] =	stream.linear.gather [hbm4b:s16+s3], $0x200, $0x38;
	[tilespmem:$0x8800] =	vst v63  }
0xb8: {  	[smem:$0x7D0] =	sst s12;
	s16 =	simm.s32 $0x6600;
	s17 =	simm.s32 $0x1  }
0xb9: {  	[tilespmem:s16], [sflag:$0x1] =	stream.linear.gather [hbm4b:s14+s3], $0x200, $0x38;
	[tilespmem:$0x8800] =	vst v63  }
0xba: {  	_ =	swait.ge [sflag:s17], $0x3400  }
0xbb: {  	[sflag:s17] =	ssyncset.done $0x0  }
0xbc: {  	[sflag:s17] =	ssyncadd.s32 $0xFFFFCC00  }
0xbd: {  	_ =	swait.ge [sflag:s17], $0x3400  }
0xbe: {  	[sflag:s17] =	ssyncset.done $0x0  }
0xbf: {  	s12 =	simm.s32 $0x0;
	[sflag:s17] =	ssyncadd.s32 $0xFFFFCC00  }
.LBB2_2:
0xc0: {  	s14 =	sld [smem:$0x7E6];
	_ =	sdelay $0x1  }
0xc1: {  	s13 =	sshll.u32 s12, $0x9;
	s17 =	sld [smem:$0x7E8]  }
0xc2: {  	[tilespmem:s6], [sflag:$0x2] =	stream.indirect.gather [hbm4b:s14+s24], $0x1, s13, s24, $0xb8;
	[tilespmem:$0x8800] =	vst v63  }
0xc3: {  	s16 =	sld [smem:$0x7E9]  }
0xc4: {  	[tilespmem:s9], [sflag:$0x2] =	stream.indirect.gather [hbm4b:s17+s24], $0x1, s13, s24, $0xb8;
	[tilespmem:$0x8800] =	vst v63  }
0xc5: {  	s17 =	sld [smem:$0x7EA]  }
0xc6: {  	[tilespmem:s15], [sflag:$0x2] =	stream.indirect.gather [hbm4b:s16+s24], $0x1, s13, s24, $0xb8;
	[tilespmem:$0x8800] =	vst v63  }
0xc7: {  	s16 =	sld [smem:$0x7EB]  }
0xc8: {  	[tilespmem:s1], [sflag:$0x2] =	stream.indirect.gather [hbm4b:s17+s24], $0x1, s13, s24, $0xb8;
	[tilespmem:$0x8800] =	vst v63  }
0xc9: {  	s17 =	sld [smem:$0x7EC]  }
0xca: {  	[tilespmem:s2], [sflag:$0x2] =	stream.indirect.gather [hbm4b:s16+s24], $0x1, s13, s24, $0xb8;
	[tilespmem:$0x8800] =	vst v63  }
0xcb: {  	s16 =	sld [smem:$0x7ED]  }
0xcc: {  	[tilespmem:s23], [sflag:$0x2] =	stream.indirect.gather [hbm4b:s17+s24], $0x1, s13, s24, $0xb8;
	[tilespmem:$0x8800] =	vst v63  }
0xcd: {  	s17 =	sld [smem:$0x7EE]  }
0xce: {  	[tilespmem:s25], [sflag:$0x2] =	stream.indirect.gather [hbm4b:s16+s24], $0x1, s13, s24, $0xb8;
	[tilespmem:$0x8800] =	vst v63  }
0xcf: {  	s16 =	sld [smem:$0x7F8]  }
0xd0: {  	[tilespmem:s26], [sflag:$0x2] =	stream.indirect.gather [hbm4b:s17+s24], $0x1, s13, s24, $0xb8;
	[tilespmem:$0x8800] =	vst v63  }
0xd1: {  	s17 =	sld [smem:$0x7F0]  }
0xd2: {  	[tilespmem:s28], [sflag:$0x2] =	stream.indirect.gather [hbm4b:s16+s24], $0x1, s13, s24, $0xb8;
	[tilespmem:$0x8800] =	vst v63  }
0xd3: {  	s16 =	sld [smem:$0x7F1]  }
0xd4: {  	[tilespmem:s29], [sflag:$0x2] =	stream.indirect.gather [hbm4b:s17+s24], $0x1, s13, s24, $0xb8;
	[tilespmem:$0x8800] =	vst v63  }
0xd5: {  	s17 =	sld [smem:$0x7F3]  }
0xd6: {  	[tilespmem:s30], [sflag:$0x2] =	stream.indirect.gather [hbm4b:s16+s24], $0x1, s13, s24, $0xb8;
	[tilespmem:$0x8800] =	vst v63  }
0xd7: {  	s16 =	sld [smem:$0x7F4]  }
0xd8: {  	[tilespmem:s31], [sflag:$0x2] =	stream.indirect.gather [hbm4b:s17+s24], $0x1, s13, s24, $0xb8;
	[tilespmem:$0x8800] =	vst v63  }
0xd9: {  	s17 =	sld [smem:$0x7F6]  }
0xda: {  	[tilespmem:s0], [sflag:$0x2] =	stream.indirect.gather [hbm4b:s16+s24], $0x1, s13, s24, $0xb8;
	[tilespmem:$0x8800] =	vst v63  }
0xdb: {  	s16 =	sld [smem:$0x7F7]  }
0xdc: {  	[tilespmem:s4], [sflag:$0x2] =	stream.indirect.gather [hbm4b:s17+s24], $0x1, s13, s24, $0xb8;
	[tilespmem:$0x8800] =	vst v63  }
0xdd: {  	s17 =	sld [smem:$0x7F9]  }
0xde: {  	[tilespmem:s5], [sflag:$0x2] =	stream.indirect.gather [hbm4b:s16+s24], $0x1, s13, s24, $0xb8;
	[tilespmem:$0x8800] =	vst v63  }
0xdf: {  	_ = 	snop  }
0xe0: {  	[tilespmem:s7], [sflag:$0x2] =	stream.indirect.gather [hbm4b:s17+s24], $0x1, s13, s24, $0xb8;
	[tilespmem:$0x8800] =	vst v63  }
0xe1: {  	_ =	swait.ge [sflag:s8], $0x200  }
0xe2: {  	[sflag:s8] =	ssyncset.done $0x0  }
0xe3: {  	[sflag:s8] =	ssyncadd.s32 $0xFFFFFE00  }
0xe4: {  	_ =	swait.ge [sflag:s8], $0x200  }
0xe5: {  	[sflag:s8] =	ssyncset.done $0x0  }
0xe6: {  	[sflag:s8] =	ssyncadd.s32 $0xFFFFFE00  }
0xe7: {  	_ =	swait.ge [sflag:s8], $0x200  }
0xe8: {  	[sflag:s8] =	ssyncset.done $0x0  }
0xe9: {  	[sflag:s8] =	ssyncadd.s32 $0xFFFFFE00  }
0xea: {  	_ =	swait.ge [sflag:s8], $0x200  }
0xeb: {  	[sflag:s8] =	ssyncset.done $0x0  }
0xec: {  	[sflag:s8] =	ssyncadd.s32 $0xFFFFFE00  }
0xed: {  	_ =	swait.ge [sflag:s8], $0x200  }
0xee: {  	[sflag:s8] =	ssyncset.done $0x0  }
0xef: {  	[sflag:s8] =	ssyncadd.s32 $0xFFFFFE00  }
0xf0: {  	_ =	swait.ge [sflag:s8], $0x200  }
0xf1: {  	[sflag:s8] =	ssyncset.done $0x0  }
0xf2: {  	[sflag:s8] =	ssyncadd.s32 $0xFFFFFE00  }
0xf3: {  	_ =	swait.ge [sflag:s8], $0x200  }
0xf4: {  	[sflag:s8] =	ssyncset.done $0x0  }
0xf5: {  	[sflag:s8] =	ssyncadd.s32 $0xFFFFFE00  }
0xf6: {  	_ =	swait.ge [sflag:s8], $0x200  }
0xf7: {  	[sflag:s8] =	ssyncset.done $0x0  }
0xf8: {  	[sflag:s8] =	ssyncadd.s32 $0xFFFFFE00  }
0xf9: {  	_ =	swait.ge [sflag:s8], $0x200  }
0xfa: {  	[sflag:s8] =	ssyncset.done $0x0  }
0xfb: {  	[sflag:s8] =	ssyncadd.s32 $0xFFFFFE00  }
0xfc: {  	_ =	swait.ge [sflag:s8], $0x200  }
0xfd: {  	[sflag:s8] =	ssyncset.done $0x0  }
0xfe: {  	[sflag:s8] =	ssyncadd.s32 $0xFFFFFE00  }
0xff: {  	_ =	swait.ge [sflag:s8], $0x200  }
0x100: {  	[sflag:s8] =	ssyncset.done $0x0  }
0x101: {  	[sflag:s8] =	ssyncadd.s32 $0xFFFFFE00  }
0x102: {  	_ =	swait.ge [sflag:s8], $0x200  }
0x103: {  	[sflag:s8] =	ssyncset.done $0x0  }
0x104: {  	[sflag:s8] =	ssyncadd.s32 $0xFFFFFE00  }
0x105: {  	_ =	swait.ge [sflag:s8], $0x200  }
0x106: {  	[sflag:s8] =	ssyncset.done $0x0  }
0x107: {  	[sflag:s8] =	ssyncadd.s32 $0xFFFFFE00  }
0x108: {  	_ =	swait.ge [sflag:s8], $0x200  }
0x109: {  	[sflag:s8] =	ssyncset.done $0x0  }
0x10a: {  	[sflag:s8] =	ssyncadd.s32 $0xFFFFFE00  }
0x10b: {  	_ =	swait.ge [sflag:s8], $0x200  }
0x10c: {  	[sflag:s8] =	ssyncset.done $0x0  }
0x10d: {  	[sflag:s8] =	ssyncadd.s32 $0xFFFFFE00  }
0x10e: {  	_ =	swait.ge [sflag:s8], $0x200  }
0x10f: {  	[sflag:s8] =	ssyncset.done $0x0  }
0x110: {  	s13 =	simm.s32 $0x0;
	[sflag:s8] =	ssyncadd.s32 $0xFFFFFE00  }
0x111: {  	v7 =	vld [tilespmem:s13+$0x6E00]  }
0x112: {  	v8 =	vld [tilespmem:s13+$0x7400]  }
0x113: {  	v5 =	vld [tilespmem:s13+$0x7000]  }
0x114: {  	v0 =	vmov s11;
	v6 =	vld [tilespmem:s13+$0x8600]  }
0x115: {  	v2 =	vld [tilespmem:s13+$0x7E00]  }
0x116: {  	v4 =	vld [tilespmem:s13+$0x6C00]  }
0x117: {  	v1 =	vld [tilespmem:s13+$0x6800]  }
0x118: {  	s14 =	simm.s32 $0x40;
	v3 =	vld [tilespmem:s13+$0x6A00]  }
.LBB2_3:
0x119: {  	p0 =	sne.s32 s14, $0x7C0;
	v9 =	vld.idx.msk [tilespmem:v0+s13+$0x0 ss:$0x1], $0xffff;
	s16 =	smov.u32 s14;
	s14 =	sadd.s32 $0x40, s14  }
0x11a: {  	v10 =	vld [tilespmem:s13+$0x7200]  }
0x11b: {  	v11 =	vld [tilespmem:s13+$0x7800]  }
0x11c: {  	v12 =	vld [tilespmem:s13+$0x7A00]  }
0x11d: {  	v13 =	vld [tilespmem:s13+$0x8000]  }
0x11e: {  	v14 =	vld [tilespmem:s13+$0x8200]  }
0x11f: {  	v7 =	vmul.f32 v7, v9;
	v8 =	vmul.f32 v8, v9;
	v15 =	vld [tilespmem:s13+$0x7600]  }
0x120: {  	v5 =	vmul.f32 v5, v9;
	v6 =	vmul.f32 v6, v9;
	v16 =	vld [tilespmem:s13+$0x8400]  }
0x121: {  	v4 =	vmul.f32 v4, v9;
	v2 =	vmul.f32 v2, v9;
	[tilespmem:s13+$0x6E00] =	vst v7;
	v7 =	vld [tilespmem:s13+$0x7C00]  }
0x122: {  	v12 =	vmul.f32 v12, v9;
	[tilespmem:s13+$0x7400] =	vst v8;
	v8 =	vmul.f32 v13, v9  }
0x123: {  	v1 =	vmul.f32 v1, v9;
	[tilespmem:s13+$0x7000] =	vst v5;
	v5 =	vmul.f32 v14, v9  }
0x124: {  	v11 =	vmul.f32 v11, v9;
	v13 =	vmul.f32 v15, v9;
	[tilespmem:s13+$0x8600] =	vst v6  }
0x125: {  	v3 =	vmul.f32 v3, v9;
	[tilespmem:s13+$0x8200] =	vst v5;
	v14 =	vmul.f32 v16, v9  }
0x126: {  	v10 =	vmul.f32 v10, v9;
	[tilespmem:s13+$0x7600] =	vst v13;
	v9 =	vmul.f32 v7, v9  }
0x127: {  	[tilespmem:s13+$0x6A00] =	vst v3  }
0x128: {  	s16 =	sshra.s32 s16, $0x2;
	[tilespmem:s13+$0x7E00] =	vst v2  }
0x129: {  	v7 =	vld [tilespmem:s16+$0x6E00];
	[tilespmem:s13+$0x8000] =	vst v8  }
0x12a: {  	v8 =	vld [tilespmem:s16+$0x7400];
	[tilespmem:s13+$0x6C00] =	vst v4  }
0x12b: {  	v5 =	vld [tilespmem:s16+$0x7000];
	[tilespmem:s13+$0x7A00] =	vst v12  }
.Ltmp0:
0x12c: {  	v6 =	vld [tilespmem:s16+$0x8600];
	[tilespmem:s13+$0x6800] =	vst v1;
	(pc) =	sbr.rel @p0 .LBB2_3-.Ltmp0, $4  }
0x12d: {  	v2 =	vld [tilespmem:s16+$0x7E00];
	[tilespmem:s13+$0x8400] =	vst v14  }
0x12e: {  	v4 =	vld [tilespmem:s16+$0x6C00];
	[tilespmem:s13+$0x7200] =	vst v10  }
0x12f: {  	v1 =	vld [tilespmem:s16+$0x6800];
	[tilespmem:s13+$0x7C00] =	vst v9  }
0x130: {  	v3 =	vld [tilespmem:s16+$0x6A00];
	[tilespmem:s13+$0x7800] =	vst v11;
	s13 =	smov.u32 s16  }
0x131: {  	_ =	sdelay $0x3  }
0x132: {  	v0 =	vld.idx.msk [tilespmem:v0+s13+$0x0 ss:$0x1], $0xffff;
	_ =	sdelay $0x3  }
0x133: {  	v13 =	vld [tilespmem:s13+$0x8200]  }
0x134: {  	v14 =	vld [tilespmem:s13+$0x7600];
	v7 =	vmul.f32 v7, v0  }
0x135: {  	v8 =	vmul.f32 v8, v0  }
0x136: {  	v5 =	vmul.f32 v5, v0;
	[tilespmem:s13+$0x6E00] =	vst v7  }
0x137: {  	v12 =	vld [tilespmem:s13+$0x8000];
	v6 =	vmul.f32 v6, v0;
	[tilespmem:s13+$0x7400] =	vst v8  }
0x138: {  	v56 =	vmul.f32 v13, v0;
	[tilespmem:s13+$0x7000] =	vst v5  }
0x139: {  	v11 =	vld [tilespmem:s13+$0x7A00];
	v57 =	vmul.f32 v14, v0;
	[tilespmem:s13+$0x8600] =	vst v6  }
0x13a: {  	v3 =	vmul.f32 v3, v0;
	[tilespmem:s13+$0x8200] =	vst v56  }
0x13b: {  	v15 =	vld [tilespmem:s13+$0x8400];
	v2 =	vmul.f32 v2, v0;
	[tilespmem:s13+$0x7600] =	vst v57  }
0x13c: {  	v9 =	vld [tilespmem:s13+$0x7200];
	v58 =	vmul.f32 v12, v0;
	[tilespmem:s13+$0x6A00] =	vst v3  }
0x13d: {  	v55 =	vld [tilespmem:s13+$0x7C00];
	v59 =	vmul.f32 v4, v0;
	[tilespmem:s13+$0x7E00] =	vst v2  }
0x13e: {  	v10 =	vld [tilespmem:s13+$0x7800];
	v60 =	vmul.f32 v11, v0;
	[tilespmem:s13+$0x8000] =	vst v58  }
0x13f: {  	v1 =	vmul.f32 v1, v0;
	[tilespmem:s13+$0x6C00] =	vst v59  }
0x140: {  	v61 =	vmul.f32 v15, v0;
	[tilespmem:s13+$0x7A00] =	vst v60  }
0x141: {  	s16 =	sld [smem:$0x7FA];
	v62 =	vmul.f32 v9, v0;
	[tilespmem:s13+$0x6800] =	vst v1  }
0x142: {  	v63 =	vmul.f32 v55, v0;
	[tilespmem:s13+$0x8400] =	vst v61  }
0x143: {  	s14 =	sshll.u32 s12, $0xF;
	v0 =	vmul.f32 v10, v0;
	[tilespmem:s13+$0x7200] =	vst v62  }
0x144: {  	s14 =	sor.u32 s16, s14;
	s16 =	rddreg [dreg:$0x3];
	[tilespmem:s13+$0x7C00] =	vst v63  }
0x145: {  	[tilespmem:s13+$0x7800] =	vst v0;
	s13 =	sadd.s32 s16, s14  }
0x146: {  	[hbm4b:s13+s3] =	stream.linear.scatter [tilespmem:s6], [sflag:$0x3], $0x80, $0x38;
	[tilespmem:$0x8800] =	vst v63  }
0x147: {  	s17 =	sadd.s32 $0x10, s13  }
0x148: {  	[hbm4b:s17+s3] =	stream.linear.scatter [tilespmem:s9], [sflag:$0x3], $0x80, $0x38;
	[tilespmem:$0x8800] =	vst v63  }
0x149: {  	s17 =	sadd.s32 $0x20, s13  }
0x14a: {  	[hbm4b:s17+s3] =	stream.linear.scatter [tilespmem:s15], [sflag:$0x3], $0x80, $0x38;
	[tilespmem:$0x8800] =	vst v63  }
0x14b: {  	s17 =	sadd.s32 $0x30, s13  }
0x14c: {  	[hbm4b:s17+s3] =	stream.linear.scatter [tilespmem:s1], [sflag:$0x3], $0x80, $0x38;
	[tilespmem:$0x8800] =	vst v63  }
0x14d: {  	s17 =	sadd.s32 $0x40, s13  }
0x14e: {  	[hbm4b:s17+s3] =	stream.linear.scatter [tilespmem:s2], [sflag:$0x3], $0x80, $0x38;
	[tilespmem:$0x8800] =	vst v63  }
0x14f: {  	s17 =	sadd.s32 $0x50, s13  }
0x150: {  	[hbm4b:s17+s3] =	stream.linear.scatter [tilespmem:s23], [sflag:$0x3], $0x80, $0x38;
	[tilespmem:$0x8800] =	vst v63  }
0x151: {  	s16 =	sld [smem:$0x7FC];
	s17 =	sadd.s32 $0x60, s13  }
0x152: {  	[hbm4b:s17+s3] =	stream.linear.scatter [tilespmem:s25], [sflag:$0x3], $0x80, $0x38;
	[tilespmem:$0x8800] =	vst v63  }
0x153: {  	s13 =	sadd.s32 $0x70, s13  }
0x154: {  	[hbm4b:s13+s3] =	stream.linear.scatter [tilespmem:s26], [sflag:$0x3], $0x80, $0x38;
	[tilespmem:$0x8800] =	vst v63  }
0x155: {  	s17 =	simm.s32 $0x6880;
	s13 =	sadd.s32 s14, s16  }
0x156: {  	[hbm4b:s13+s3] =	stream.linear.scatter [tilespmem:s17], [sflag:$0x3], $0x80, $0x38;
	[tilespmem:$0x8800] =	vst v63  }
0x157: {  	s16 =	sadd.s32 $0x10, s13;
	s17 =	simm.s32 $0x6A80  }
0x158: {  	[hbm4b:s16+s3] =	stream.linear.scatter [tilespmem:s17], [sflag:$0x3], $0x80, $0x38;
	[tilespmem:$0x8800] =	vst v63  }
0x159: {  	s16 =	sadd.s32 $0x20, s13;
	s17 =	simm.s32 $0x6C80  }
0x15a: {  	[hbm4b:s16+s3] =	stream.linear.scatter [tilespmem:s17], [sflag:$0x3], $0x80, $0x38;
	[tilespmem:$0x8800] =	vst v63  }
0x15b: {  	s16 =	sadd.s32 $0x30, s13;
	s17 =	simm.s32 $0x6E80  }
0x15c: {  	[hbm4b:s16+s3] =	stream.linear.scatter [tilespmem:s17], [sflag:$0x3], $0x80, $0x38;
	[tilespmem:$0x8800] =	vst v63  }
0x15d: {  	s16 =	sadd.s32 $0x40, s13;
	s17 =	simm.s32 $0x7080  }
0x15e: {  	[hbm4b:s16+s3] =	stream.linear.scatter [tilespmem:s17], [sflag:$0x3], $0x80, $0x38;
	[tilespmem:$0x8800] =	vst v63  }
0x15f: {  	s16 =	sadd.s32 $0x50, s13;
	s17 =	simm.s32 $0x7280  }
0x160: {  	[hbm4b:s16+s3] =	stream.linear.scatter [tilespmem:s17], [sflag:$0x3], $0x80, $0x38;
	[tilespmem:$0x8800] =	vst v63  }
0x161: {  	s16 =	sadd.s32 $0x60, s13;
	s17 =	simm.s32 $0x7480  }
0x162: {  	[hbm4b:s16+s3] =	stream.linear.scatter [tilespmem:s17], [sflag:$0x3], $0x80, $0x38;
	[tilespmem:$0x8800] =	vst v63  }
0x163: {  	s16 =	sld [smem:$0x7FD]  }
0x164: {  	s13 =	sadd.s32 $0x70, s13;
	s17 =	simm.s32 $0x7680  }
0x165: {  	[hbm4b:s13+s3] =	stream.linear.scatter [tilespmem:s17], [sflag:$0x3], $0x80, $0x38;
	[tilespmem:$0x8800] =	vst v63  }
0x166: {  	s17 =	simm.s32 $0x6900;
	s13 =	sadd.s32 s14, s16  }
0x167: {  	[hbm4b:s13+s3] =	stream.linear.scatter [tilespmem:s17], [sflag:$0x3], $0x80, $0x38;
	[tilespmem:$0x8800] =	vst v63  }
0x168: {  	s16 =	sadd.s32 $0x10, s13;
	s17 =	simm.s32 $0x6B00  }
0x169: {  	[hbm4b:s16+s3] =	stream.linear.scatter [tilespmem:s17], [sflag:$0x3], $0x80, $0x38;
	[tilespmem:$0x8800] =	vst v63  }
0x16a: {  	s16 =	sadd.s32 $0x20, s13;
	s17 =	simm.s32 $0x6D00  }
0x16b: {  	[hbm4b:s16+s3] =	stream.linear.scatter [tilespmem:s17], [sflag:$0x3], $0x80, $0x38;
	[tilespmem:$0x8800] =	vst v63  }
0x16c: {  	s16 =	sadd.s32 $0x30, s13;
	s17 =	simm.s32 $0x6F00  }
0x16d: {  	[hbm4b:s16+s3] =	stream.linear.scatter [tilespmem:s17], [sflag:$0x3], $0x80, $0x38;
	[tilespmem:$0x8800] =	vst v63  }
0x16e: {  	s16 =	sadd.s32 $0x40, s13;
	s17 =	simm.s32 $0x7100  }
0x16f: {  	[hbm4b:s16+s3] =	stream.linear.scatter [tilespmem:s17], [sflag:$0x3], $0x80, $0x38;
	[tilespmem:$0x8800] =	vst v63  }
0x170: {  	s16 =	sadd.s32 $0x50, s13;
	s17 =	simm.s32 $0x7300  }
0x171: {  	[hbm4b:s16+s3] =	stream.linear.scatter [tilespmem:s17], [sflag:$0x3], $0x80, $0x38;
	[tilespmem:$0x8800] =	vst v63  }
0x172: {  	s16 =	sadd.s32 $0x60, s13;
	s17 =	simm.s32 $0x7500  }
0x173: {  	[hbm4b:s16+s3] =	stream.linear.scatter [tilespmem:s17], [sflag:$0x3], $0x80, $0x38;
	[tilespmem:$0x8800] =	vst v63  }
0x174: {  	s13 =	sadd.s32 $0x70, s13;
	s17 =	simm.s32 $0x7700  }
0x175: {  	[hbm4b:s13+s3] =	stream.linear.scatter [tilespmem:s17], [sflag:$0x3], $0x80, $0x38;
	[tilespmem:$0x8800] =	vst v63  }
0x176: {  	s13 =	sadd.s32 s14, s18;
	s17 =	simm.s32 $0x6980  }
0x177: {  	[hbm4b:s13+s3] =	stream.linear.scatter [tilespmem:s17], [sflag:$0x3], $0x80, $0x38;
	[tilespmem:$0x8800] =	vst v63  }
0x178: {  	s16 =	sadd.s32 $0x10, s13;
	s17 =	simm.s32 $0x6B80  }
0x179: {  	[hbm4b:s16+s3] =	stream.linear.scatter [tilespmem:s17], [sflag:$0x3], $0x80, $0x38;
	[tilespmem:$0x8800] =	vst v63  }
0x17a: {  	s16 =	sadd.s32 $0x20, s13;
	s17 =	simm.s32 $0x6D80  }
0x17b: {  	[hbm4b:s16+s3] =	stream.linear.scatter [tilespmem:s17], [sflag:$0x3], $0x80, $0x38;
	[tilespmem:$0x8800] =	vst v63  }
0x17c: {  	s16 =	sadd.s32 $0x30, s13;
	s17 =	simm.s32 $0x6F80  }
0x17d: {  	[hbm4b:s16+s3] =	stream.linear.scatter [tilespmem:s17], [sflag:$0x3], $0x80, $0x38;
	[tilespmem:$0x8800] =	vst v63  }
0x17e: {  	s16 =	sadd.s32 $0x40, s13;
	s17 =	simm.s32 $0x7180  }
0x17f: {  	[hbm4b:s16+s3] =	stream.linear.scatter [tilespmem:s17], [sflag:$0x3], $0x80, $0x38;
	[tilespmem:$0x8800] =	vst v63  }
0x180: {  	s16 =	sadd.s32 $0x50, s13;
	s17 =	simm.s32 $0x7380  }
0x181: {  	[hbm4b:s16+s3] =	stream.linear.scatter [tilespmem:s17], [sflag:$0x3], $0x80, $0x38;
	[tilespmem:$0x8800] =	vst v63  }
0x182: {  	s16 =	sadd.s32 $0x60, s13;
	s17 =	simm.s32 $0x7580  }
0x183: {  	[hbm4b:s16+s3] =	stream.linear.scatter [tilespmem:s17], [sflag:$0x3], $0x80, $0x38;
	[tilespmem:$0x8800] =	vst v63  }
0x184: {  	s13 =	sadd.s32 $0x70, s13;
	s17 =	simm.s32 $0x7780  }
0x185: {  	[hbm4b:s13+s3] =	stream.linear.scatter [tilespmem:s17], [sflag:$0x3], $0x80, $0x38;
	[tilespmem:$0x8800] =	vst v63  }
0x186: {  	s13 =	sadd.s32 s14, s19  }
0x187: {  	[hbm4b:s13+s3] =	stream.linear.scatter [tilespmem:s28], [sflag:$0x3], $0x80, $0x38;
	[tilespmem:$0x8800] =	vst v63  }
0x188: {  	s17 =	sadd.s32 $0x10, s13  }
0x189: {  	[hbm4b:s17+s3] =	stream.linear.scatter [tilespmem:s29], [sflag:$0x3], $0x80, $0x38;
	[tilespmem:$0x8800] =	vst v63  }
0x18a: {  	s17 =	sadd.s32 $0x20, s13  }
0x18b: {  	[hbm4b:s17+s3] =	stream.linear.scatter [tilespmem:s30], [sflag:$0x3], $0x80, $0x38;
	[tilespmem:$0x8800] =	vst v63  }
0x18c: {  	s17 =	sadd.s32 $0x30, s13  }
0x18d: {  	[hbm4b:s17+s3] =	stream.linear.scatter [tilespmem:s31], [sflag:$0x3], $0x80, $0x38;
	[tilespmem:$0x8800] =	vst v63  }
0x18e: {  	s17 =	sadd.s32 $0x40, s13  }
0x18f: {  	[hbm4b:s17+s3] =	stream.linear.scatter [tilespmem:s0], [sflag:$0x3], $0x80, $0x38;
	[tilespmem:$0x8800] =	vst v63  }
0x190: {  	s17 =	sadd.s32 $0x50, s13  }
0x191: {  	[hbm4b:s17+s3] =	stream.linear.scatter [tilespmem:s4], [sflag:$0x3], $0x80, $0x38;
	[tilespmem:$0x8800] =	vst v63  }
0x192: {  	s17 =	sadd.s32 $0x60, s13  }
0x193: {  	[hbm4b:s17+s3] =	stream.linear.scatter [tilespmem:s5], [sflag:$0x3], $0x80, $0x38;
	[tilespmem:$0x8800] =	vst v63  }
0x194: {  	s13 =	sadd.s32 $0x70, s13  }
0x195: {  	[hbm4b:s13+s3] =	stream.linear.scatter [tilespmem:s7], [sflag:$0x3], $0x80, $0x38;
	[tilespmem:$0x8800] =	vst v63  }
0x196: {  	s17 =	simm.s32 $0x7880;
	s13 =	sadd.s32 s14, s20  }
0x197: {  	[hbm4b:s13+s3] =	stream.linear.scatter [tilespmem:s17], [sflag:$0x3], $0x80, $0x38;
	[tilespmem:$0x8800] =	vst v63  }
0x198: {  	s16 =	sadd.s32 $0x10, s13;
	s17 =	simm.s32 $0x7A80  }
0x199: {  	[hbm4b:s16+s3] =	stream.linear.scatter [tilespmem:s17], [sflag:$0x3], $0x80, $0x38;
	[tilespmem:$0x8800] =	vst v63  }
0x19a: {  	s16 =	sadd.s32 $0x20, s13;
	s17 =	simm.s32 $0x7C80  }
0x19b: {  	[hbm4b:s16+s3] =	stream.linear.scatter [tilespmem:s17], [sflag:$0x3], $0x80, $0x38;
	[tilespmem:$0x8800] =	vst v63  }
0x19c: {  	s16 =	sadd.s32 $0x30, s13;
	s17 =	simm.s32 $0x7E80  }
0x19d: {  	[hbm4b:s16+s3] =	stream.linear.scatter [tilespmem:s17], [sflag:$0x3], $0x80, $0x38;
	[tilespmem:$0x8800] =	vst v63  }
0x19e: {  	s16 =	sadd.s32 $0x40, s13;
	s17 =	simm.s32 $0x8080  }
0x19f: {  	[hbm4b:s16+s3] =	stream.linear.scatter [tilespmem:s17], [sflag:$0x3], $0x80, $0x38;
	[tilespmem:$0x8800] =	vst v63  }
0x1a0: {  	s16 =	sadd.s32 $0x50, s13;
	s17 =	simm.s32 $0x8280  }
0x1a1: {  	[hbm4b:s16+s3] =	stream.linear.scatter [tilespmem:s17], [sflag:$0x3], $0x80, $0x38;
	[tilespmem:$0x8800] =	vst v63  }
0x1a2: {  	s16 =	sadd.s32 $0x60, s13;
	s17 =	simm.s32 $0x8480  }
0x1a3: {  	[hbm4b:s16+s3] =	stream.linear.scatter [tilespmem:s17], [sflag:$0x3], $0x80, $0x38;
	[tilespmem:$0x8800] =	vst v63  }
0x1a4: {  	s13 =	sadd.s32 $0x70, s13;
	s17 =	simm.s32 $0x8680  }
0x1a5: {  	[hbm4b:s13+s3] =	stream.linear.scatter [tilespmem:s17], [sflag:$0x3], $0x80, $0x38;
	[tilespmem:$0x8800] =	vst v63  }
0x1a6: {  	s13 =	sadd.s32 s14, s21;
	s17 =	simm.s32 $0x7900  }
0x1a7: {  	[hbm4b:s13+s3] =	stream.linear.scatter [tilespmem:s17], [sflag:$0x3], $0x80, $0x38;
	[tilespmem:$0x8800] =	vst v63  }
0x1a8: {  	s16 =	sadd.s32 $0x10, s13;
	s17 =	simm.s32 $0x7B00  }
0x1a9: {  	[hbm4b:s16+s3] =	stream.linear.scatter [tilespmem:s17], [sflag:$0x3], $0x80, $0x38;
	[tilespmem:$0x8800] =	vst v63  }
0x1aa: {  	s16 =	sadd.s32 $0x20, s13;
	s17 =	simm.s32 $0x7D00  }
0x1ab: {  	[hbm4b:s16+s3] =	stream.linear.scatter [tilespmem:s17], [sflag:$0x3], $0x80, $0x38;
	[tilespmem:$0x8800] =	vst v63  }
0x1ac: {  	s16 =	sadd.s32 $0x30, s13;
	s17 =	simm.s32 $0x7F00  }
0x1ad: {  	[hbm4b:s16+s3] =	stream.linear.scatter [tilespmem:s17], [sflag:$0x3], $0x80, $0x38;
	[tilespmem:$0x8800] =	vst v63  }
0x1ae: {  	s16 =	sadd.s32 $0x40, s13;
	s17 =	simm.s32 $0x8100  }
0x1af: {  	[hbm4b:s16+s3] =	stream.linear.scatter [tilespmem:s17], [sflag:$0x3], $0x80, $0x38;
	[tilespmem:$0x8800] =	vst v63  }
0x1b0: {  	s16 =	sadd.s32 $0x50, s13;
	s17 =	simm.s32 $0x8300  }
0x1b1: {  	[hbm4b:s16+s3] =	stream.linear.scatter [tilespmem:s17], [sflag:$0x3], $0x80, $0x38;
	[tilespmem:$0x8800] =	vst v63  }
0x1b2: {  	s16 =	sadd.s32 $0x60, s13;
	s17 =	simm.s32 $0x8500  }
0x1b3: {  	[hbm4b:s16+s3] =	stream.linear.scatter [tilespmem:s17], [sflag:$0x3], $0x80, $0x38;
	[tilespmem:$0x8800] =	vst v63  }
0x1b4: {  	s13 =	sadd.s32 $0x70, s13;
	s17 =	simm.s32 $0x8700  }
0x1b5: {  	[hbm4b:s13+s3] =	stream.linear.scatter [tilespmem:s17], [sflag:$0x3], $0x80, $0x38;
	[tilespmem:$0x8800] =	vst v63  }
0x1b6: {  	s13 =	sadd.s32 s14, s22;
	s17 =	simm.s32 $0x7980  }
0x1b7: {  	[hbm4b:s13+s3] =	stream.linear.scatter [tilespmem:s17], [sflag:$0x3], $0x80, $0x38;
	[tilespmem:$0x8800] =	vst v63  }
0x1b8: {  	s16 =	sadd.s32 $0x10, s13;
	s17 =	simm.s32 $0x7B80  }
0x1b9: {  	[hbm4b:s16+s3] =	stream.linear.scatter [tilespmem:s17], [sflag:$0x3], $0x80, $0x38;
	[tilespmem:$0x8800] =	vst v63  }
0x1ba: {  	s16 =	sadd.s32 $0x20, s13;
	s17 =	simm.s32 $0x7D80  }
0x1bb: {  	[hbm4b:s16+s3] =	stream.linear.scatter [tilespmem:s17], [sflag:$0x3], $0x80, $0x38;
	[tilespmem:$0x8800] =	vst v63  }
0x1bc: {  	s16 =	sadd.s32 $0x30, s13;
	s17 =	simm.s32 $0x7F80  }
0x1bd: {  	[hbm4b:s16+s3] =	stream.linear.scatter [tilespmem:s17], [sflag:$0x3], $0x80, $0x38;
	[tilespmem:$0x8800] =	vst v63  }
0x1be: {  	s16 =	sadd.s32 $0x40, s13;
	s17 =	simm.s32 $0x8180  }
0x1bf: {  	[hbm4b:s16+s3] =	stream.linear.scatter [tilespmem:s17], [sflag:$0x3], $0x80, $0x38;
	[tilespmem:$0x8800] =	vst v63  }
0x1c0: {  	s16 =	sadd.s32 $0x50, s13;
	s17 =	simm.s32 $0x8380  }
0x1c1: {  	[hbm4b:s16+s3] =	stream.linear.scatter [tilespmem:s17], [sflag:$0x3], $0x80, $0x38;
	[tilespmem:$0x8800] =	vst v63  }
0x1c2: {  	s16 =	sadd.s32 $0x60, s13;
	s17 =	simm.s32 $0x8580  }
0x1c3: {  	[hbm4b:s16+s3] =	stream.linear.scatter [tilespmem:s17], [sflag:$0x3], $0x80, $0x38;
	[tilespmem:$0x8800] =	vst v63  }
0x1c4: {  	s13 =	sadd.s32 $0x70, s13;
	s17 =	simm.s32 $0x8780  }
0x1c5: {  	[hbm4b:s13+s3] =	stream.linear.scatter [tilespmem:s17], [sflag:$0x3], $0x80, $0x38;
	[tilespmem:$0x8800] =	vst v63  }
0x1c6: {  	_ =	swait.ge [sflag:s10], $0x400  }
0x1c7: {  	[sflag:s10] =	ssyncset.done $0x0  }
0x1c8: {  	[sflag:s10] =	ssyncadd.s32 $0xFFFFFC00  }
0x1c9: {  	_ =	swait.ge [sflag:s10], $0x400  }
0x1ca: {  	[sflag:s10] =	ssyncset.done $0x0  }
0x1cb: {  	[sflag:s10] =	ssyncadd.s32 $0xFFFFFC00  }
0x1cc: {  	_ =	swait.ge [sflag:s10], $0x400  }
0x1cd: {  	[sflag:s10] =	ssyncset.done $0x0  }
0x1ce: {  	[sflag:s10] =	ssyncadd.s32 $0xFFFFFC00  }
0x1cf: {  	_ =	swait.ge [sflag:s10], $0x400  }
0x1d0: {  	[sflag:s10] =	ssyncset.done $0x0  }
0x1d1: {  	[sflag:s10] =	ssyncadd.s32 $0xFFFFFC00  }
0x1d2: {  	_ =	swait.ge [sflag:s10], $0x400  }
0x1d3: {  	[sflag:s10] =	ssyncset.done $0x0  }
0x1d4: {  	[sflag:s10] =	ssyncadd.s32 $0xFFFFFC00  }
0x1d5: {  	_ =	swait.ge [sflag:s10], $0x400  }
0x1d6: {  	[sflag:s10] =	ssyncset.done $0x0  }
0x1d7: {  	s12 =	sadd.s32 $0x1, s12;
	[sflag:s10] =	ssyncadd.s32 $0xFFFFFC00  }
0x1d8: {  	p0 =	sne.s32 s12, $0x1A;
	_ =	swait.ge [sflag:s10], $0x400  }
.Ltmp1:
0x1d9: {  	[sflag:s10] =	ssyncset.done $0x0;
	(pc) =	sbr.rel @p0 .LBB2_2-.Ltmp1, $4  }
0x1da: {  	[sflag:s10] =	ssyncadd.s32 $0xFFFFFC00  }
0x1db: {  	_ =	swait.ge [sflag:s10], $0x400  }
0x1dc: {  	[sflag:s10] =	ssyncset.done $0x0  }
0x1dd: {  	s11 =	sadd.s32 $0x200, s11;
	[sflag:s10] =	ssyncadd.s32 $0xFFFFFC00  }
0x1de: {  	s12 =	sld [smem:$0x7D0]  }
0x1df: {  	s11 =	sld [smem:$0x7FB];
	_ =	sdelay $0x1  }
0x1e0: {  	s12 =	sadd.s32 $0x1, s12  }
0x1e1: {  	p0 =	sne.s32 s12, s11  }
.Ltmp2:
0x1e2: {  	_ = 	snop;
	(pc) =	sbr.rel @p0 .LBB2_1-.Ltmp2, $1  }
0x1e3: {  	_ =	sdelay $0x3  }
0x1e4: {  	_ =	sfence.sel $0x180000  }
0x1e5: {  	[bflag:$0x0] =	sbarrier.arrive $0xFFFF  }
0x1e6: {  	_ =	strace $0x90000047  }
0x1e7: {  	s0 =	stileid.u32;
	[bflag:$0x2] =	sbarrier.arrive $0xFFFF  }
0x1e8: {  	p0 =	sne.s32 s0, $0x0;
	s0 =	rddreg [dreg:$0x4]  }
0x1e9: {  	s0 =	sadd.s32 @!p0 $0x100000, s0  }
0x1ea: {  	[sflag:s0] =	ssyncadd.tile.s32 @!p0 $0x1;
	_ =	shalt  }
.Lfunc_end2:
_tile_overlayer_lowered:
.L_overlay_start_2:
0x1eb: {  	(tag) =	ssettag $0x2  }
0x1ec: {  	s0 =	rddreg [dreg:$0x0];
	s2 =	stileid.u32  }
0x1ed: {  	s1 =	rddreg [dreg:$0x1];
	p0 =	sne.s32 s2, $0x0  }
0x1ee: {  	s3 =	rddreg [dreg:$0x2];
	[bflag:$0x3] =	sbarrier.arrive $0xFFFF;
	s2 =	simm.s32 @!p0 $0x1C04  }
0x1ef: {  	[timem:s3], [sflag:s2] =	dma.local @!p0 [hbm:s0], s1  }
0x1f0: {  	s0 =	simm.s32 @!p0 $0x4  }
0x1f1: {  	_ =	swait.ge @!p0 [sflag:s0], s1  }
0x1f2: {  	s1 =	ssub.s32 @!p0 $0x0, s1;
	[sflag:s0] =	ssyncset.done @!p0 $0x0  }
0x1f3: {  	[sflag:s0] =	ssyncadd.s32 @!p0 s1  }
0x1f4: {  	[bflag:$0x3] =	sbarrier.arrive $0xFFFF  }
0x1f5: {  	_ =	shalt  }

</sc_bundles>
